<compile_context>
chip_gen: v7x
topology: tpu7x:2x2x1
jax: 0.10.2.dev20260603
libtpu: 0.0.44.dev20260713+nightly
codegen_flags: <defaults>
</compile_context>

<pallas_src>
import functools

import jax
import jax.numpy as jnp
from jax import lax
from jax.experimental import pallas as pl
from jax.experimental.pallas import tpu as pltpu
from jax.experimental.pallas import tpu_sc as plsc

N = 16384
C = 1000
NW = 32
RPW = N // NW
CH = 16
NCH = RPW // CH
CFULL = (C // 16) * 16
CTAIL = C - CFULL


def _sc_body(idx_hbm, out_hbm, idx_v, buf0, buf1, sem):
    wid = lax.axis_index("s") * 2 + lax.axis_index("c")
    base_row = wid * RPW
    pltpu.sync_copy(idx_hbm.at[pl.ds(base_row, RPW)], idx_v)

    lanes = lax.iota(jnp.int32, 16)
    zeros = jnp.zeros((16,), jnp.float32)
    ones = jnp.ones((16,), jnp.float32)
    tail_mask = lanes < CTAIL

    for buf in (buf0, buf1):
        def _zero_row(r, _, buf=buf):
            for cc in range(CFULL // 16):
                buf[r, pl.ds(cc * 16, 16)] = zeros
            rows = jnp.full((16,), r, jnp.int32)
            plsc.store_scatter(buf, [rows, CFULL + lanes], zeros,
                               mask=tail_mask)
            return _
        lax.fori_loop(0, CH, _zero_row, 0)

    bufs = (buf0, buf1)
    copies = [None] * NCH
    for c in range(NCH):
        b = bufs[c % 2]
        cols = idx_v[pl.ds(c * CH, 16)]
        if c >= 2:
            copies[c - 2].wait()
            oldcols = idx_v[pl.ds((c - 2) * CH, 16)]
            plsc.store_scatter(b, [lanes, oldcols], zeros)
        plsc.store_scatter(b, [lanes, cols], ones)
        copies[c] = pltpu.async_copy(
            b, out_hbm.at[pl.ds(base_row + c * CH, CH)], sem.at[c % 2])
    copies[NCH - 2].wait()
    copies[NCH - 1].wait()


def kernel(inputs):
    idx = inputs.astype(jnp.int32)
    mesh = plsc.VectorSubcoreMesh(core_axis_name="c", subcore_axis_name="s")
    run = functools.partial(
        pl.kernel,
        mesh=mesh,
        out_type=jax.ShapeDtypeStruct((N, C), jnp.float32),
        scratch_types=[
            pltpu.VMEM((RPW,), jnp.int32),
            pltpu.VMEM((CH, C), jnp.float32),
            pltpu.VMEM((CH, C), jnp.float32),
            pltpu.SemaphoreType.DMA((2,)),
        ],
        compiler_params=pltpu.CompilerParams(needs_layout_passes=False),
    )(_sc_body)
    return run(idx)

# --- scband reference (transcript-rebuilt; emitter-appended) ---
"""Pipeline reference for scband-one-hot-categorical-input-45131516346400 (READ-ONLY COPY).

The authoritative reference and input builder live on the scoring server;
editing this copy changes nothing except your own understanding.
"""

import jax, jax.numpy as jnp
import numpy as np

NUM_CATEGORIES = 1000
ACTIVATION = 'sigmoid'

def setup_inputs(seed: int = 0) -> dict:
    key = jax.random.key(seed)
    inputs = jax.random.randint(key, (16384,), 0, NUM_CATEGORIES, dtype=jnp.int64 if jax.config.jax_enable_x64 else jnp.int32)
    return {"inputs": inputs}

def reference(inputs) -> jnp.ndarray:
    off_value = -1.0 if ACTIVATION == 'tanh' else 0.0
    on_value = 1.0
    # Faithful tf.one_hot translation: out-of-range indices produce all-off rows,
    # but randint guarantees in-range here.
    iota = jnp.arange(NUM_CATEGORIES, dtype=inputs.dtype)
    onehot = (inputs[:, None] == iota[None, :])
    out = jnp.where(onehot, jnp.float32(on_value), jnp.float32(off_value))
    return out

if __name__ == "__main__":
    import jax
    _d = setup_inputs()
    print(jax.jit(kernel)(*tuple(_d.values())))

</pallas_src>

<mosaic_0001>
#map = affine_map<(d0, d1) -> (0)>
#map1 = affine_map<(d0, d1) -> (0, 0)>
module attributes {stable_mosaic.version = 14 : i64} {
  func.func @_sc_body(%arg0: i32, %arg1: i32, %arg2: memref<16384xi32, #tpu.memory_space<hbm>>, %arg3: memref<16384x1000xf32, #tpu.memory_space<hbm>>, %arg4: memref<512xi32, #tpu.memory_space<vmem>>, %arg5: memref<16x1000xf32, #tpu.memory_space<vmem>>, %arg6: memref<16x1000xf32, #tpu.memory_space<vmem>>, %arg7: memref<2x!tpu.dma_semaphore, #tpu.memory_space<semaphore_mem>>) attributes {dimension_semantics = [#tpu.dimension_semantics<core_parallel>, #tpu.dimension_semantics<subcore_parallel>], iteration_bounds = array<i64: 2, 16>, scalar_prefetch = 0 : i64, scratch_operands = 4 : i64, tpu.core_type = #tpu.core_type<sc_vector_subcore>, window_params = [{transform_indices = #map}, {transform_indices = #map1}]} {
    %mul3A = arith.constant 2 : i32
    %mul3A_0 = arith.muli %arg1, %mul3A : i32
    %add3A = arith.addi %mul3A_0, %arg0 : i32
    %mul3A_1 = arith.constant 512 : i32
    %mul3A_2 = arith.muli %add3A, %mul3A_1 : i32
    "tpu.region"() ({
      %run_scoped3A = tpu.sem_alloc : memref<!tpu.dma_semaphore, #tpu.memory_space<semaphore_mem>>
      %dma_start3A_652 = tpu.memref_slice %arg2[%mul3A_2] : memref<16384xi32, #tpu.memory_space<hbm>> -> memref<512xi32, #tpu.memory_space<hbm>>
      %dma_start3A_653 = tpu.memref_slice %arg2[%mul3A_2] : memref<16384xi32, #tpu.memory_space<hbm>> -> memref<512xi32, #tpu.memory_space<hbm>>
      tpu.enqueue_dma source(%dma_start3A_653 : memref<512xi32, #tpu.memory_space<hbm>>) target(%arg4 : memref<512xi32, #tpu.memory_space<vmem>>) target_semaphore(%run_scoped3A : memref<!tpu.dma_semaphore, #tpu.memory_space<semaphore_mem>>)
      %dma_wait3A_654 = tpu.memref_slice %arg2[%mul3A_2] : memref<16384xi32, #tpu.memory_space<hbm>> -> memref<512xi32, #tpu.memory_space<hbm>>
      %dma_wait3A_655 = tpu.memref_slice %arg2[%mul3A_2] : memref<16384xi32, #tpu.memory_space<hbm>> -> memref<512xi32, #tpu.memory_space<hbm>>
      tpu.wait_dma2 semaphore(%run_scoped3A : memref<!tpu.dma_semaphore, #tpu.memory_space<semaphore_mem>>) src(%dma_wait3A_655 : memref<512xi32, #tpu.memory_space<hbm>>) dst(%arg4 : memref<512xi32, #tpu.memory_space<vmem>>)
      tpu.yield
    }) : () -> ()
    %iota3A = tpu.iota {dimensions = array<i32: 0>} : vector<16xi32>
    %broadcast_in_dim3A = arith.constant 0.000000e+00 : f32
    %broadcast_in_dim3A_3 = vector.broadcast %broadcast_in_dim3A : f32 to vector<16xf32>
    %broadcast_in_dim3A_4 = arith.constant 1.000000e+00 : f32
    %broadcast_in_dim3A_5 = vector.broadcast %broadcast_in_dim3A_4 : f32 to vector<16xf32>
    %lt3A = arith.constant 8 : i32
    %lt3A_6 = vector.broadcast %lt3A : i32 to vector<16xi32>
    %lt3A_7 = arith.cmpi slt, %iota3A, %lt3A_6 : vector<16xi32>
    %scan3A = arith.constant 0 : i32
    %scan3A_8 = arith.constant 0 : i32
    %scan3A_9 = arith.constant 16 : i32
    %scan3A_10 = arith.addi %scan3A_8, %scan3A_9 : i32
    %scan3A_11 = arith.constant 1 : i32
    scf.for %scan3A_652 = %scan3A_8 to %scan3A_10 step %scan3A_11  : i32 {
      %swap3A = arith.index_cast %scan3A_652 : i32 to index
      %swap3A_653 = arith.constant 0 : index
      %swap3A_654 = tpu.vector_load %arg5[%swap3A, %swap3A_653] {strides = array<i32>} : memref<16x1000xf32, #tpu.memory_space<vmem>>, vector<16xf32>,
      tpu.vector_store %arg5[%swap3A, %swap3A_653], %broadcast_in_dim3A_3 {strides = array<i32>} : memref<16x1000xf32, #tpu.memory_space<vmem>>, vector<16xf32>,
      %swap3A_655 = arith.index_cast %scan3A_652 : i32 to index
      %swap3A_656 = arith.constant 16 : index
      %swap3A_657 = tpu.vector_load %arg5[%swap3A_655, %swap3A_656] {strides = array<i32>} : memref<16x1000xf32, #tpu.memory_space<vmem>>, vector<16xf32>,
      tpu.vector_store %arg5[%swap3A_655, %swap3A_656], %broadcast_in_dim3A_3 {strides = array<i32>} : memref<16x1000xf32, #tpu.memory_space<vmem>>, vector<16xf32>,
      %swap3A_658 = arith.index_cast %scan3A_652 : i32 to index
      %swap3A_659 = arith.constant 32 : index
      %swap3A_660 = tpu.vector_load %arg5[%swap3A_658, %swap3A_659] {strides = array<i32>} : memref<16x1000xf32, #tpu.memory_space<vmem>>, vector<16xf32>,
      tpu.vector_store %arg5[%swap3A_658, %swap3A_659], %broadcast_in_dim3A_3 {strides = array<i32>} : memref<16x1000xf32, #tpu.memory_space<vmem>>, vector<16xf32>,
      %swap3A_661 = arith.index_cast %scan3A_652 : i32 to index
      %swap3A_662 = arith.constant 48 : index
      %swap3A_663 = tpu.vector_load %arg5[%swap3A_661, %swap3A_662] {strides = array<i32>} : memref<16x1000xf32, #tpu.memory_space<vmem>>, vector<16xf32>,
      tpu.vector_store %arg5[%swap3A_661, %swap3A_662], %broadcast_in_dim3A_3 {strides = array<i32>} : memref<16x1000xf32, #tpu.memory_space<vmem>>, vector<16xf32>,
      %swap3A_664 = arith.index_cast %scan3A_652 : i32 to index
      %swap3A_665 = arith.constant 64 : index
      %swap3A_666 = tpu.vector_load %arg5[%swap3A_664, %swap3A_665] {strides = array<i32>} : memref<16x1000xf32, #tpu.memory_space<vmem>>, vector<16xf32>,
      tpu.vector_store %arg5[%swap3A_664, %swap3A_665], %broadcast_in_dim3A_3 {strides = array<i32>} : memref<16x1000xf32, #tpu.memory_space<vmem>>, vector<16xf32>,
      %swap3A_667 = arith.index_cast %scan3A_652 : i32 to index
      %swap3A_668 = arith.constant 80 : index
      %swap3A_669 = tpu.vector_load %arg5[%swap3A_667, %swap3A_668] {strides = array<i32>} : memref<16x1000xf32, #tpu.memory_space<vmem>>, vector<16xf32>,
      tpu.vector_store %arg5[%swap3A_667, %swap3A_668], %broadcast_in_dim3A_3 {strides = array<i32>} : memref<16x1000xf32, #tpu.memory_space<vmem>>, vector<16xf32>,
      %swap3A_670 = arith.index_cast %scan3A_652 : i32 to index
      %swap3A_671 = arith.constant 96 : index
      %swap3A_672 = tpu.vector_load %arg5[%swap3A_670, %swap3A_671] {strides = array<i32>} : memref<16x1000xf32, #tpu.memory_space<vmem>>, vector<16xf32>,
      tpu.vector_store %arg5[%swap3A_670, %swap3A_671], %broadcast_in_dim3A_3 {strides = array<i32>} : memref<16x1000xf32, #tpu.memory_space<vmem>>, vector<16xf32>,
      %swap3A_673 = arith.index_cast %scan3A_652 : i32 to index
      %swap3A_674 = arith.constant 112 : index
      %swap3A_675 = tpu.vector_load %arg5[%swap3A_673, %swap3A_674] {strides = array<i32>} : memref<16x1000xf32, #tpu.memory_space<vmem>>, vector<16xf32>,
      tpu.vector_store %arg5[%swap3A_673, %swap3A_674], %broadcast_in_dim3A_3 {strides = array<i32>} : memref<16x1000xf32, #tpu.memory_space<vmem>>, vector<16xf32>,
      %swap3A_676 = arith.index_cast %scan3A_652 : i32 to index
      %swap3A_677 = arith.constant 128 : index
      %swap3A_678 = tpu.vector_load %arg5[%swap3A_676, %swap3A_677] {strides = array<i32>} : memref<16x1000xf32, #tpu.memory_space<vmem>>, vector<16xf32>,
      tpu.vector_store %arg5[%swap3A_676, %swap3A_677], %broadcast_in_dim3A_3 {strides = array<i32>} : memref<16x1000xf32, #tpu.memory_space<vmem>>, vector<16xf32>,
      %swap3A_679 = arith.index_cast %scan3A_652 : i32 to index
      %swap3A_680 = arith.constant 144 : index
      %swap3A_681 = tpu.vector_load %arg5[%swap3A_679, %swap3A_680] {strides = array<i32>} : memref<16x1000xf32, #tpu.memory_space<vmem>>, vector<16xf32>,
      tpu.vector_store %arg5[%swap3A_679, %swap3A_680], %broadcast_in_dim3A_3 {strides = array<i32>} : memref<16x1000xf32, #tpu.memory_space<vmem>>, vector<16xf32>,
      %swap3A_682 = arith.index_cast %scan3A_652 : i32 to index
      %swap3A_683 = arith.constant 160 : index
      %swap3A_684 = tpu.vector_load %arg5[%swap3A_682, %swap3A_683] {strides = array<i32>} : memref<16x1000xf32, #tpu.memory_space<vmem>>, vector<16xf32>,
      tpu.vector_store %arg5[%swap3A_682, %swap3A_683], %broadcast_in_dim3A_3 {strides = array<i32>} : memref<16x1000xf32, #tpu.memory_space<vmem>>, vector<16xf32>,
      %swap3A_685 = arith.index_cast %scan3A_652 : i32 to index
      %swap3A_686 = arith.constant 176 : index
      %swap3A_687 = tpu.vector_load %arg5[%swap3A_685, %swap3A_686] {strides = array<i32>} : memref<16x1000xf32, #tpu.memory_space<vmem>>, vector<16xf32>,
      tpu.vector_store %arg5[%swap3A_685, %swap3A_686], %broadcast_in_dim3A_3 {strides = array<i32>} : memref<16x1000xf32, #tpu.memory_space<vmem>>, vector<16xf32>,
      %swap3A_688 = arith.index_cast %scan3A_652 : i32 to index
      %swap3A_689 = arith.constant 192 : index
      %swap3A_690 = tpu.vector_load %arg5[%swap3A_688, %swap3A_689] {strides = array<i32>} : memref<16x1000xf32, #tpu.memory_space<vmem>>, vector<16xf32>,
      tpu.vector_store %arg5[%swap3A_688, %swap3A_689], %broadcast_in_dim3A_3 {strides = array<i32>} : memref<16x1000xf32, #tpu.memory_space<vmem>>, vector<16xf32>,
      %swap3A_691 = arith.index_cast %scan3A_652 : i32 to index
      %swap3A_692 = arith.constant 208 : index
      %swap3A_693 = tpu.vector_load %arg5[%swap3A_691, %swap3A_692] {strides = array<i32>} : memref<16x1000xf32, #tpu.memory_space<vmem>>, vector<16xf32>,
      tpu.vector_store %arg5[%swap3A_691, %swap3A_692], %broadcast_in_dim3A_3 {strides = array<i32>} : memref<16x1000xf32, #tpu.memory_space<vmem>>, vector<16xf32>,
      %swap3A_694 = arith.index_cast %scan3A_652 : i32 to index
      %swap3A_695 = arith.constant 224 : index
      %swap3A_696 = tpu.vector_load %arg5[%swap3A_694, %swap3A_695] {strides = array<i32>} : memref<16x1000xf32, #tpu.memory_space<vmem>>, vector<16xf32>,
      tpu.vector_store %arg5[%swap3A_694, %swap3A_695], %broadcast_in_dim3A_3 {strides = array<i32>} : memref<16x1000xf32, #tpu.memory_space<vmem>>, vector<16xf32>,
      %swap3A_697 = arith.index_cast %scan3A_652 : i32 to index
      %swap3A_698 = arith.constant 240 : index
      %swap3A_699 = tpu.vector_load %arg5[%swap3A_697, %swap3A_698] {strides = array<i32>} : memref<16x1000xf32, #tpu.memory_space<vmem>>, vector<16xf32>,
      tpu.vector_store %arg5[%swap3A_697, %swap3A_698], %broadcast_in_dim3A_3 {strides = array<i32>} : memref<16x1000xf32, #tpu.memory_space<vmem>>, vector<16xf32>,
      %swap3A_700 = arith.index_cast %scan3A_652 : i32 to index
      %swap3A_701 = arith.constant 256 : index
      %swap3A_702 = tpu.vector_load %arg5[%swap3A_700, %swap3A_701] {strides = array<i32>} : memref<16x1000xf32, #tpu.memory_space<vmem>>, vector<16xf32>,
      tpu.vector_store %arg5[%swap3A_700, %swap3A_701], %broadcast_in_dim3A_3 {strides = array<i32>} : memref<16x1000xf32, #tpu.memory_space<vmem>>, vector<16xf32>,
      %swap3A_703 = arith.index_cast %scan3A_652 : i32 to index
      %swap3A_704 = arith.constant 272 : index
      %swap3A_705 = tpu.vector_load %arg5[%swap3A_703, %swap3A_704] {strides = array<i32>} : memref<16x1000xf32, #tpu.memory_space<vmem>>, vector<16xf32>,
      tpu.vector_store %arg5[%swap3A_703, %swap3A_704], %broadcast_in_dim3A_3 {strides = array<i32>} : memref<16x1000xf32, #tpu.memory_space<vmem>>, vector<16xf32>,
      %swap3A_706 = arith.index_cast %scan3A_652 : i32 to index
      %swap3A_707 = arith.constant 288 : index
      %swap3A_708 = tpu.vector_load %arg5[%swap3A_706, %swap3A_707] {strides = array<i32>} : memref<16x1000xf32, #tpu.memory_space<vmem>>, vector<16xf32>,
      tpu.vector_store %arg5[%swap3A_706, %swap3A_707], %broadcast_in_dim3A_3 {strides = array<i32>} : memref<16x1000xf32, #tpu.memory_space<vmem>>, vector<16xf32>,
      %swap3A_709 = arith.index_cast %scan3A_652 : i32 to index
      %swap3A_710 = arith.constant 304 : index
      %swap3A_711 = tpu.vector_load %arg5[%swap3A_709, %swap3A_710] {strides = array<i32>} : memref<16x1000xf32, #tpu.memory_space<vmem>>, vector<16xf32>,
      tpu.vector_store %arg5[%swap3A_709, %swap3A_710], %broadcast_in_dim3A_3 {strides = array<i32>} : memref<16x1000xf32, #tpu.memory_space<vmem>>, vector<16xf32>,
      %swap3A_712 = arith.index_cast %scan3A_652 : i32 to index
      %swap3A_713 = arith.constant 320 : index
      %swap3A_714 = tpu.vector_load %arg5[%swap3A_712, %swap3A_713] {strides = array<i32>} : memref<16x1000xf32, #tpu.memory_space<vmem>>, vector<16xf32>,
      tpu.vector_store %arg5[%swap3A_712, %swap3A_713], %broadcast_in_dim3A_3 {strides = array<i32>} : memref<16x1000xf32, #tpu.memory_space<vmem>>, vector<16xf32>,
      %swap3A_715 = arith.index_cast %scan3A_652 : i32 to index
      %swap3A_716 = arith.constant 336 : index
      %swap3A_717 = tpu.vector_load %arg5[%swap3A_715, %swap3A_716] {strides = array<i32>} : memref<16x1000xf32, #tpu.memory_space<vmem>>, vector<16xf32>,
      tpu.vector_store %arg5[%swap3A_715, %swap3A_716], %broadcast_in_dim3A_3 {strides = array<i32>} : memref<16x1000xf32, #tpu.memory_space<vmem>>, vector<16xf32>,
      %swap3A_718 = arith.index_cast %scan3A_652 : i32 to index
      %swap3A_719 = arith.constant 352 : index
      %swap3A_720 = tpu.vector_load %arg5[%swap3A_718, %swap3A_719] {strides = array<i32>} : memref<16x1000xf32, #tpu.memory_space<vmem>>, vector<16xf32>,
      tpu.vector_store %arg5[%swap3A_718, %swap3A_719], %broadcast_in_dim3A_3 {strides = array<i32>} : memref<16x1000xf32, #tpu.memory_space<vmem>>, vector<16xf32>,
      %swap3A_721 = arith.index_cast %scan3A_652 : i32 to index
      %swap3A_722 = arith.constant 368 : index
      %swap3A_723 = tpu.vector_load %arg5[%swap3A_721, %swap3A_722] {strides = array<i32>} : memref<16x1000xf32, #tpu.memory_space<vmem>>, vector<16xf32>,
      tpu.vector_store %arg5[%swap3A_721, %swap3A_722], %broadcast_in_dim3A_3 {strides = array<i32>} : memref<16x1000xf32, #tpu.memory_space<vmem>>, vector<16xf32>,
      %swap3A_724 = arith.index_cast %scan3A_652 : i32 to index
      %swap3A_725 = arith.constant 384 : index
      %swap3A_726 = tpu.vector_load %arg5[%swap3A_724, %swap3A_725] {strides = array<i32>} : memref<16x1000xf32, #tpu.memory_space<vmem>>, vector<16xf32>,
      tpu.vector_store %arg5[%swap3A_724, %swap3A_725], %broadcast_in_dim3A_3 {strides = array<i32>} : memref<16x1000xf32, #tpu.memory_space<vmem>>, vector<16xf32>,
      %swap3A_727 = arith.index_cast %scan3A_652 : i32 to index
      %swap3A_728 = arith.constant 400 : index
      %swap3A_729 = tpu.vector_load %arg5[%swap3A_727, %swap3A_728] {strides = array<i32>} : memref<16x1000xf32, #tpu.memory_space<vmem>>, vector<16xf32>,
      tpu.vector_store %arg5[%swap3A_727, %swap3A_728], %broadcast_in_dim3A_3 {strides = array<i32>} : memref<16x1000xf32, #tpu.memory_space<vmem>>, vector<16xf32>,
      %swap3A_730 = arith.index_cast %scan3A_652 : i32 to index
      %swap3A_731 = arith.constant 416 : index
      %swap3A_732 = tpu.vector_load %arg5[%swap3A_730, %swap3A_731] {strides = array<i32>} : memref<16x1000xf32, #tpu.memory_space<vmem>>, vector<16xf32>,
      tpu.vector_store %arg5[%swap3A_730, %swap3A_731], %broadcast_in_dim3A_3 {strides = array<i32>} : memref<16x1000xf32, #tpu.memory_space<vmem>>, vector<16xf32>,
      %swap3A_733 = arith.index_cast %scan3A_652 : i32 to index
      %swap3A_734 = arith.constant 432 : index
      %swap3A_735 = tpu.vector_load %arg5[%swap3A_733, %swap3A_734] {strides = array<i32>} : memref<16x1000xf32, #tpu.memory_space<vmem>>, vector<16xf32>,
      tpu.vector_store %arg5[%swap3A_733, %swap3A_734], %broadcast_in_dim3A_3 {strides = array<i32>} : memref<16x1000xf32, #tpu.memory_space<vmem>>, vector<16xf32>,
      %swap3A_736 = arith.index_cast %scan3A_652 : i32 to index
      %swap3A_737 = arith.constant 448 : index
      %swap3A_738 = tpu.vector_load %arg5[%swap3A_736, %swap3A_737] {strides = array<i32>} : memref<16x1000xf32, #tpu.memory_space<vmem>>, vector<16xf32>,
      tpu.vector_store %arg5[%swap3A_736, %swap3A_737], %broadcast_in_dim3A_3 {strides = array<i32>} : memref<16x1000xf32, #tpu.memory_space<vmem>>, vector<16xf32>,
      %swap3A_739 = arith.index_cast %scan3A_652 : i32 to index
      %swap3A_740 = arith.constant 464 : index
      %swap3A_741 = tpu.vector_load %arg5[%swap3A_739, %swap3A_740] {strides = array<i32>} : memref<16x1000xf32, #tpu.memory_space<vmem>>, vector<16xf32>,
      tpu.vector_store %arg5[%swap3A_739, %swap3A_740], %broadcast_in_dim3A_3 {strides = array<i32>} : memref<16x1000xf32, #tpu.memory_space<vmem>>, vector<16xf32>,
      %swap3A_742 = arith.index_cast %scan3A_652 : i32 to index
      %swap3A_743 = arith.constant 480 : index
      %swap3A_744 = tpu.vector_load %arg5[%swap3A_742, %swap3A_743] {strides = array<i32>} : memref<16x1000xf32, #tpu.memory_space<vmem>>, vector<16xf32>,
      tpu.vector_store %arg5[%swap3A_742, %swap3A_743], %broadcast_in_dim3A_3 {strides = array<i32>} : memref<16x1000xf32, #tpu.memory_space<vmem>>, vector<16xf32>,
      %swap3A_745 = arith.index_cast %scan3A_652 : i32 to index
      %swap3A_746 = arith.constant 496 : index
      %swap3A_747 = tpu.vector_load %arg5[%swap3A_745, %swap3A_746] {strides = array<i32>} : memref<16x1000xf32, #tpu.memory_space<vmem>>, vector<16xf32>,
      tpu.vector_store %arg5[%swap3A_745, %swap3A_746], %broadcast_in_dim3A_3 {strides = array<i32>} : memref<16x1000xf32, #tpu.memory_space<vmem>>, vector<16xf32>,
      %swap3A_748 = arith.index_cast %scan3A_652 : i32 to index
      %swap3A_749 = arith.constant 512 : index
      %swap3A_750 = tpu.vector_load %arg5[%swap3A_748, %swap3A_749] {strides = array<i32>} : memref<16x1000xf32, #tpu.memory_space<vmem>>, vector<16xf32>,
      tpu.vector_store %arg5[%swap3A_748, %swap3A_749], %broadcast_in_dim3A_3 {strides = array<i32>} : memref<16x1000xf32, #tpu.memory_space<vmem>>, vector<16xf32>,
      %swap3A_751 = arith.index_cast %scan3A_652 : i32 to index
      %swap3A_752 = arith.constant 528 : index
      %swap3A_753 = tpu.vector_load %arg5[%swap3A_751, %swap3A_752] {strides = array<i32>} : memref<16x1000xf32, #tpu.memory_space<vmem>>, vector<16xf32>,
      tpu.vector_store %arg5[%swap3A_751, %swap3A_752], %broadcast_in_dim3A_3 {strides = array<i32>} : memref<16x1000xf32, #tpu.memory_space<vmem>>, vector<16xf32>,
      %swap3A_754 = arith.index_cast %scan3A_652 : i32 to index
      %swap3A_755 = arith.constant 544 : index
      %swap3A_756 = tpu.vector_load %arg5[%swap3A_754, %swap3A_755] {strides = array<i32>} : memref<16x1000xf32, #tpu.memory_space<vmem>>, vector<16xf32>,
      tpu.vector_store %arg5[%swap3A_754, %swap3A_755], %broadcast_in_dim3A_3 {strides = array<i32>} : memref<16x1000xf32, #tpu.memory_space<vmem>>, vector<16xf32>,
      %swap3A_757 = arith.index_cast %scan3A_652 : i32 to index
      %swap3A_758 = arith.constant 560 : index
      %swap3A_759 = tpu.vector_load %arg5[%swap3A_757, %swap3A_758] {strides = array<i32>} : memref<16x1000xf32, #tpu.memory_space<vmem>>, vector<16xf32>,
      tpu.vector_store %arg5[%swap3A_757, %swap3A_758], %broadcast_in_dim3A_3 {strides = array<i32>} : memref<16x1000xf32, #tpu.memory_space<vmem>>, vector<16xf32>,
      %swap3A_760 = arith.index_cast %scan3A_652 : i32 to index
      %swap3A_761 = arith.constant 576 : index
      %swap3A_762 = tpu.vector_load %arg5[%swap3A_760, %swap3A_761] {strides = array<i32>} : memref<16x1000xf32, #tpu.memory_space<vmem>>, vector<16xf32>,
      tpu.vector_store %arg5[%swap3A_760, %swap3A_761], %broadcast_in_dim3A_3 {strides = array<i32>} : memref<16x1000xf32, #tpu.memory_space<vmem>>, vector<16xf32>,
      %swap3A_763 = arith.index_cast %scan3A_652 : i32 to index
      %swap3A_764 = arith.constant 592 : index
      %swap3A_765 = tpu.vector_load %arg5[%swap3A_763, %swap3A_764] {strides = array<i32>} : memref<16x1000xf32, #tpu.memory_space<vmem>>, vector<16xf32>,
      tpu.vector_store %arg5[%swap3A_763, %swap3A_764], %broadcast_in_dim3A_3 {strides = array<i32>} : memref<16x1000xf32, #tpu.memory_space<vmem>>, vector<16xf32>,
      %swap3A_766 = arith.index_cast %scan3A_652 : i32 to index
      %swap3A_767 = arith.constant 608 : index
      %swap3A_768 = tpu.vector_load %arg5[%swap3A_766, %swap3A_767] {strides = array<i32>} : memref<16x1000xf32, #tpu.memory_space<vmem>>, vector<16xf32>,
      tpu.vector_store %arg5[%swap3A_766, %swap3A_767], %broadcast_in_dim3A_3 {strides = array<i32>} : memref<16x1000xf32, #tpu.memory_space<vmem>>, vector<16xf32>,
      %swap3A_769 = arith.index_cast %scan3A_652 : i32 to index
      %swap3A_770 = arith.constant 624 : index
      %swap3A_771 = tpu.vector_load %arg5[%swap3A_769, %swap3A_770] {strides = array<i32>} : memref<16x1000xf32, #tpu.memory_space<vmem>>, vector<16xf32>,
      tpu.vector_store %arg5[%swap3A_769, %swap3A_770], %broadcast_in_dim3A_3 {strides = array<i32>} : memref<16x1000xf32, #tpu.memory_space<vmem>>, vector<16xf32>,
      %swap3A_772 = arith.index_cast %scan3A_652 : i32 to index
      %swap3A_773 = arith.constant 640 : index
      %swap3A_774 = tpu.vector_load %arg5[%swap3A_772, %swap3A_773] {strides = array<i32>} : memref<16x1000xf32, #tpu.memory_space<vmem>>, vector<16xf32>,
      tpu.vector_store %arg5[%swap3A_772, %swap3A_773], %broadcast_in_dim3A_3 {strides = array<i32>} : memref<16x1000xf32, #tpu.memory_space<vmem>>, vector<16xf32>,
      %swap3A_775 = arith.index_cast %scan3A_652 : i32 to index
      %swap3A_776 = arith.constant 656 : index
      %swap3A_777 = tpu.vector_load %arg5[%swap3A_775, %swap3A_776] {strides = array<i32>} : memref<16x1000xf32, #tpu.memory_space<vmem>>, vector<16xf32>,
      tpu.vector_store %arg5[%swap3A_775, %swap3A_776], %broadcast_in_dim3A_3 {strides = array<i32>} : memref<16x1000xf32, #tpu.memory_space<vmem>>, vector<16xf32>,
      %swap3A_778 = arith.index_cast %scan3A_652 : i32 to index
      %swap3A_779 = arith.constant 672 : index
      %swap3A_780 = tpu.vector_load %arg5[%swap3A_778, %swap3A_779] {strides = array<i32>} : memref<16x1000xf32, #tpu.memory_space<vmem>>, vector<16xf32>,
      tpu.vector_store %arg5[%swap3A_778, %swap3A_779], %broadcast_in_dim3A_3 {strides = array<i32>} : memref<16x1000xf32, #tpu.memory_space<vmem>>, vector<16xf32>,
      %swap3A_781 = arith.index_cast %scan3A_652 : i32 to index
      %swap3A_782 = arith.constant 688 : index
      %swap3A_783 = tpu.vector_load %arg5[%swap3A_781, %swap3A_782] {strides = array<i32>} : memref<16x1000xf32, #tpu.memory_space<vmem>>, vector<16xf32>,
      tpu.vector_store %arg5[%swap3A_781, %swap3A_782], %broadcast_in_dim3A_3 {strides = array<i32>} : memref<16x1000xf32, #tpu.memory_space<vmem>>, vector<16xf32>,
      %swap3A_784 = arith.index_cast %scan3A_652 : i32 to index
      %swap3A_785 = arith.constant 704 : index
      %swap3A_786 = tpu.vector_load %arg5[%swap3A_784, %swap3A_785] {strides = array<i32>} : memref<16x1000xf32, #tpu.memory_space<vmem>>, vector<16xf32>,
      tpu.vector_store %arg5[%swap3A_784, %swap3A_785], %broadcast_in_dim3A_3 {strides = array<i32>} : memref<16x1000xf32, #tpu.memory_space<vmem>>, vector<16xf32>,
      %swap3A_787 = arith.index_cast %scan3A_652 : i32 to index
      %swap3A_788 = arith.constant 720 : index
      %swap3A_789 = tpu.vector_load %arg5[%swap3A_787, %swap3A_788] {strides = array<i32>} : memref<16x1000xf32, #tpu.memory_space<vmem>>, vector<16xf32>,
      tpu.vector_store %arg5[%swap3A_787, %swap3A_788], %broadcast_in_dim3A_3 {strides = array<i32>} : memref<16x1000xf32, #tpu.memory_space<vmem>>, vector<16xf32>,
      %swap3A_790 = arith.index_cast %scan3A_652 : i32 to index
      %swap3A_791 = arith.constant 736 : index
      %swap3A_792 = tpu.vector_load %arg5[%swap3A_790, %swap3A_791] {strides = array<i32>} : memref<16x1000xf32, #tpu.memory_space<vmem>>, vector<16xf32>,
      tpu.vector_store %arg5[%swap3A_790, %swap3A_791], %broadcast_in_dim3A_3 {strides = array<i32>} : memref<16x1000xf32, #tpu.memory_space<vmem>>, vector<16xf32>,
      %swap3A_793 = arith.index_cast %scan3A_652 : i32 to index
      %swap3A_794 = arith.constant 752 : index
      %swap3A_795 = tpu.vector_load %arg5[%swap3A_793, %swap3A_794] {strides = array<i32>} : memref<16x1000xf32, #tpu.memory_space<vmem>>, vector<16xf32>,
      tpu.vector_store %arg5[%swap3A_793, %swap3A_794], %broadcast_in_dim3A_3 {strides = array<i32>} : memref<16x1000xf32, #tpu.memory_space<vmem>>, vector<16xf32>,
      %swap3A_796 = arith.index_cast %scan3A_652 : i32 to index
      %swap3A_797 = arith.constant 768 : index
      %swap3A_798 = tpu.vector_load %arg5[%swap3A_796, %swap3A_797] {strides = array<i32>} : memref<16x1000xf32, #tpu.memory_space<vmem>>, vector<16xf32>,
      tpu.vector_store %arg5[%swap3A_796, %swap3A_797], %broadcast_in_dim3A_3 {strides = array<i32>} : memref<16x1000xf32, #tpu.memory_space<vmem>>, vector<16xf32>,
      %swap3A_799 = arith.index_cast %scan3A_652 : i32 to index
      %swap3A_800 = arith.constant 784 : index
      %swap3A_801 = tpu.vector_load %arg5[%swap3A_799, %swap3A_800] {strides = array<i32>} : memref<16x1000xf32, #tpu.memory_space<vmem>>, vector<16xf32>,
      tpu.vector_store %arg5[%swap3A_799, %swap3A_800], %broadcast_in_dim3A_3 {strides = array<i32>} : memref<16x1000xf32, #tpu.memory_space<vmem>>, vector<16xf32>,
      %swap3A_802 = arith.index_cast %scan3A_652 : i32 to index
      %swap3A_803 = arith.constant 800 : index
      %swap3A_804 = tpu.vector_load %arg5[%swap3A_802, %swap3A_803] {strides = array<i32>} : memref<16x1000xf32, #tpu.memory_space<vmem>>, vector<16xf32>,
      tpu.vector_store %arg5[%swap3A_802, %swap3A_803], %broadcast_in_dim3A_3 {strides = array<i32>} : memref<16x1000xf32, #tpu.memory_space<vmem>>, vector<16xf32>,
      %swap3A_805 = arith.index_cast %scan3A_652 : i32 to index
      %swap3A_806 = arith.constant 816 : index
      %swap3A_807 = tpu.vector_load %arg5[%swap3A_805, %swap3A_806] {strides = array<i32>} : memref<16x1000xf32, #tpu.memory_space<vmem>>, vector<16xf32>,
      tpu.vector_store %arg5[%swap3A_805, %swap3A_806], %broadcast_in_dim3A_3 {strides = array<i32>} : memref<16x1000xf32, #tpu.memory_space<vmem>>, vector<16xf32>,
      %swap3A_808 = arith.index_cast %scan3A_652 : i32 to index
      %swap3A_809 = arith.constant 832 : index
      %swap3A_810 = tpu.vector_load %arg5[%swap3A_808, %swap3A_809] {strides = array<i32>} : memref<16x1000xf32, #tpu.memory_space<vmem>>, vector<16xf32>,
      tpu.vector_store %arg5[%swap3A_808, %swap3A_809], %broadcast_in_dim3A_3 {strides = array<i32>} : memref<16x1000xf32, #tpu.memory_space<vmem>>, vector<16xf32>,
      %swap3A_811 = arith.index_cast %scan3A_652 : i32 to index
      %swap3A_812 = arith.constant 848 : index
      %swap3A_813 = tpu.vector_load %arg5[%swap3A_811, %swap3A_812] {strides = array<i32>} : memref<16x1000xf32, #tpu.memory_space<vmem>>, vector<16xf32>,
      tpu.vector_store %arg5[%swap3A_811, %swap3A_812], %broadcast_in_dim3A_3 {strides = array<i32>} : memref<16x1000xf32, #tpu.memory_space<vmem>>, vector<16xf32>,
      %swap3A_814 = arith.index_cast %scan3A_652 : i32 to index
      %swap3A_815 = arith.constant 864 : index
      %swap3A_816 = tpu.vector_load %arg5[%swap3A_814, %swap3A_815] {strides = array<i32>} : memref<16x1000xf32, #tpu.memory_space<vmem>>, vector<16xf32>,
      tpu.vector_store %arg5[%swap3A_814, %swap3A_815], %broadcast_in_dim3A_3 {strides = array<i32>} : memref<16x1000xf32, #tpu.memory_space<vmem>>, vector<16xf32>,
      %swap3A_817 = arith.index_cast %scan3A_652 : i32 to index
      %swap3A_818 = arith.constant 880 : index
      %swap3A_819 = tpu.vector_load %arg5[%swap3A_817, %swap3A_818] {strides = array<i32>} : memref<16x1000xf32, #tpu.memory_space<vmem>>, vector<16xf32>,
      tpu.vector_store %arg5[%swap3A_817, %swap3A_818], %broadcast_in_dim3A_3 {strides = array<i32>} : memref<16x1000xf32, #tpu.memory_space<vmem>>, vector<16xf32>,
      %swap3A_820 = arith.index_cast %scan3A_652 : i32 to index
      %swap3A_821 = arith.constant 896 : index
      %swap3A_822 = tpu.vector_load %arg5[%swap3A_820, %swap3A_821] {strides = array<i32>} : memref<16x1000xf32, #tpu.memory_space<vmem>>, vector<16xf32>,
      tpu.vector_store %arg5[%swap3A_820, %swap3A_821], %broadcast_in_dim3A_3 {strides = array<i32>} : memref<16x1000xf32, #tpu.memory_space<vmem>>, vector<16xf32>,
      %swap3A_823 = arith.index_cast %scan3A_652 : i32 to index
      %swap3A_824 = arith.constant 912 : index
      %swap3A_825 = tpu.vector_load %arg5[%swap3A_823, %swap3A_824] {strides = array<i32>} : memref<16x1000xf32, #tpu.memory_space<vmem>>, vector<16xf32>,
      tpu.vector_store %arg5[%swap3A_823, %swap3A_824], %broadcast_in_dim3A_3 {strides = array<i32>} : memref<16x1000xf32, #tpu.memory_space<vmem>>, vector<16xf32>,
      %swap3A_826 = arith.index_cast %scan3A_652 : i32 to index
      %swap3A_827 = arith.constant 928 : index
      %swap3A_828 = tpu.vector_load %arg5[%swap3A_826, %swap3A_827] {strides = array<i32>} : memref<16x1000xf32, #tpu.memory_space<vmem>>, vector<16xf32>,
      tpu.vector_store %arg5[%swap3A_826, %swap3A_827], %broadcast_in_dim3A_3 {strides = array<i32>} : memref<16x1000xf32, #tpu.memory_space<vmem>>, vector<16xf32>,
      %swap3A_829 = arith.index_cast %scan3A_652 : i32 to index
      %swap3A_830 = arith.constant 944 : index
      %swap3A_831 = tpu.vector_load %arg5[%swap3A_829, %swap3A_830] {strides = array<i32>} : memref<16x1000xf32, #tpu.memory_space<vmem>>, vector<16xf32>,
      tpu.vector_store %arg5[%swap3A_829, %swap3A_830], %broadcast_in_dim3A_3 {strides = array<i32>} : memref<16x1000xf32, #tpu.memory_space<vmem>>, vector<16xf32>,
      %swap3A_832 = arith.index_cast %scan3A_652 : i32 to index
      %swap3A_833 = arith.constant 960 : index
      %swap3A_834 = tpu.vector_load %arg5[%swap3A_832, %swap3A_833] {strides = array<i32>} : memref<16x1000xf32, #tpu.memory_space<vmem>>, vector<16xf32>,
      tpu.vector_store %arg5[%swap3A_832, %swap3A_833], %broadcast_in_dim3A_3 {strides = array<i32>} : memref<16x1000xf32, #tpu.memory_space<vmem>>, vector<16xf32>,
      %swap3A_835 = arith.index_cast %scan3A_652 : i32 to index
      %swap3A_836 = arith.constant 976 : index
      %swap3A_837 = tpu.vector_load %arg5[%swap3A_835, %swap3A_836] {strides = array<i32>} : memref<16x1000xf32, #tpu.memory_space<vmem>>, vector<16xf32>,
      tpu.vector_store %arg5[%swap3A_835, %swap3A_836], %broadcast_in_dim3A_3 {strides = array<i32>} : memref<16x1000xf32, #tpu.memory_space<vmem>>, vector<16xf32>,
      %broadcast_in_dim3A_838 = vector.broadcast %scan3A_652 : i32 to vector<16xi32>
      %add3A_839 = arith.constant 992 : i32
      %add3A_840 = vector.broadcast %add3A_839 : i32 to vector<16xi32>
      %add3A_841 = arith.addi %add3A_840, %iota3A : vector<16xi32>
      tpu.vector_store_idx %arg5[%broadcast_in_dim3A_838, %add3A_841], %broadcast_in_dim3A_3 masked %lt3A_7 : memref<16x1000xf32, #tpu.memory_space<vmem>>[vector<16xi32>, vector<16xi32>], vector<16xf32>, vector<16xi1>
    }
    %scan3A_12 = arith.constant 16 : i32
    %scan3A_13 = arith.constant 0 : i32
    %scan3A_14 = arith.constant 0 : i32
    %scan3A_15 = arith.constant 16 : i32
    %scan3A_16 = arith.addi %scan3A_14, %scan3A_15 : i32
    %scan3A_17 = arith.constant 1 : i32
    scf.for %scan3A_652 = %scan3A_14 to %scan3A_16 step %scan3A_17  : i32 {
      %swap3A = arith.index_cast %scan3A_652 : i32 to index
      %swap3A_653 = arith.constant 0 : index
      %swap3A_654 = tpu.vector_load %arg6[%swap3A, %swap3A_653] {strides = array<i32>} : memref<16x1000xf32, #tpu.memory_space<vmem>>, vector<16xf32>,
      tpu.vector_store %arg6[%swap3A, %swap3A_653], %broadcast_in_dim3A_3 {strides = array<i32>} : memref<16x1000xf32, #tpu.memory_space<vmem>>, vector<16xf32>,
      %swap3A_655 = arith.index_cast %scan3A_652 : i32 to index
      %swap3A_656 = arith.constant 16 : index
      %swap3A_657 = tpu.vector_load %arg6[%swap3A_655, %swap3A_656] {strides = array<i32>} : memref<16x1000xf32, #tpu.memory_space<vmem>>, vector<16xf32>,
      tpu.vector_store %arg6[%swap3A_655, %swap3A_656], %broadcast_in_dim3A_3 {strides = array<i32>} : memref<16x1000xf32, #tpu.memory_space<vmem>>, vector<16xf32>,
      %swap3A_658 = arith.index_cast %scan3A_652 : i32 to index
      %swap3A_659 = arith.constant 32 : index
      %swap3A_660 = tpu.vector_load %arg6[%swap3A_658, %swap3A_659] {strides = array<i32>} : memref<16x1000xf32, #tpu.memory_space<vmem>>, vector<16xf32>,
      tpu.vector_store %arg6[%swap3A_658, %swap3A_659], %broadcast_in_dim3A_3 {strides = array<i32>} : memref<16x1000xf32, #tpu.memory_space<vmem>>, vector<16xf32>,
      %swap3A_661 = arith.index_cast %scan3A_652 : i32 to index
      %swap3A_662 = arith.constant 48 : index
      %swap3A_663 = tpu.vector_load %arg6[%swap3A_661, %swap3A_662] {strides = array<i32>} : memref<16x1000xf32, #tpu.memory_space<vmem>>, vector<16xf32>,
      tpu.vector_store %arg6[%swap3A_661, %swap3A_662], %broadcast_in_dim3A_3 {strides = array<i32>} : memref<16x1000xf32, #tpu.memory_space<vmem>>, vector<16xf32>,
      %swap3A_664 = arith.index_cast %scan3A_652 : i32 to index
      %swap3A_665 = arith.constant 64 : index
      %swap3A_666 = tpu.vector_load %arg6[%swap3A_664, %swap3A_665] {strides = array<i32>} : memref<16x1000xf32, #tpu.memory_space<vmem>>, vector<16xf32>,
      tpu.vector_store %arg6[%swap3A_664, %swap3A_665], %broadcast_in_dim3A_3 {strides = array<i32>} : memref<16x1000xf32, #tpu.memory_space<vmem>>, vector<16xf32>,
      %swap3A_667 = arith.index_cast %scan3A_652 : i32 to index
      %swap3A_668 = arith.constant 80 : index
      %swap3A_669 = tpu.vector_load %arg6[%swap3A_667, %swap3A_668] {strides = array<i32>} : memref<16x1000xf32, #tpu.memory_space<vmem>>, vector<16xf32>,
      tpu.vector_store %arg6[%swap3A_667, %swap3A_668], %broadcast_in_dim3A_3 {strides = array<i32>} : memref<16x1000xf32, #tpu.memory_space<vmem>>, vector<16xf32>,
      %swap3A_670 = arith.index_cast %scan3A_652 : i32 to index
      %swap3A_671 = arith.constant 96 : index
      %swap3A_672 = tpu.vector_load %arg6[%swap3A_670, %swap3A_671] {strides = array<i32>} : memref<16x1000xf32, #tpu.memory_space<vmem>>, vector<16xf32>,
      tpu.vector_store %arg6[%swap3A_670, %swap3A_671], %broadcast_in_dim3A_3 {strides = array<i32>} : memref<16x1000xf32, #tpu.memory_space<vmem>>, vector<16xf32>,
      %swap3A_673 = arith.index_cast %scan3A_652 : i32 to index
      %swap3A_674 = arith.constant 112 : index
      %swap3A_675 = tpu.vector_load %arg6[%swap3A_673, %swap3A_674] {strides = array<i32>} : memref<16x1000xf32, #tpu.memory_space<vmem>>, vector<16xf32>,
      tpu.vector_store %arg6[%swap3A_673, %swap3A_674], %broadcast_in_dim3A_3 {strides = array<i32>} : memref<16x1000xf32, #tpu.memory_space<vmem>>, vector<16xf32>,
      %swap3A_676 = arith.index_cast %scan3A_652 : i32 to index
      %swap3A_677 = arith.constant 128 : index
      %swap3A_678 = tpu.vector_load %arg6[%swap3A_676, %swap3A_677] {strides = array<i32>} : memref<16x1000xf32, #tpu.memory_space<vmem>>, vector<16xf32>,
      tpu.vector_store %arg6[%swap3A_676, %swap3A_677], %broadcast_in_dim3A_3 {strides = array<i32>} : memref<16x1000xf32, #tpu.memory_space<vmem>>, vector<16xf32>,
      %swap3A_679 = arith.index_cast %scan3A_652 : i32 to index
      %swap3A_680 = arith.constant 144 : index
      %swap3A_681 = tpu.vector_load %arg6[%swap3A_679, %swap3A_680] {strides = array<i32>} : memref<16x1000xf32, #tpu.memory_space<vmem>>, vector<16xf32>,
      tpu.vector_store %arg6[%swap3A_679, %swap3A_680], %broadcast_in_dim3A_3 {strides = array<i32>} : memref<16x1000xf32, #tpu.memory_space<vmem>>, vector<16xf32>,
      %swap3A_682 = arith.index_cast %scan3A_652 : i32 to index
      %swap3A_683 = arith.constant 160 : index
      %swap3A_684 = tpu.vector_load %arg6[%swap3A_682, %swap3A_683] {strides = array<i32>} : memref<16x1000xf32, #tpu.memory_space<vmem>>, vector<16xf32>,
      tpu.vector_store %arg6[%swap3A_682, %swap3A_683], %broadcast_in_dim3A_3 {strides = array<i32>} : memref<16x1000xf32, #tpu.memory_space<vmem>>, vector<16xf32>,
      %swap3A_685 = arith.index_cast %scan3A_652 : i32 to index
      %swap3A_686 = arith.constant 176 : index
      %swap3A_687 = tpu.vector_load %arg6[%swap3A_685, %swap3A_686] {strides = array<i32>} : memref<16x1000xf32, #tpu.memory_space<vmem>>, vector<16xf32>,
      tpu.vector_store %arg6[%swap3A_685, %swap3A_686], %broadcast_in_dim3A_3 {strides = array<i32>} : memref<16x1000xf32, #tpu.memory_space<vmem>>, vector<16xf32>,
      %swap3A_688 = arith.index_cast %scan3A_652 : i32 to index
      %swap3A_689 = arith.constant 192 : index
      %swap3A_690 = tpu.vector_load %arg6[%swap3A_688, %swap3A_689] {strides = array<i32>} : memref<16x1000xf32, #tpu.memory_space<vmem>>, vector<16xf32>,
      tpu.vector_store %arg6[%swap3A_688, %swap3A_689], %broadcast_in_dim3A_3 {strides = array<i32>} : memref<16x1000xf32, #tpu.memory_space<vmem>>, vector<16xf32>,
      %swap3A_691 = arith.index_cast %scan3A_652 : i32 to index
      %swap3A_692 = arith.constant 208 : index
      %swap3A_693 = tpu.vector_load %arg6[%swap3A_691, %swap3A_692] {strides = array<i32>} : memref<16x1000xf32, #tpu.memory_space<vmem>>, vector<16xf32>,
      tpu.vector_store %arg6[%swap3A_691, %swap3A_692], %broadcast_in_dim3A_3 {strides = array<i32>} : memref<16x1000xf32, #tpu.memory_space<vmem>>, vector<16xf32>,
      %swap3A_694 = arith.index_cast %scan3A_652 : i32 to index
      %swap3A_695 = arith.constant 224 : index
      %swap3A_696 = tpu.vector_load %arg6[%swap3A_694, %swap3A_695] {strides = array<i32>} : memref<16x1000xf32, #tpu.memory_space<vmem>>, vector<16xf32>,
      tpu.vector_store %arg6[%swap3A_694, %swap3A_695], %broadcast_in_dim3A_3 {strides = array<i32>} : memref<16x1000xf32, #tpu.memory_space<vmem>>, vector<16xf32>,
      %swap3A_697 = arith.index_cast %scan3A_652 : i32 to index
      %swap3A_698 = arith.constant 240 : index
      %swap3A_699 = tpu.vector_load %arg6[%swap3A_697, %swap3A_698] {strides = array<i32>} : memref<16x1000xf32, #tpu.memory_space<vmem>>, vector<16xf32>,
      tpu.vector_store %arg6[%swap3A_697, %swap3A_698], %broadcast_in_dim3A_3 {strides = array<i32>} : memref<16x1000xf32, #tpu.memory_space<vmem>>, vector<16xf32>,
      %swap3A_700 = arith.index_cast %scan3A_652 : i32 to index
      %swap3A_701 = arith.constant 256 : index
      %swap3A_702 = tpu.vector_load %arg6[%swap3A_700, %swap3A_701] {strides = array<i32>} : memref<16x1000xf32, #tpu.memory_space<vmem>>, vector<16xf32>,
      tpu.vector_store %arg6[%swap3A_700, %swap3A_701], %broadcast_in_dim3A_3 {strides = array<i32>} : memref<16x1000xf32, #tpu.memory_space<vmem>>, vector<16xf32>,
      %swap3A_703 = arith.index_cast %scan3A_652 : i32 to index
      %swap3A_704 = arith.constant 272 : index
      %swap3A_705 = tpu.vector_load %arg6[%swap3A_703, %swap3A_704] {strides = array<i32>} : memref<16x1000xf32, #tpu.memory_space<vmem>>, vector<16xf32>,
      tpu.vector_store %arg6[%swap3A_703, %swap3A_704], %broadcast_in_dim3A_3 {strides = array<i32>} : memref<16x1000xf32, #tpu.memory_space<vmem>>, vector<16xf32>,
      %swap3A_706 = arith.index_cast %scan3A_652 : i32 to index
      %swap3A_707 = arith.constant 288 : index
      %swap3A_708 = tpu.vector_load %arg6[%swap3A_706, %swap3A_707] {strides = array<i32>} : memref<16x1000xf32, #tpu.memory_space<vmem>>, vector<16xf32>,
      tpu.vector_store %arg6[%swap3A_706, %swap3A_707], %broadcast_in_dim3A_3 {strides = array<i32>} : memref<16x1000xf32, #tpu.memory_space<vmem>>, vector<16xf32>,
      %swap3A_709 = arith.index_cast %scan3A_652 : i32 to index
      %swap3A_710 = arith.constant 304 : index
      %swap3A_711 = tpu.vector_load %arg6[%swap3A_709, %swap3A_710] {strides = array<i32>} : memref<16x1000xf32, #tpu.memory_space<vmem>>, vector<16xf32>,
      tpu.vector_store %arg6[%swap3A_709, %swap3A_710], %broadcast_in_dim3A_3 {strides = array<i32>} : memref<16x1000xf32, #tpu.memory_space<vmem>>, vector<16xf32>,
      %swap3A_712 = arith.index_cast %scan3A_652 : i32 to index
      %swap3A_713 = arith.constant 320 : index
      %swap3A_714 = tpu.vector_load %arg6[%swap3A_712, %swap3A_713] {strides = array<i32>} : memref<16x1000xf32, #tpu.memory_space<vmem>>, vector<16xf32>,
      tpu.vector_store %arg6[%swap3A_712, %swap3A_713], %broadcast_in_dim3A_3 {strides = array<i32>} : memref<16x1000xf32, #tpu.memory_space<vmem>>, vector<16xf32>,
      %swap3A_715 = arith.index_cast %scan3A_652 : i32 to index
      %swap3A_716 = arith.constant 336 : index
      %swap3A_717 = tpu.vector_load %arg6[%swap3A_715, %swap3A_716] {strides = array<i32>} : memref<16x1000xf32, #tpu.memory_space<vmem>>, vector<16xf32>,
      tpu.vector_store %arg6[%swap3A_715, %swap3A_716], %broadcast_in_dim3A_3 {strides = array<i32>} : memref<16x1000xf32, #tpu.memory_space<vmem>>, vector<16xf32>,
      %swap3A_718 = arith.index_cast %scan3A_652 : i32 to index
      %swap3A_719 = arith.constant 352 : index
      %swap3A_720 = tpu.vector_load %arg6[%swap3A_718, %swap3A_719] {strides = array<i32>} : memref<16x1000xf32, #tpu.memory_space<vmem>>, vector<16xf32>,
      tpu.vector_store %arg6[%swap3A_718, %swap3A_719], %broadcast_in_dim3A_3 {strides = array<i32>} : memref<16x1000xf32, #tpu.memory_space<vmem>>, vector<16xf32>,
      %swap3A_721 = arith.index_cast %scan3A_652 : i32 to index
      %swap3A_722 = arith.constant 368 : index
      %swap3A_723 = tpu.vector_load %arg6[%swap3A_721, %swap3A_722] {strides = array<i32>} : memref<16x1000xf32, #tpu.memory_space<vmem>>, vector<16xf32>,
      tpu.vector_store %arg6[%swap3A_721, %swap3A_722], %broadcast_in_dim3A_3 {strides = array<i32>} : memref<16x1000xf32, #tpu.memory_space<vmem>>, vector<16xf32>,
      %swap3A_724 = arith.index_cast %scan3A_652 : i32 to index
      %swap3A_725 = arith.constant 384 : index
      %swap3A_726 = tpu.vector_load %arg6[%swap3A_724, %swap3A_725] {strides = array<i32>} : memref<16x1000xf32, #tpu.memory_space<vmem>>, vector<16xf32>,
      tpu.vector_store %arg6[%swap3A_724, %swap3A_725], %broadcast_in_dim3A_3 {strides = array<i32>} : memref<16x1000xf32, #tpu.memory_space<vmem>>, vector<16xf32>,
      %swap3A_727 = arith.index_cast %scan3A_652 : i32 to index
      %swap3A_728 = arith.constant 400 : index
      %swap3A_729 = tpu.vector_load %arg6[%swap3A_727, %swap3A_728] {strides = array<i32>} : memref<16x1000xf32, #tpu.memory_space<vmem>>, vector<16xf32>,
      tpu.vector_store %arg6[%swap3A_727, %swap3A_728], %broadcast_in_dim3A_3 {strides = array<i32>} : memref<16x1000xf32, #tpu.memory_space<vmem>>, vector<16xf32>,
      %swap3A_730 = arith.index_cast %scan3A_652 : i32 to index
      %swap3A_731 = arith.constant 416 : index
      %swap3A_732 = tpu.vector_load %arg6[%swap3A_730, %swap3A_731] {strides = array<i32>} : memref<16x1000xf32, #tpu.memory_space<vmem>>, vector<16xf32>,
      tpu.vector_store %arg6[%swap3A_730, %swap3A_731], %broadcast_in_dim3A_3 {strides = array<i32>} : memref<16x1000xf32, #tpu.memory_space<vmem>>, vector<16xf32>,
      %swap3A_733 = arith.index_cast %scan3A_652 : i32 to index
      %swap3A_734 = arith.constant 432 : index
      %swap3A_735 = tpu.vector_load %arg6[%swap3A_733, %swap3A_734] {strides = array<i32>} : memref<16x1000xf32, #tpu.memory_space<vmem>>, vector<16xf32>,
      tpu.vector_store %arg6[%swap3A_733, %swap3A_734], %broadcast_in_dim3A_3 {strides = array<i32>} : memref<16x1000xf32, #tpu.memory_space<vmem>>, vector<16xf32>,
      %swap3A_736 = arith.index_cast %scan3A_652 : i32 to index
      %swap3A_737 = arith.constant 448 : index
      %swap3A_738 = tpu.vector_load %arg6[%swap3A_736, %swap3A_737] {strides = array<i32>} : memref<16x1000xf32, #tpu.memory_space<vmem>>, vector<16xf32>,
      tpu.vector_store %arg6[%swap3A_736, %swap3A_737], %broadcast_in_dim3A_3 {strides = array<i32>} : memref<16x1000xf32, #tpu.memory_space<vmem>>, vector<16xf32>,
      %swap3A_739 = arith.index_cast %scan3A_652 : i32 to index
      %swap3A_740 = arith.constant 464 : index
      %swap3A_741 = tpu.vector_load %arg6[%swap3A_739, %swap3A_740] {strides = array<i32>} : memref<16x1000xf32, #tpu.memory_space<vmem>>, vector<16xf32>,
      tpu.vector_store %arg6[%swap3A_739, %swap3A_740], %broadcast_in_dim3A_3 {strides = array<i32>} : memref<16x1000xf32, #tpu.memory_space<vmem>>, vector<16xf32>,
      %swap3A_742 = arith.index_cast %scan3A_652 : i32 to index
      %swap3A_743 = arith.constant 480 : index
      %swap3A_744 = tpu.vector_load %arg6[%swap3A_742, %swap3A_743] {strides = array<i32>} : memref<16x1000xf32, #tpu.memory_space<vmem>>, vector<16xf32>,
      tpu.vector_store %arg6[%swap3A_742, %swap3A_743], %broadcast_in_dim3A_3 {strides = array<i32>} : memref<16x1000xf32, #tpu.memory_space<vmem>>, vector<16xf32>,
      %swap3A_745 = arith.index_cast %scan3A_652 : i32 to index
      %swap3A_746 = arith.constant 496 : index
      %swap3A_747 = tpu.vector_load %arg6[%swap3A_745, %swap3A_746] {strides = array<i32>} : memref<16x1000xf32, #tpu.memory_space<vmem>>, vector<16xf32>,
      tpu.vector_store %arg6[%swap3A_745, %swap3A_746], %broadcast_in_dim3A_3 {strides = array<i32>} : memref<16x1000xf32, #tpu.memory_space<vmem>>, vector<16xf32>,
      %swap3A_748 = arith.index_cast %scan3A_652 : i32 to index
      %swap3A_749 = arith.constant 512 : index
      %swap3A_750 = tpu.vector_load %arg6[%swap3A_748, %swap3A_749] {strides = array<i32>} : memref<16x1000xf32, #tpu.memory_space<vmem>>, vector<16xf32>,
      tpu.vector_store %arg6[%swap3A_748, %swap3A_749], %broadcast_in_dim3A_3 {strides = array<i32>} : memref<16x1000xf32, #tpu.memory_space<vmem>>, vector<16xf32>,
      %swap3A_751 = arith.index_cast %scan3A_652 : i32 to index
      %swap3A_752 = arith.constant 528 : index
      %swap3A_753 = tpu.vector_load %arg6[%swap3A_751, %swap3A_752] {strides = array<i32>} : memref<16x1000xf32, #tpu.memory_space<vmem>>, vector<16xf32>,
      tpu.vector_store %arg6[%swap3A_751, %swap3A_752], %broadcast_in_dim3A_3 {strides = array<i32>} : memref<16x1000xf32, #tpu.memory_space<vmem>>, vector<16xf32>,
      %swap3A_754 = arith.index_cast %scan3A_652 : i32 to index
      %swap3A_755 = arith.constant 544 : index
      %swap3A_756 = tpu.vector_load %arg6[%swap3A_754, %swap3A_755] {strides = array<i32>} : memref<16x1000xf32, #tpu.memory_space<vmem>>, vector<16xf32>,
      tpu.vector_store %arg6[%swap3A_754, %swap3A_755], %broadcast_in_dim3A_3 {strides = array<i32>} : memref<16x1000xf32, #tpu.memory_space<vmem>>, vector<16xf32>,
      %swap3A_757 = arith.index_cast %scan3A_652 : i32 to index
      %swap3A_758 = arith.constant 560 : index
      %swap3A_759 = tpu.vector_load %arg6[%swap3A_757, %swap3A_758] {strides = array<i32>} : memref<16x1000xf32, #tpu.memory_space<vmem>>, vector<16xf32>,
      tpu.vector_store %arg6[%swap3A_757, %swap3A_758], %broadcast_in_dim3A_3 {strides = array<i32>} : memref<16x1000xf32, #tpu.memory_space<vmem>>, vector<16xf32>,
      %swap3A_760 = arith.index_cast %scan3A_652 : i32 to index
      %swap3A_761 = arith.constant 576 : index
      %swap3A_762 = tpu.vector_load %arg6[%swap3A_760, %swap3A_761] {strides = array<i32>} : memref<16x1000xf32, #tpu.memory_space<vmem>>, vector<16xf32>,
      tpu.vector_store %arg6[%swap3A_760, %swap3A_761], %broadcast_in_dim3A_3 {strides = array<i32>} : memref<16x1000xf32, #tpu.memory_space<vmem>>, vector<16xf32>,
      %swap3A_763 = arith.index_cast %scan3A_652 : i32 to index
      %swap3A_764 = arith.constant 592 : index
      %swap3A_765 = tpu.vector_load %arg6[%swap3A_763, %swap3A_764] {strides = array<i32>} : memref<16x1000xf32, #tpu.memory_space<vmem>>, vector<16xf32>,
      tpu.vector_store %arg6[%swap3A_763, %swap3A_764], %broadcast_in_dim3A_3 {strides = array<i32>} : memref<16x1000xf32, #tpu.memory_space<vmem>>, vector<16xf32>,
      %swap3A_766 = arith.index_cast %scan3A_652 : i32 to index
      %swap3A_767 = arith.constant 608 : index
      %swap3A_768 = tpu.vector_load %arg6[%swap3A_766, %swap3A_767] {strides = array<i32>} : memref<16x1000xf32, #tpu.memory_space<vmem>>, vector<16xf32>,
      tpu.vector_store %arg6[%swap3A_766, %swap3A_767], %broadcast_in_dim3A_3 {strides = array<i32>} : memref<16x1000xf32, #tpu.memory_space<vmem>>, vector<16xf32>,
      %swap3A_769 = arith.index_cast %scan3A_652 : i32 to index
      %swap3A_770 = arith.constant 624 : index
      %swap3A_771 = tpu.vector_load %arg6[%swap3A_769, %swap3A_770] {strides = array<i32>} : memref<16x1000xf32, #tpu.memory_space<vmem>>, vector<16xf32>,
      tpu.vector_store %arg6[%swap3A_769, %swap3A_770], %broadcast_in_dim3A_3 {strides = array<i32>} : memref<16x1000xf32, #tpu.memory_space<vmem>>, vector<16xf32>,
      %swap3A_772 = arith.index_cast %scan3A_652 : i32 to index
      %swap3A_773 = arith.constant 640 : index
      %swap3A_774 = tpu.vector_load %arg6[%swap3A_772, %swap3A_773] {strides = array<i32>} : memref<16x1000xf32, #tpu.memory_space<vmem>>, vector<16xf32>,
      tpu.vector_store %arg6[%swap3A_772, %swap3A_773], %broadcast_in_dim3A_3 {strides = array<i32>} : memref<16x1000xf32, #tpu.memory_space<vmem>>, vector<16xf32>,
      %swap3A_775 = arith.index_cast %scan3A_652 : i32 to index
      %swap3A_776 = arith.constant 656 : index
      %swap3A_777 = tpu.vector_load %arg6[%swap3A_775, %swap3A_776] {strides = array<i32>} : memref<16x1000xf32, #tpu.memory_space<vmem>>, vector<16xf32>,
      tpu.vector_store %arg6[%swap3A_775, %swap3A_776], %broadcast_in_dim3A_3 {strides = array<i32>} : memref<16x1000xf32, #tpu.memory_space<vmem>>, vector<16xf32>,
      %swap3A_778 = arith.index_cast %scan3A_652 : i32 to index
      %swap3A_779 = arith.constant 672 : index
      %swap3A_780 = tpu.vector_load %arg6[%swap3A_778, %swap3A_779] {strides = array<i32>} : memref<16x1000xf32, #tpu.memory_space<vmem>>, vector<16xf32>,
      tpu.vector_store %arg6[%swap3A_778, %swap3A_779], %broadcast_in_dim3A_3 {strides = array<i32>} : memref<16x1000xf32, #tpu.memory_space<vmem>>, vector<16xf32>,
      %swap3A_781 = arith.index_cast %scan3A_652 : i32 to index
      %swap3A_782 = arith.constant 688 : index
      %swap3A_783 = tpu.vector_load %arg6[%swap3A_781, %swap3A_782] {strides = array<i32>} : memref<16x1000xf32, #tpu.memory_space<vmem>>, vector<16xf32>,
      tpu.vector_store %arg6[%swap3A_781, %swap3A_782], %broadcast_in_dim3A_3 {strides = array<i32>} : memref<16x1000xf32, #tpu.memory_space<vmem>>, vector<16xf32>,
      %swap3A_784 = arith.index_cast %scan3A_652 : i32 to index
      %swap3A_785 = arith.constant 704 : index
      %swap3A_786 = tpu.vector_load %arg6[%swap3A_784, %swap3A_785] {strides = array<i32>} : memref<16x1000xf32, #tpu.memory_space<vmem>>, vector<16xf32>,
      tpu.vector_store %arg6[%swap3A_784, %swap3A_785], %broadcast_in_dim3A_3 {strides = array<i32>} : memref<16x1000xf32, #tpu.memory_space<vmem>>, vector<16xf32>,
      %swap3A_787 = arith.index_cast %scan3A_652 : i32 to index
      %swap3A_788 = arith.constant 720 : index
      %swap3A_789 = tpu.vector_load %arg6[%swap3A_787, %swap3A_788] {strides = array<i32>} : memref<16x1000xf32, #tpu.memory_space<vmem>>, vector<16xf32>,
      tpu.vector_store %arg6[%swap3A_787, %swap3A_788], %broadcast_in_dim3A_3 {strides = array<i32>} : memref<16x1000xf32, #tpu.memory_space<vmem>>, vector<16xf32>,
      %swap3A_790 = arith.index_cast %scan3A_652 : i32 to index
      %swap3A_791 = arith.constant 736 : index
      %swap3A_792 = tpu.vector_load %arg6[%swap3A_790, %swap3A_791] {strides = array<i32>} : memref<16x1000xf32, #tpu.memory_space<vmem>>, vector<16xf32>,
      tpu.vector_store %arg6[%swap3A_790, %swap3A_791], %broadcast_in_dim3A_3 {strides = array<i32>} : memref<16x1000xf32, #tpu.memory_space<vmem>>, vector<16xf32>,
      %swap3A_793 = arith.index_cast %scan3A_652 : i32 to index
      %swap3A_794 = arith.constant 752 : index
      %swap3A_795 = tpu.vector_load %arg6[%swap3A_793, %swap3A_794] {strides = array<i32>} : memref<16x1000xf32, #tpu.memory_space<vmem>>, vector<16xf32>,
      tpu.vector_store %arg6[%swap3A_793, %swap3A_794], %broadcast_in_dim3A_3 {strides = array<i32>} : memref<16x1000xf32, #tpu.memory_space<vmem>>, vector<16xf32>,
      %swap3A_796 = arith.index_cast %scan3A_652 : i32 to index
      %swap3A_797 = arith.constant 768 : index
      %swap3A_798 = tpu.vector_load %arg6[%swap3A_796, %swap3A_797] {strides = array<i32>} : memref<16x1000xf32, #tpu.memory_space<vmem>>, vector<16xf32>,
      tpu.vector_store %arg6[%swap3A_796, %swap3A_797], %broadcast_in_dim3A_3 {strides = array<i32>} : memref<16x1000xf32, #tpu.memory_space<vmem>>, vector<16xf32>,
      %swap3A_799 = arith.index_cast %scan3A_652 : i32 to index
      %swap3A_800 = arith.constant 784 : index
      %swap3A_801 = tpu.vector_load %arg6[%swap3A_799, %swap3A_800] {strides = array<i32>} : memref<16x1000xf32, #tpu.memory_space<vmem>>, vector<16xf32>,
      tpu.vector_store %arg6[%swap3A_799, %swap3A_800], %broadcast_in_dim3A_3 {strides = array<i32>} : memref<16x1000xf32, #tpu.memory_space<vmem>>, vector<16xf32>,
      %swap3A_802 = arith.index_cast %scan3A_652 : i32 to index
      %swap3A_803 = arith.constant 800 : index
      %swap3A_804 = tpu.vector_load %arg6[%swap3A_802, %swap3A_803] {strides = array<i32>} : memref<16x1000xf32, #tpu.memory_space<vmem>>, vector<16xf32>,
      tpu.vector_store %arg6[%swap3A_802, %swap3A_803], %broadcast_in_dim3A_3 {strides = array<i32>} : memref<16x1000xf32, #tpu.memory_space<vmem>>, vector<16xf32>,
      %swap3A_805 = arith.index_cast %scan3A_652 : i32 to index
      %swap3A_806 = arith.constant 816 : index
      %swap3A_807 = tpu.vector_load %arg6[%swap3A_805, %swap3A_806] {strides = array<i32>} : memref<16x1000xf32, #tpu.memory_space<vmem>>, vector<16xf32>,
      tpu.vector_store %arg6[%swap3A_805, %swap3A_806], %broadcast_in_dim3A_3 {strides = array<i32>} : memref<16x1000xf32, #tpu.memory_space<vmem>>, vector<16xf32>,
      %swap3A_808 = arith.index_cast %scan3A_652 : i32 to index
      %swap3A_809 = arith.constant 832 : index
      %swap3A_810 = tpu.vector_load %arg6[%swap3A_808, %swap3A_809] {strides = array<i32>} : memref<16x1000xf32, #tpu.memory_space<vmem>>, vector<16xf32>,
      tpu.vector_store %arg6[%swap3A_808, %swap3A_809], %broadcast_in_dim3A_3 {strides = array<i32>} : memref<16x1000xf32, #tpu.memory_space<vmem>>, vector<16xf32>,
      %swap3A_811 = arith.index_cast %scan3A_652 : i32 to index
      %swap3A_812 = arith.constant 848 : index
      %swap3A_813 = tpu.vector_load %arg6[%swap3A_811, %swap3A_812] {strides = array<i32>} : memref<16x1000xf32, #tpu.memory_space<vmem>>, vector<16xf32>,
      tpu.vector_store %arg6[%swap3A_811, %swap3A_812], %broadcast_in_dim3A_3 {strides = array<i32>} : memref<16x1000xf32, #tpu.memory_space<vmem>>, vector<16xf32>,
      %swap3A_814 = arith.index_cast %scan3A_652 : i32 to index
      %swap3A_815 = arith.constant 864 : index
      %swap3A_816 = tpu.vector_load %arg6[%swap3A_814, %swap3A_815] {strides = array<i32>} : memref<16x1000xf32, #tpu.memory_space<vmem>>, vector<16xf32>,
      tpu.vector_store %arg6[%swap3A_814, %swap3A_815], %broadcast_in_dim3A_3 {strides = array<i32>} : memref<16x1000xf32, #tpu.memory_space<vmem>>, vector<16xf32>,
      %swap3A_817 = arith.index_cast %scan3A_652 : i32 to index
      %swap3A_818 = arith.constant 880 : index
      %swap3A_819 = tpu.vector_load %arg6[%swap3A_817, %swap3A_818] {strides = array<i32>} : memref<16x1000xf32, #tpu.memory_space<vmem>>, vector<16xf32>,
      tpu.vector_store %arg6[%swap3A_817, %swap3A_818], %broadcast_in_dim3A_3 {strides = array<i32>} : memref<16x1000xf32, #tpu.memory_space<vmem>>, vector<16xf32>,
      %swap3A_820 = arith.index_cast %scan3A_652 : i32 to index
      %swap3A_821 = arith.constant 896 : index
      %swap3A_822 = tpu.vector_load %arg6[%swap3A_820, %swap3A_821] {strides = array<i32>} : memref<16x1000xf32, #tpu.memory_space<vmem>>, vector<16xf32>,
      tpu.vector_store %arg6[%swap3A_820, %swap3A_821], %broadcast_in_dim3A_3 {strides = array<i32>} : memref<16x1000xf32, #tpu.memory_space<vmem>>, vector<16xf32>,
      %swap3A_823 = arith.index_cast %scan3A_652 : i32 to index
      %swap3A_824 = arith.constant 912 : index
      %swap3A_825 = tpu.vector_load %arg6[%swap3A_823, %swap3A_824] {strides = array<i32>} : memref<16x1000xf32, #tpu.memory_space<vmem>>, vector<16xf32>,
      tpu.vector_store %arg6[%swap3A_823, %swap3A_824], %broadcast_in_dim3A_3 {strides = array<i32>} : memref<16x1000xf32, #tpu.memory_space<vmem>>, vector<16xf32>,
      %swap3A_826 = arith.index_cast %scan3A_652 : i32 to index
      %swap3A_827 = arith.constant 928 : index
      %swap3A_828 = tpu.vector_load %arg6[%swap3A_826, %swap3A_827] {strides = array<i32>} : memref<16x1000xf32, #tpu.memory_space<vmem>>, vector<16xf32>,
      tpu.vector_store %arg6[%swap3A_826, %swap3A_827], %broadcast_in_dim3A_3 {strides = array<i32>} : memref<16x1000xf32, #tpu.memory_space<vmem>>, vector<16xf32>,
      %swap3A_829 = arith.index_cast %scan3A_652 : i32 to index
      %swap3A_830 = arith.constant 944 : index
      %swap3A_831 = tpu.vector_load %arg6[%swap3A_829, %swap3A_830] {strides = array<i32>} : memref<16x1000xf32, #tpu.memory_space<vmem>>, vector<16xf32>,
      tpu.vector_store %arg6[%swap3A_829, %swap3A_830], %broadcast_in_dim3A_3 {strides = array<i32>} : memref<16x1000xf32, #tpu.memory_space<vmem>>, vector<16xf32>,
      %swap3A_832 = arith.index_cast %scan3A_652 : i32 to index
      %swap3A_833 = arith.constant 960 : index
      %swap3A_834 = tpu.vector_load %arg6[%swap3A_832, %swap3A_833] {strides = array<i32>} : memref<16x1000xf32, #tpu.memory_space<vmem>>, vector<16xf32>,
      tpu.vector_store %arg6[%swap3A_832, %swap3A_833], %broadcast_in_dim3A_3 {strides = array<i32>} : memref<16x1000xf32, #tpu.memory_space<vmem>>, vector<16xf32>,
      %swap3A_835 = arith.index_cast %scan3A_652 : i32 to index
      %swap3A_836 = arith.constant 976 : index
      %swap3A_837 = tpu.vector_load %arg6[%swap3A_835, %swap3A_836] {strides = array<i32>} : memref<16x1000xf32, #tpu.memory_space<vmem>>, vector<16xf32>,
      tpu.vector_store %arg6[%swap3A_835, %swap3A_836], %broadcast_in_dim3A_3 {strides = array<i32>} : memref<16x1000xf32, #tpu.memory_space<vmem>>, vector<16xf32>,
      %broadcast_in_dim3A_838 = vector.broadcast %scan3A_652 : i32 to vector<16xi32>
      %add3A_839 = arith.constant 992 : i32
      %add3A_840 = vector.broadcast %add3A_839 : i32 to vector<16xi32>
      %add3A_841 = arith.addi %add3A_840, %iota3A : vector<16xi32>
      tpu.vector_store_idx %arg6[%broadcast_in_dim3A_838, %add3A_841], %broadcast_in_dim3A_3 masked %lt3A_7 : memref<16x1000xf32, #tpu.memory_space<vmem>>[vector<16xi32>, vector<16xi32>], vector<16xf32>, vector<16xi1>
    }
    %scan3A_18 = arith.constant 16 : i32
    %get3A = arith.constant 0 : index
    %get3A_19 = tpu.vector_load %arg4[%get3A] {strides = array<i32>} : memref<512xi32, #tpu.memory_space<vmem>>, vector<16xi32>,
    tpu.vector_store_idx %arg5[%iota3A, %get3A_19], %broadcast_in_dim3A_5 : memref<16x1000xf32, #tpu.memory_space<vmem>>[vector<16xi32>, vector<16xi32>], vector<16xf32>,
    %add3A_20 = arith.constant 0 : i32
    %add3A_21 = arith.addi %mul3A_2, %add3A_20 : i32
    %dma_start3A = arith.constant 0 : i32
    %dma_start3A_22 = arith.constant 0 : i32
    %dma_start3A_23 = tpu.memref_slice %arg3[%add3A_21, %dma_start3A_22] : memref<16384x1000xf32, #tpu.memory_space<hbm>> -> memref<16x1000xf32, #tpu.memory_space<hbm>>
    %dma_start3A_24 = tpu.memref_slice %arg7[%dma_start3A] : memref<2x!tpu.dma_semaphore, #tpu.memory_space<semaphore_mem>> -> memref<1x!tpu.dma_semaphore, #tpu.memory_space<semaphore_mem>>
    %dma_start3A_25 = tpu.memref_squeeze %dma_start3A_24 : memref<1x!tpu.dma_semaphore, #tpu.memory_space<semaphore_mem>> -> memref<!tpu.dma_semaphore, #tpu.memory_space<semaphore_mem>>
    %dma_start3A_26 = arith.constant 0 : i32
    %dma_start3A_27 = tpu.memref_slice %arg3[%add3A_21, %dma_start3A_26] : memref<16384x1000xf32, #tpu.memory_space<hbm>> -> memref<16x1000xf32, #tpu.memory_space<hbm>>
    tpu.enqueue_dma source(%arg5 : memref<16x1000xf32, #tpu.memory_space<vmem>>) target(%dma_start3A_27 : memref<16x1000xf32, #tpu.memory_space<hbm>>) target_semaphore(%dma_start3A_25 : memref<!tpu.dma_semaphore, #tpu.memory_space<semaphore_mem>>)
    %get3A_28 = arith.constant 16 : index
    %get3A_29 = tpu.vector_load %arg4[%get3A_28] {strides = array<i32>} : memref<512xi32, #tpu.memory_space<vmem>>, vector<16xi32>,
    tpu.vector_store_idx %arg6[%iota3A, %get3A_29], %broadcast_in_dim3A_5 : memref<16x1000xf32, #tpu.memory_space<vmem>>[vector<16xi32>, vector<16xi32>], vector<16xf32>,
    %add3A_30 = arith.constant 16 : i32
    %add3A_31 = arith.addi %mul3A_2, %add3A_30 : i32
    %dma_start3A_32 = arith.constant 1 : i32
    %dma_start3A_33 = arith.constant 0 : i32
    %dma_start3A_34 = tpu.memref_slice %arg3[%add3A_31, %dma_start3A_33] : memref<16384x1000xf32, #tpu.memory_space<hbm>> -> memref<16x1000xf32, #tpu.memory_space<hbm>>
    %dma_start3A_35 = tpu.memref_slice %arg7[%dma_start3A_32] : memref<2x!tpu.dma_semaphore, #tpu.memory_space<semaphore_mem>> -> memref<1x!tpu.dma_semaphore, #tpu.memory_space<semaphore_mem>>
    %dma_start3A_36 = tpu.memref_squeeze %dma_start3A_35 : memref<1x!tpu.dma_semaphore, #tpu.memory_space<semaphore_mem>> -> memref<!tpu.dma_semaphore, #tpu.memory_space<semaphore_mem>>
    %dma_start3A_37 = arith.constant 0 : i32
    %dma_start3A_38 = tpu.memref_slice %arg3[%add3A_31, %dma_start3A_37] : memref<16384x1000xf32, #tpu.memory_space<hbm>> -> memref<16x1000xf32, #tpu.memory_space<hbm>>
    tpu.enqueue_dma source(%arg6 : memref<16x1000xf32, #tpu.memory_space<vmem>>) target(%dma_start3A_38 : memref<16x1000xf32, #tpu.memory_space<hbm>>) target_semaphore(%dma_start3A_36 : memref<!tpu.dma_semaphore, #tpu.memory_space<semaphore_mem>>)
    %get3A_39 = arith.constant 32 : index
    %get3A_40 = tpu.vector_load %arg4[%get3A_39] {strides = array<i32>} : memref<512xi32, #tpu.memory_space<vmem>>, vector<16xi32>,
    %dma_wait3A = arith.constant 0 : i32
    %dma_wait3A_41 = arith.constant 0 : i32
    %dma_wait3A_42 = tpu.memref_slice %arg3[%add3A_21, %dma_wait3A_41] : memref<16384x1000xf32, #tpu.memory_space<hbm>> -> memref<16x1000xf32, #tpu.memory_space<hbm>>
    %dma_wait3A_43 = tpu.memref_slice %arg7[%dma_wait3A] : memref<2x!tpu.dma_semaphore, #tpu.memory_space<semaphore_mem>> -> memref<1x!tpu.dma_semaphore, #tpu.memory_space<semaphore_mem>>
    %dma_wait3A_44 = tpu.memref_squeeze %dma_wait3A_43 : memref<1x!tpu.dma_semaphore, #tpu.memory_space<semaphore_mem>> -> memref<!tpu.dma_semaphore, #tpu.memory_space<semaphore_mem>>
    %dma_wait3A_45 = arith.constant 0 : i32
    %dma_wait3A_46 = tpu.memref_slice %arg3[%add3A_21, %dma_wait3A_45] : memref<16384x1000xf32, #tpu.memory_space<hbm>> -> memref<16x1000xf32, #tpu.memory_space<hbm>>
    tpu.wait_dma2 semaphore(%dma_wait3A_44 : memref<!tpu.dma_semaphore, #tpu.memory_space<semaphore_mem>>) src(%arg5 : memref<16x1000xf32, #tpu.memory_space<vmem>>) dst(%dma_wait3A_46 : memref<16x1000xf32, #tpu.memory_space<hbm>>)
    %get3A_47 = arith.constant 0 : index
    %get3A_48 = tpu.vector_load %arg4[%get3A_47] {strides = array<i32>} : memref<512xi32, #tpu.memory_space<vmem>>, vector<16xi32>,
    tpu.vector_store_idx %arg5[%iota3A, %get3A_48], %broadcast_in_dim3A_3 : memref<16x1000xf32, #tpu.memory_space<vmem>>[vector<16xi32>, vector<16xi32>], vector<16xf32>,
    tpu.vector_store_idx %arg5[%iota3A, %get3A_40], %broadcast_in_dim3A_5 : memref<16x1000xf32, #tpu.memory_space<vmem>>[vector<16xi32>, vector<16xi32>], vector<16xf32>,
    %add3A_49 = arith.constant 32 : i32
    %add3A_50 = arith.addi %mul3A_2, %add3A_49 : i32
    %dma_start3A_51 = arith.constant 0 : i32
    %dma_start3A_52 = arith.constant 0 : i32
    %dma_start3A_53 = tpu.memref_slice %arg3[%add3A_50, %dma_start3A_52] : memref<16384x1000xf32, #tpu.memory_space<hbm>> -> memref<16x1000xf32, #tpu.memory_space<hbm>>
    %dma_start3A_54 = tpu.memref_slice %arg7[%dma_start3A_51] : memref<2x!tpu.dma_semaphore, #tpu.memory_space<semaphore_mem>> -> memref<1x!tpu.dma_semaphore, #tpu.memory_space<semaphore_mem>>
    %dma_start3A_55 = tpu.memref_squeeze %dma_start3A_54 : memref<1x!tpu.dma_semaphore, #tpu.memory_space<semaphore_mem>> -> memref<!tpu.dma_semaphore, #tpu.memory_space<semaphore_mem>>
    %dma_start3A_56 = arith.constant 0 : i32
    %dma_start3A_57 = tpu.memref_slice %arg3[%add3A_50, %dma_start3A_56] : memref<16384x1000xf32, #tpu.memory_space<hbm>> -> memref<16x1000xf32, #tpu.memory_space<hbm>>
    tpu.enqueue_dma source(%arg5 : memref<16x1000xf32, #tpu.memory_space<vmem>>) target(%dma_start3A_57 : memref<16x1000xf32, #tpu.memory_space<hbm>>) target_semaphore(%dma_start3A_55 : memref<!tpu.dma_semaphore, #tpu.memory_space<semaphore_mem>>)
    %get3A_58 = arith.constant 48 : index
    %get3A_59 = tpu.vector_load %arg4[%get3A_58] {strides = array<i32>} : memref<512xi32, #tpu.memory_space<vmem>>, vector<16xi32>,
    %dma_wait3A_60 = arith.constant 1 : i32
    %dma_wait3A_61 = arith.constant 0 : i32
    %dma_wait3A_62 = tpu.memref_slice %arg3[%add3A_31, %dma_wait3A_61] : memref<16384x1000xf32, #tpu.memory_space<hbm>> -> memref<16x1000xf32, #tpu.memory_space<hbm>>
    %dma_wait3A_63 = tpu.memref_slice %arg7[%dma_wait3A_60] : memref<2x!tpu.dma_semaphore, #tpu.memory_space<semaphore_mem>> -> memref<1x!tpu.dma_semaphore, #tpu.memory_space<semaphore_mem>>
    %dma_wait3A_64 = tpu.memref_squeeze %dma_wait3A_63 : memref<1x!tpu.dma_semaphore, #tpu.memory_space<semaphore_mem>> -> memref<!tpu.dma_semaphore, #tpu.memory_space<semaphore_mem>>
    %dma_wait3A_65 = arith.constant 0 : i32
    %dma_wait3A_66 = tpu.memref_slice %arg3[%add3A_31, %dma_wait3A_65] : memref<16384x1000xf32, #tpu.memory_space<hbm>> -> memref<16x1000xf32, #tpu.memory_space<hbm>>
    tpu.wait_dma2 semaphore(%dma_wait3A_64 : memref<!tpu.dma_semaphore, #tpu.memory_space<semaphore_mem>>) src(%arg6 : memref<16x1000xf32, #tpu.memory_space<vmem>>) dst(%dma_wait3A_66 : memref<16x1000xf32, #tpu.memory_space<hbm>>)
    %get3A_67 = arith.constant 16 : index
    %get3A_68 = tpu.vector_load %arg4[%get3A_67] {strides = array<i32>} : memref<512xi32, #tpu.memory_space<vmem>>, vector<16xi32>,
    tpu.vector_store_idx %arg6[%iota3A, %get3A_68], %broadcast_in_dim3A_3 : memref<16x1000xf32, #tpu.memory_space<vmem>>[vector<16xi32>, vector<16xi32>], vector<16xf32>,
    tpu.vector_store_idx %arg6[%iota3A, %get3A_59], %broadcast_in_dim3A_5 : memref<16x1000xf32, #tpu.memory_space<vmem>>[vector<16xi32>, vector<16xi32>], vector<16xf32>,
    %add3A_69 = arith.constant 48 : i32
    %add3A_70 = arith.addi %mul3A_2, %add3A_69 : i32
    %dma_start3A_71 = arith.constant 1 : i32
    %dma_start3A_72 = arith.constant 0 : i32
    %dma_start3A_73 = tpu.memref_slice %arg3[%add3A_70, %dma_start3A_72] : memref<16384x1000xf32, #tpu.memory_space<hbm>> -> memref<16x1000xf32, #tpu.memory_space<hbm>>
    %dma_start3A_74 = tpu.memref_slice %arg7[%dma_start3A_71] : memref<2x!tpu.dma_semaphore, #tpu.memory_space<semaphore_mem>> -> memref<1x!tpu.dma_semaphore, #tpu.memory_space<semaphore_mem>>
    %dma_start3A_75 = tpu.memref_squeeze %dma_start3A_74 : memref<1x!tpu.dma_semaphore, #tpu.memory_space<semaphore_mem>> -> memref<!tpu.dma_semaphore, #tpu.memory_space<semaphore_mem>>
    %dma_start3A_76 = arith.constant 0 : i32
    %dma_start3A_77 = tpu.memref_slice %arg3[%add3A_70, %dma_start3A_76] : memref<16384x1000xf32, #tpu.memory_space<hbm>> -> memref<16x1000xf32, #tpu.memory_space<hbm>>
    tpu.enqueue_dma source(%arg6 : memref<16x1000xf32, #tpu.memory_space<vmem>>) target(%dma_start3A_77 : memref<16x1000xf32, #tpu.memory_space<hbm>>) target_semaphore(%dma_start3A_75 : memref<!tpu.dma_semaphore, #tpu.memory_space<semaphore_mem>>)
    %get3A_78 = arith.constant 64 : index
    %get3A_79 = tpu.vector_load %arg4[%get3A_78] {strides = array<i32>} : memref<512xi32, #tpu.memory_space<vmem>>, vector<16xi32>,
    %dma_wait3A_80 = arith.constant 0 : i32
    %dma_wait3A_81 = arith.constant 0 : i32
    %dma_wait3A_82 = tpu.memref_slice %arg3[%add3A_50, %dma_wait3A_81] : memref<16384x1000xf32, #tpu.memory_space<hbm>> -> memref<16x1000xf32, #tpu.memory_space<hbm>>
    %dma_wait3A_83 = tpu.memref_slice %arg7[%dma_wait3A_80] : memref<2x!tpu.dma_semaphore, #tpu.memory_space<semaphore_mem>> -> memref<1x!tpu.dma_semaphore, #tpu.memory_space<semaphore_mem>>
    %dma_wait3A_84 = tpu.memref_squeeze %dma_wait3A_83 : memref<1x!tpu.dma_semaphore, #tpu.memory_space<semaphore_mem>> -> memref<!tpu.dma_semaphore, #tpu.memory_space<semaphore_mem>>
    %dma_wait3A_85 = arith.constant 0 : i32
    %dma_wait3A_86 = tpu.memref_slice %arg3[%add3A_50, %dma_wait3A_85] : memref<16384x1000xf32, #tpu.memory_space<hbm>> -> memref<16x1000xf32, #tpu.memory_space<hbm>>
    tpu.wait_dma2 semaphore(%dma_wait3A_84 : memref<!tpu.dma_semaphore, #tpu.memory_space<semaphore_mem>>) src(%arg5 : memref<16x1000xf32, #tpu.memory_space<vmem>>) dst(%dma_wait3A_86 : memref<16x1000xf32, #tpu.memory_space<hbm>>)
    %get3A_87 = arith.constant 32 : index
    %get3A_88 = tpu.vector_load %arg4[%get3A_87] {strides = array<i32>} : memref<512xi32, #tpu.memory_space<vmem>>, vector<16xi32>,
    tpu.vector_store_idx %arg5[%iota3A, %get3A_88], %broadcast_in_dim3A_3 : memref<16x1000xf32, #tpu.memory_space<vmem>>[vector<16xi32>, vector<16xi32>], vector<16xf32>,
    tpu.vector_store_idx %arg5[%iota3A, %get3A_79], %broadcast_in_dim3A_5 : memref<16x1000xf32, #tpu.memory_space<vmem>>[vector<16xi32>, vector<16xi32>], vector<16xf32>,
    %add3A_89 = arith.constant 64 : i32
    %add3A_90 = arith.addi %mul3A_2, %add3A_89 : i32
    %dma_start3A_91 = arith.constant 0 : i32
    %dma_start3A_92 = arith.constant 0 : i32
    %dma_start3A_93 = tpu.memref_slice %arg3[%add3A_90, %dma_start3A_92] : memref<16384x1000xf32, #tpu.memory_space<hbm>> -> memref<16x1000xf32, #tpu.memory_space<hbm>>
    %dma_start3A_94 = tpu.memref_slice %arg7[%dma_start3A_91] : memref<2x!tpu.dma_semaphore, #tpu.memory_space<semaphore_mem>> -> memref<1x!tpu.dma_semaphore, #tpu.memory_space<semaphore_mem>>
    %dma_start3A_95 = tpu.memref_squeeze %dma_start3A_94 : memref<1x!tpu.dma_semaphore, #tpu.memory_space<semaphore_mem>> -> memref<!tpu.dma_semaphore, #tpu.memory_space<semaphore_mem>>
    %dma_start3A_96 = arith.constant 0 : i32
    %dma_start3A_97 = tpu.memref_slice %arg3[%add3A_90, %dma_start3A_96] : memref<16384x1000xf32, #tpu.memory_space<hbm>> -> memref<16x1000xf32, #tpu.memory_space<hbm>>
    tpu.enqueue_dma source(%arg5 : memref<16x1000xf32, #tpu.memory_space<vmem>>) target(%dma_start3A_97 : memref<16x1000xf32, #tpu.memory_space<hbm>>) target_semaphore(%dma_start3A_95 : memref<!tpu.dma_semaphore, #tpu.memory_space<semaphore_mem>>)
    %get3A_98 = arith.constant 80 : index
    %get3A_99 = tpu.vector_load %arg4[%get3A_98] {strides = array<i32>} : memref<512xi32, #tpu.memory_space<vmem>>, vector<16xi32>,
    %dma_wait3A_100 = arith.constant 1 : i32
    %dma_wait3A_101 = arith.constant 0 : i32
    %dma_wait3A_102 = tpu.memref_slice %arg3[%add3A_70, %dma_wait3A_101] : memref<16384x1000xf32, #tpu.memory_space<hbm>> -> memref<16x1000xf32, #tpu.memory_space<hbm>>
    %dma_wait3A_103 = tpu.memref_slice %arg7[%dma_wait3A_100] : memref<2x!tpu.dma_semaphore, #tpu.memory_space<semaphore_mem>> -> memref<1x!tpu.dma_semaphore, #tpu.memory_space<semaphore_mem>>
    %dma_wait3A_104 = tpu.memref_squeeze %dma_wait3A_103 : memref<1x!tpu.dma_semaphore, #tpu.memory_space<semaphore_mem>> -> memref<!tpu.dma_semaphore, #tpu.memory_space<semaphore_mem>>
    %dma_wait3A_105 = arith.constant 0 : i32
    %dma_wait3A_106 = tpu.memref_slice %arg3[%add3A_70, %dma_wait3A_105] : memref<16384x1000xf32, #tpu.memory_space<hbm>> -> memref<16x1000xf32, #tpu.memory_space<hbm>>
    tpu.wait_dma2 semaphore(%dma_wait3A_104 : memref<!tpu.dma_semaphore, #tpu.memory_space<semaphore_mem>>) src(%arg6 : memref<16x1000xf32, #tpu.memory_space<vmem>>) dst(%dma_wait3A_106 : memref<16x1000xf32, #tpu.memory_space<hbm>>)
    %get3A_107 = arith.constant 48 : index
    %get3A_108 = tpu.vector_load %arg4[%get3A_107] {strides = array<i32>} : memref<512xi32, #tpu.memory_space<vmem>>, vector<16xi32>,
    tpu.vector_store_idx %arg6[%iota3A, %get3A_108], %broadcast_in_dim3A_3 : memref<16x1000xf32, #tpu.memory_space<vmem>>[vector<16xi32>, vector<16xi32>], vector<16xf32>,
    tpu.vector_store_idx %arg6[%iota3A, %get3A_99], %broadcast_in_dim3A_5 : memref<16x1000xf32, #tpu.memory_space<vmem>>[vector<16xi32>, vector<16xi32>], vector<16xf32>,
    %add3A_109 = arith.constant 80 : i32
    %add3A_110 = arith.addi %mul3A_2, %add3A_109 : i32
    %dma_start3A_111 = arith.constant 1 : i32
    %dma_start3A_112 = arith.constant 0 : i32
    %dma_start3A_113 = tpu.memref_slice %arg3[%add3A_110, %dma_start3A_112] : memref<16384x1000xf32, #tpu.memory_space<hbm>> -> memref<16x1000xf32, #tpu.memory_space<hbm>>
    %dma_start3A_114 = tpu.memref_slice %arg7[%dma_start3A_111] : memref<2x!tpu.dma_semaphore, #tpu.memory_space<semaphore_mem>> -> memref<1x!tpu.dma_semaphore, #tpu.memory_space<semaphore_mem>>
    %dma_start3A_115 = tpu.memref_squeeze %dma_start3A_114 : memref<1x!tpu.dma_semaphore, #tpu.memory_space<semaphore_mem>> -> memref<!tpu.dma_semaphore, #tpu.memory_space<semaphore_mem>>
    %dma_start3A_116 = arith.constant 0 : i32
    %dma_start3A_117 = tpu.memref_slice %arg3[%add3A_110, %dma_start3A_116] : memref<16384x1000xf32, #tpu.memory_space<hbm>> -> memref<16x1000xf32, #tpu.memory_space<hbm>>
    tpu.enqueue_dma source(%arg6 : memref<16x1000xf32, #tpu.memory_space<vmem>>) target(%dma_start3A_117 : memref<16x1000xf32, #tpu.memory_space<hbm>>) target_semaphore(%dma_start3A_115 : memref<!tpu.dma_semaphore, #tpu.memory_space<semaphore_mem>>)
    %get3A_118 = arith.constant 96 : index
    %get3A_119 = tpu.vector_load %arg4[%get3A_118] {strides = array<i32>} : memref<512xi32, #tpu.memory_space<vmem>>, vector<16xi32>,
    %dma_wait3A_120 = arith.constant 0 : i32
    %dma_wait3A_121 = arith.constant 0 : i32
    %dma_wait3A_122 = tpu.memref_slice %arg3[%add3A_90, %dma_wait3A_121] : memref<16384x1000xf32, #tpu.memory_space<hbm>> -> memref<16x1000xf32, #tpu.memory_space<hbm>>
    %dma_wait3A_123 = tpu.memref_slice %arg7[%dma_wait3A_120] : memref<2x!tpu.dma_semaphore, #tpu.memory_space<semaphore_mem>> -> memref<1x!tpu.dma_semaphore, #tpu.memory_space<semaphore_mem>>
    %dma_wait3A_124 = tpu.memref_squeeze %dma_wait3A_123 : memref<1x!tpu.dma_semaphore, #tpu.memory_space<semaphore_mem>> -> memref<!tpu.dma_semaphore, #tpu.memory_space<semaphore_mem>>
    %dma_wait3A_125 = arith.constant 0 : i32
    %dma_wait3A_126 = tpu.memref_slice %arg3[%add3A_90, %dma_wait3A_125] : memref<16384x1000xf32, #tpu.memory_space<hbm>> -> memref<16x1000xf32, #tpu.memory_space<hbm>>
    tpu.wait_dma2 semaphore(%dma_wait3A_124 : memref<!tpu.dma_semaphore, #tpu.memory_space<semaphore_mem>>) src(%arg5 : memref<16x1000xf32, #tpu.memory_space<vmem>>) dst(%dma_wait3A_126 : memref<16x1000xf32, #tpu.memory_space<hbm>>)
    %get3A_127 = arith.constant 64 : index
    %get3A_128 = tpu.vector_load %arg4[%get3A_127] {strides = array<i32>} : memref<512xi32, #tpu.memory_space<vmem>>, vector<16xi32>,
    tpu.vector_store_idx %arg5[%iota3A, %get3A_128], %broadcast_in_dim3A_3 : memref<16x1000xf32, #tpu.memory_space<vmem>>[vector<16xi32>, vector<16xi32>], vector<16xf32>,
    tpu.vector_store_idx %arg5[%iota3A, %get3A_119], %broadcast_in_dim3A_5 : memref<16x1000xf32, #tpu.memory_space<vmem>>[vector<16xi32>, vector<16xi32>], vector<16xf32>,
    %add3A_129 = arith.constant 96 : i32
    %add3A_130 = arith.addi %mul3A_2, %add3A_129 : i32
    %dma_start3A_131 = arith.constant 0 : i32
    %dma_start3A_132 = arith.constant 0 : i32
    %dma_start3A_133 = tpu.memref_slice %arg3[%add3A_130, %dma_start3A_132] : memref<16384x1000xf32, #tpu.memory_space<hbm>> -> memref<16x1000xf32, #tpu.memory_space<hbm>>
    %dma_start3A_134 = tpu.memref_slice %arg7[%dma_start3A_131] : memref<2x!tpu.dma_semaphore, #tpu.memory_space<semaphore_mem>> -> memref<1x!tpu.dma_semaphore, #tpu.memory_space<semaphore_mem>>
    %dma_start3A_135 = tpu.memref_squeeze %dma_start3A_134 : memref<1x!tpu.dma_semaphore, #tpu.memory_space<semaphore_mem>> -> memref<!tpu.dma_semaphore, #tpu.memory_space<semaphore_mem>>
    %dma_start3A_136 = arith.constant 0 : i32
    %dma_start3A_137 = tpu.memref_slice %arg3[%add3A_130, %dma_start3A_136] : memref<16384x1000xf32, #tpu.memory_space<hbm>> -> memref<16x1000xf32, #tpu.memory_space<hbm>>
    tpu.enqueue_dma source(%arg5 : memref<16x1000xf32, #tpu.memory_space<vmem>>) target(%dma_start3A_137 : memref<16x1000xf32, #tpu.memory_space<hbm>>) target_semaphore(%dma_start3A_135 : memref<!tpu.dma_semaphore, #tpu.memory_space<semaphore_mem>>)
    %get3A_138 = arith.constant 112 : index
    %get3A_139 = tpu.vector_load %arg4[%get3A_138] {strides = array<i32>} : memref<512xi32, #tpu.memory_space<vmem>>, vector<16xi32>,
    %dma_wait3A_140 = arith.constant 1 : i32
    %dma_wait3A_141 = arith.constant 0 : i32
    %dma_wait3A_142 = tpu.memref_slice %arg3[%add3A_110, %dma_wait3A_141] : memref<16384x1000xf32, #tpu.memory_space<hbm>> -> memref<16x1000xf32, #tpu.memory_space<hbm>>
    %dma_wait3A_143 = tpu.memref_slice %arg7[%dma_wait3A_140] : memref<2x!tpu.dma_semaphore, #tpu.memory_space<semaphore_mem>> -> memref<1x!tpu.dma_semaphore, #tpu.memory_space<semaphore_mem>>
    %dma_wait3A_144 = tpu.memref_squeeze %dma_wait3A_143 : memref<1x!tpu.dma_semaphore, #tpu.memory_space<semaphore_mem>> -> memref<!tpu.dma_semaphore, #tpu.memory_space<semaphore_mem>>
    %dma_wait3A_145 = arith.constant 0 : i32
    %dma_wait3A_146 = tpu.memref_slice %arg3[%add3A_110, %dma_wait3A_145] : memref<16384x1000xf32, #tpu.memory_space<hbm>> -> memref<16x1000xf32, #tpu.memory_space<hbm>>
    tpu.wait_dma2 semaphore(%dma_wait3A_144 : memref<!tpu.dma_semaphore, #tpu.memory_space<semaphore_mem>>) src(%arg6 : memref<16x1000xf32, #tpu.memory_space<vmem>>) dst(%dma_wait3A_146 : memref<16x1000xf32, #tpu.memory_space<hbm>>)
    %get3A_147 = arith.constant 80 : index
    %get3A_148 = tpu.vector_load %arg4[%get3A_147] {strides = array<i32>} : memref<512xi32, #tpu.memory_space<vmem>>, vector<16xi32>,
    tpu.vector_store_idx %arg6[%iota3A, %get3A_148], %broadcast_in_dim3A_3 : memref<16x1000xf32, #tpu.memory_space<vmem>>[vector<16xi32>, vector<16xi32>], vector<16xf32>,
    tpu.vector_store_idx %arg6[%iota3A, %get3A_139], %broadcast_in_dim3A_5 : memref<16x1000xf32, #tpu.memory_space<vmem>>[vector<16xi32>, vector<16xi32>], vector<16xf32>,
    %add3A_149 = arith.constant 112 : i32
    %add3A_150 = arith.addi %mul3A_2, %add3A_149 : i32
    %dma_start3A_151 = arith.constant 1 : i32
    %dma_start3A_152 = arith.constant 0 : i32
    %dma_start3A_153 = tpu.memref_slice %arg3[%add3A_150, %dma_start3A_152] : memref<16384x1000xf32, #tpu.memory_space<hbm>> -> memref<16x1000xf32, #tpu.memory_space<hbm>>
    %dma_start3A_154 = tpu.memref_slice %arg7[%dma_start3A_151] : memref<2x!tpu.dma_semaphore, #tpu.memory_space<semaphore_mem>> -> memref<1x!tpu.dma_semaphore, #tpu.memory_space<semaphore_mem>>
    %dma_start3A_155 = tpu.memref_squeeze %dma_start3A_154 : memref<1x!tpu.dma_semaphore, #tpu.memory_space<semaphore_mem>> -> memref<!tpu.dma_semaphore, #tpu.memory_space<semaphore_mem>>
    %dma_start3A_156 = arith.constant 0 : i32
    %dma_start3A_157 = tpu.memref_slice %arg3[%add3A_150, %dma_start3A_156] : memref<16384x1000xf32, #tpu.memory_space<hbm>> -> memref<16x1000xf32, #tpu.memory_space<hbm>>
    tpu.enqueue_dma source(%arg6 : memref<16x1000xf32, #tpu.memory_space<vmem>>) target(%dma_start3A_157 : memref<16x1000xf32, #tpu.memory_space<hbm>>) target_semaphore(%dma_start3A_155 : memref<!tpu.dma_semaphore, #tpu.memory_space<semaphore_mem>>)
    %get3A_158 = arith.constant 128 : index
    %get3A_159 = tpu.vector_load %arg4[%get3A_158] {strides = array<i32>} : memref<512xi32, #tpu.memory_space<vmem>>, vector<16xi32>,
    %dma_wait3A_160 = arith.constant 0 : i32
    %dma_wait3A_161 = arith.constant 0 : i32
    %dma_wait3A_162 = tpu.memref_slice %arg3[%add3A_130, %dma_wait3A_161] : memref<16384x1000xf32, #tpu.memory_space<hbm>> -> memref<16x1000xf32, #tpu.memory_space<hbm>>
    %dma_wait3A_163 = tpu.memref_slice %arg7[%dma_wait3A_160] : memref<2x!tpu.dma_semaphore, #tpu.memory_space<semaphore_mem>> -> memref<1x!tpu.dma_semaphore, #tpu.memory_space<semaphore_mem>>
    %dma_wait3A_164 = tpu.memref_squeeze %dma_wait3A_163 : memref<1x!tpu.dma_semaphore, #tpu.memory_space<semaphore_mem>> -> memref<!tpu.dma_semaphore, #tpu.memory_space<semaphore_mem>>
    %dma_wait3A_165 = arith.constant 0 : i32
    %dma_wait3A_166 = tpu.memref_slice %arg3[%add3A_130, %dma_wait3A_165] : memref<16384x1000xf32, #tpu.memory_space<hbm>> -> memref<16x1000xf32, #tpu.memory_space<hbm>>
    tpu.wait_dma2 semaphore(%dma_wait3A_164 : memref<!tpu.dma_semaphore, #tpu.memory_space<semaphore_mem>>) src(%arg5 : memref<16x1000xf32, #tpu.memory_space<vmem>>) dst(%dma_wait3A_166 : memref<16x1000xf32, #tpu.memory_space<hbm>>)
    %get3A_167 = arith.constant 96 : index
    %get3A_168 = tpu.vector_load %arg4[%get3A_167] {strides = array<i32>} : memref<512xi32, #tpu.memory_space<vmem>>, vector<16xi32>,
    tpu.vector_store_idx %arg5[%iota3A, %get3A_168], %broadcast_in_dim3A_3 : memref<16x1000xf32, #tpu.memory_space<vmem>>[vector<16xi32>, vector<16xi32>], vector<16xf32>,
    tpu.vector_store_idx %arg5[%iota3A, %get3A_159], %broadcast_in_dim3A_5 : memref<16x1000xf32, #tpu.memory_space<vmem>>[vector<16xi32>, vector<16xi32>], vector<16xf32>,
    %add3A_169 = arith.constant 128 : i32
    %add3A_170 = arith.addi %mul3A_2, %add3A_169 : i32
    %dma_start3A_171 = arith.constant 0 : i32
    %dma_start3A_172 = arith.constant 0 : i32
    %dma_start3A_173 = tpu.memref_slice %arg3[%add3A_170, %dma_start3A_172] : memref<16384x1000xf32, #tpu.memory_space<hbm>> -> memref<16x1000xf32, #tpu.memory_space<hbm>>
    %dma_start3A_174 = tpu.memref_slice %arg7[%dma_start3A_171] : memref<2x!tpu.dma_semaphore, #tpu.memory_space<semaphore_mem>> -> memref<1x!tpu.dma_semaphore, #tpu.memory_space<semaphore_mem>>
    %dma_start3A_175 = tpu.memref_squeeze %dma_start3A_174 : memref<1x!tpu.dma_semaphore, #tpu.memory_space<semaphore_mem>> -> memref<!tpu.dma_semaphore, #tpu.memory_space<semaphore_mem>>
    %dma_start3A_176 = arith.constant 0 : i32
    %dma_start3A_177 = tpu.memref_slice %arg3[%add3A_170, %dma_start3A_176] : memref<16384x1000xf32, #tpu.memory_space<hbm>> -> memref<16x1000xf32, #tpu.memory_space<hbm>>
    tpu.enqueue_dma source(%arg5 : memref<16x1000xf32, #tpu.memory_space<vmem>>) target(%dma_start3A_177 : memref<16x1000xf32, #tpu.memory_space<hbm>>) target_semaphore(%dma_start3A_175 : memref<!tpu.dma_semaphore, #tpu.memory_space<semaphore_mem>>)
    %get3A_178 = arith.constant 144 : index
    %get3A_179 = tpu.vector_load %arg4[%get3A_178] {strides = array<i32>} : memref<512xi32, #tpu.memory_space<vmem>>, vector<16xi32>,
    %dma_wait3A_180 = arith.constant 1 : i32
    %dma_wait3A_181 = arith.constant 0 : i32
    %dma_wait3A_182 = tpu.memref_slice %arg3[%add3A_150, %dma_wait3A_181] : memref<16384x1000xf32, #tpu.memory_space<hbm>> -> memref<16x1000xf32, #tpu.memory_space<hbm>>
    %dma_wait3A_183 = tpu.memref_slice %arg7[%dma_wait3A_180] : memref<2x!tpu.dma_semaphore, #tpu.memory_space<semaphore_mem>> -> memref<1x!tpu.dma_semaphore, #tpu.memory_space<semaphore_mem>>
    %dma_wait3A_184 = tpu.memref_squeeze %dma_wait3A_183 : memref<1x!tpu.dma_semaphore, #tpu.memory_space<semaphore_mem>> -> memref<!tpu.dma_semaphore, #tpu.memory_space<semaphore_mem>>
    %dma_wait3A_185 = arith.constant 0 : i32
    %dma_wait3A_186 = tpu.memref_slice %arg3[%add3A_150, %dma_wait3A_185] : memref<16384x1000xf32, #tpu.memory_space<hbm>> -> memref<16x1000xf32, #tpu.memory_space<hbm>>
    tpu.wait_dma2 semaphore(%dma_wait3A_184 : memref<!tpu.dma_semaphore, #tpu.memory_space<semaphore_mem>>) src(%arg6 : memref<16x1000xf32, #tpu.memory_space<vmem>>) dst(%dma_wait3A_186 : memref<16x1000xf32, #tpu.memory_space<hbm>>)
    %get3A_187 = arith.constant 112 : index
    %get3A_188 = tpu.vector_load %arg4[%get3A_187] {strides = array<i32>} : memref<512xi32, #tpu.memory_space<vmem>>, vector<16xi32>,
    tpu.vector_store_idx %arg6[%iota3A, %get3A_188], %broadcast_in_dim3A_3 : memref<16x1000xf32, #tpu.memory_space<vmem>>[vector<16xi32>, vector<16xi32>], vector<16xf32>,
    tpu.vector_store_idx %arg6[%iota3A, %get3A_179], %broadcast_in_dim3A_5 : memref<16x1000xf32, #tpu.memory_space<vmem>>[vector<16xi32>, vector<16xi32>], vector<16xf32>,
    %add3A_189 = arith.constant 144 : i32
    %add3A_190 = arith.addi %mul3A_2, %add3A_189 : i32
    %dma_start3A_191 = arith.constant 1 : i32
    %dma_start3A_192 = arith.constant 0 : i32
    %dma_start3A_193 = tpu.memref_slice %arg3[%add3A_190, %dma_start3A_192] : memref<16384x1000xf32, #tpu.memory_space<hbm>> -> memref<16x1000xf32, #tpu.memory_space<hbm>>
    %dma_start3A_194 = tpu.memref_slice %arg7[%dma_start3A_191] : memref<2x!tpu.dma_semaphore, #tpu.memory_space<semaphore_mem>> -> memref<1x!tpu.dma_semaphore, #tpu.memory_space<semaphore_mem>>
    %dma_start3A_195 = tpu.memref_squeeze %dma_start3A_194 : memref<1x!tpu.dma_semaphore, #tpu.memory_space<semaphore_mem>> -> memref<!tpu.dma_semaphore, #tpu.memory_space<semaphore_mem>>
    %dma_start3A_196 = arith.constant 0 : i32
    %dma_start3A_197 = tpu.memref_slice %arg3[%add3A_190, %dma_start3A_196] : memref<16384x1000xf32, #tpu.memory_space<hbm>> -> memref<16x1000xf32, #tpu.memory_space<hbm>>
    tpu.enqueue_dma source(%arg6 : memref<16x1000xf32, #tpu.memory_space<vmem>>) target(%dma_start3A_197 : memref<16x1000xf32, #tpu.memory_space<hbm>>) target_semaphore(%dma_start3A_195 : memref<!tpu.dma_semaphore, #tpu.memory_space<semaphore_mem>>)
    %get3A_198 = arith.constant 160 : index
    %get3A_199 = tpu.vector_load %arg4[%get3A_198] {strides = array<i32>} : memref<512xi32, #tpu.memory_space<vmem>>, vector<16xi32>,
    %dma_wait3A_200 = arith.constant 0 : i32
    %dma_wait3A_201 = arith.constant 0 : i32
    %dma_wait3A_202 = tpu.memref_slice %arg3[%add3A_170, %dma_wait3A_201] : memref<16384x1000xf32, #tpu.memory_space<hbm>> -> memref<16x1000xf32, #tpu.memory_space<hbm>>
    %dma_wait3A_203 = tpu.memref_slice %arg7[%dma_wait3A_200] : memref<2x!tpu.dma_semaphore, #tpu.memory_space<semaphore_mem>> -> memref<1x!tpu.dma_semaphore, #tpu.memory_space<semaphore_mem>>
    %dma_wait3A_204 = tpu.memref_squeeze %dma_wait3A_203 : memref<1x!tpu.dma_semaphore, #tpu.memory_space<semaphore_mem>> -> memref<!tpu.dma_semaphore, #tpu.memory_space<semaphore_mem>>
    %dma_wait3A_205 = arith.constant 0 : i32
    %dma_wait3A_206 = tpu.memref_slice %arg3[%add3A_170, %dma_wait3A_205] : memref<16384x1000xf32, #tpu.memory_space<hbm>> -> memref<16x1000xf32, #tpu.memory_space<hbm>>
    tpu.wait_dma2 semaphore(%dma_wait3A_204 : memref<!tpu.dma_semaphore, #tpu.memory_space<semaphore_mem>>) src(%arg5 : memref<16x1000xf32, #tpu.memory_space<vmem>>) dst(%dma_wait3A_206 : memref<16x1000xf32, #tpu.memory_space<hbm>>)
    %get3A_207 = arith.constant 128 : index
    %get3A_208 = tpu.vector_load %arg4[%get3A_207] {strides = array<i32>} : memref<512xi32, #tpu.memory_space<vmem>>, vector<16xi32>,
    tpu.vector_store_idx %arg5[%iota3A, %get3A_208], %broadcast_in_dim3A_3 : memref<16x1000xf32, #tpu.memory_space<vmem>>[vector<16xi32>, vector<16xi32>], vector<16xf32>,
    tpu.vector_store_idx %arg5[%iota3A, %get3A_199], %broadcast_in_dim3A_5 : memref<16x1000xf32, #tpu.memory_space<vmem>>[vector<16xi32>, vector<16xi32>], vector<16xf32>,
    %add3A_209 = arith.constant 160 : i32
    %add3A_210 = arith.addi %mul3A_2, %add3A_209 : i32
    %dma_start3A_211 = arith.constant 0 : i32
    %dma_start3A_212 = arith.constant 0 : i32
    %dma_start3A_213 = tpu.memref_slice %arg3[%add3A_210, %dma_start3A_212] : memref<16384x1000xf32, #tpu.memory_space<hbm>> -> memref<16x1000xf32, #tpu.memory_space<hbm>>
    %dma_start3A_214 = tpu.memref_slice %arg7[%dma_start3A_211] : memref<2x!tpu.dma_semaphore, #tpu.memory_space<semaphore_mem>> -> memref<1x!tpu.dma_semaphore, #tpu.memory_space<semaphore_mem>>
    %dma_start3A_215 = tpu.memref_squeeze %dma_start3A_214 : memref<1x!tpu.dma_semaphore, #tpu.memory_space<semaphore_mem>> -> memref<!tpu.dma_semaphore, #tpu.memory_space<semaphore_mem>>
    %dma_start3A_216 = arith.constant 0 : i32
    %dma_start3A_217 = tpu.memref_slice %arg3[%add3A_210, %dma_start3A_216] : memref<16384x1000xf32, #tpu.memory_space<hbm>> -> memref<16x1000xf32, #tpu.memory_space<hbm>>
    tpu.enqueue_dma source(%arg5 : memref<16x1000xf32, #tpu.memory_space<vmem>>) target(%dma_start3A_217 : memref<16x1000xf32, #tpu.memory_space<hbm>>) target_semaphore(%dma_start3A_215 : memref<!tpu.dma_semaphore, #tpu.memory_space<semaphore_mem>>)
    %get3A_218 = arith.constant 176 : index
    %get3A_219 = tpu.vector_load %arg4[%get3A_218] {strides = array<i32>} : memref<512xi32, #tpu.memory_space<vmem>>, vector<16xi32>,
    %dma_wait3A_220 = arith.constant 1 : i32
    %dma_wait3A_221 = arith.constant 0 : i32
    %dma_wait3A_222 = tpu.memref_slice %arg3[%add3A_190, %dma_wait3A_221] : memref<16384x1000xf32, #tpu.memory_space<hbm>> -> memref<16x1000xf32, #tpu.memory_space<hbm>>
    %dma_wait3A_223 = tpu.memref_slice %arg7[%dma_wait3A_220] : memref<2x!tpu.dma_semaphore, #tpu.memory_space<semaphore_mem>> -> memref<1x!tpu.dma_semaphore, #tpu.memory_space<semaphore_mem>>
    %dma_wait3A_224 = tpu.memref_squeeze %dma_wait3A_223 : memref<1x!tpu.dma_semaphore, #tpu.memory_space<semaphore_mem>> -> memref<!tpu.dma_semaphore, #tpu.memory_space<semaphore_mem>>
    %dma_wait3A_225 = arith.constant 0 : i32
    %dma_wait3A_226 = tpu.memref_slice %arg3[%add3A_190, %dma_wait3A_225] : memref<16384x1000xf32, #tpu.memory_space<hbm>> -> memref<16x1000xf32, #tpu.memory_space<hbm>>
    tpu.wait_dma2 semaphore(%dma_wait3A_224 : memref<!tpu.dma_semaphore, #tpu.memory_space<semaphore_mem>>) src(%arg6 : memref<16x1000xf32, #tpu.memory_space<vmem>>) dst(%dma_wait3A_226 : memref<16x1000xf32, #tpu.memory_space<hbm>>)
    %get3A_227 = arith.constant 144 : index
    %get3A_228 = tpu.vector_load %arg4[%get3A_227] {strides = array<i32>} : memref<512xi32, #tpu.memory_space<vmem>>, vector<16xi32>,
    tpu.vector_store_idx %arg6[%iota3A, %get3A_228], %broadcast_in_dim3A_3 : memref<16x1000xf32, #tpu.memory_space<vmem>>[vector<16xi32>, vector<16xi32>], vector<16xf32>,
    tpu.vector_store_idx %arg6[%iota3A, %get3A_219], %broadcast_in_dim3A_5 : memref<16x1000xf32, #tpu.memory_space<vmem>>[vector<16xi32>, vector<16xi32>], vector<16xf32>,
    %add3A_229 = arith.constant 176 : i32
    %add3A_230 = arith.addi %mul3A_2, %add3A_229 : i32
    %dma_start3A_231 = arith.constant 1 : i32
    %dma_start3A_232 = arith.constant 0 : i32
    %dma_start3A_233 = tpu.memref_slice %arg3[%add3A_230, %dma_start3A_232] : memref<16384x1000xf32, #tpu.memory_space<hbm>> -> memref<16x1000xf32, #tpu.memory_space<hbm>>
    %dma_start3A_234 = tpu.memref_slice %arg7[%dma_start3A_231] : memref<2x!tpu.dma_semaphore, #tpu.memory_space<semaphore_mem>> -> memref<1x!tpu.dma_semaphore, #tpu.memory_space<semaphore_mem>>
    %dma_start3A_235 = tpu.memref_squeeze %dma_start3A_234 : memref<1x!tpu.dma_semaphore, #tpu.memory_space<semaphore_mem>> -> memref<!tpu.dma_semaphore, #tpu.memory_space<semaphore_mem>>
    %dma_start3A_236 = arith.constant 0 : i32
    %dma_start3A_237 = tpu.memref_slice %arg3[%add3A_230, %dma_start3A_236] : memref<16384x1000xf32, #tpu.memory_space<hbm>> -> memref<16x1000xf32, #tpu.memory_space<hbm>>
    tpu.enqueue_dma source(%arg6 : memref<16x1000xf32, #tpu.memory_space<vmem>>) target(%dma_start3A_237 : memref<16x1000xf32, #tpu.memory_space<hbm>>) target_semaphore(%dma_start3A_235 : memref<!tpu.dma_semaphore, #tpu.memory_space<semaphore_mem>>)
    %get3A_238 = arith.constant 192 : index
    %get3A_239 = tpu.vector_load %arg4[%get3A_238] {strides = array<i32>} : memref<512xi32, #tpu.memory_space<vmem>>, vector<16xi32>,
    %dma_wait3A_240 = arith.constant 0 : i32
    %dma_wait3A_241 = arith.constant 0 : i32
    %dma_wait3A_242 = tpu.memref_slice %arg3[%add3A_210, %dma_wait3A_241] : memref<16384x1000xf32, #tpu.memory_space<hbm>> -> memref<16x1000xf32, #tpu.memory_space<hbm>>
    %dma_wait3A_243 = tpu.memref_slice %arg7[%dma_wait3A_240] : memref<2x!tpu.dma_semaphore, #tpu.memory_space<semaphore_mem>> -> memref<1x!tpu.dma_semaphore, #tpu.memory_space<semaphore_mem>>
    %dma_wait3A_244 = tpu.memref_squeeze %dma_wait3A_243 : memref<1x!tpu.dma_semaphore, #tpu.memory_space<semaphore_mem>> -> memref<!tpu.dma_semaphore, #tpu.memory_space<semaphore_mem>>
    %dma_wait3A_245 = arith.constant 0 : i32
    %dma_wait3A_246 = tpu.memref_slice %arg3[%add3A_210, %dma_wait3A_245] : memref<16384x1000xf32, #tpu.memory_space<hbm>> -> memref<16x1000xf32, #tpu.memory_space<hbm>>
    tpu.wait_dma2 semaphore(%dma_wait3A_244 : memref<!tpu.dma_semaphore, #tpu.memory_space<semaphore_mem>>) src(%arg5 : memref<16x1000xf32, #tpu.memory_space<vmem>>) dst(%dma_wait3A_246 : memref<16x1000xf32, #tpu.memory_space<hbm>>)
    %get3A_247 = arith.constant 160 : index
    %get3A_248 = tpu.vector_load %arg4[%get3A_247] {strides = array<i32>} : memref<512xi32, #tpu.memory_space<vmem>>, vector<16xi32>,
    tpu.vector_store_idx %arg5[%iota3A, %get3A_248], %broadcast_in_dim3A_3 : memref<16x1000xf32, #tpu.memory_space<vmem>>[vector<16xi32>, vector<16xi32>], vector<16xf32>,
    tpu.vector_store_idx %arg5[%iota3A, %get3A_239], %broadcast_in_dim3A_5 : memref<16x1000xf32, #tpu.memory_space<vmem>>[vector<16xi32>, vector<16xi32>], vector<16xf32>,
    %add3A_249 = arith.constant 192 : i32
    %add3A_250 = arith.addi %mul3A_2, %add3A_249 : i32
    %dma_start3A_251 = arith.constant 0 : i32
    %dma_start3A_252 = arith.constant 0 : i32
    %dma_start3A_253 = tpu.memref_slice %arg3[%add3A_250, %dma_start3A_252] : memref<16384x1000xf32, #tpu.memory_space<hbm>> -> memref<16x1000xf32, #tpu.memory_space<hbm>>
    %dma_start3A_254 = tpu.memref_slice %arg7[%dma_start3A_251] : memref<2x!tpu.dma_semaphore, #tpu.memory_space<semaphore_mem>> -> memref<1x!tpu.dma_semaphore, #tpu.memory_space<semaphore_mem>>
    %dma_start3A_255 = tpu.memref_squeeze %dma_start3A_254 : memref<1x!tpu.dma_semaphore, #tpu.memory_space<semaphore_mem>> -> memref<!tpu.dma_semaphore, #tpu.memory_space<semaphore_mem>>
    %dma_start3A_256 = arith.constant 0 : i32
    %dma_start3A_257 = tpu.memref_slice %arg3[%add3A_250, %dma_start3A_256] : memref<16384x1000xf32, #tpu.memory_space<hbm>> -> memref<16x1000xf32, #tpu.memory_space<hbm>>
    tpu.enqueue_dma source(%arg5 : memref<16x1000xf32, #tpu.memory_space<vmem>>) target(%dma_start3A_257 : memref<16x1000xf32, #tpu.memory_space<hbm>>) target_semaphore(%dma_start3A_255 : memref<!tpu.dma_semaphore, #tpu.memory_space<semaphore_mem>>)
    %get3A_258 = arith.constant 208 : index
    %get3A_259 = tpu.vector_load %arg4[%get3A_258] {strides = array<i32>} : memref<512xi32, #tpu.memory_space<vmem>>, vector<16xi32>,
    %dma_wait3A_260 = arith.constant 1 : i32
    %dma_wait3A_261 = arith.constant 0 : i32
    %dma_wait3A_262 = tpu.memref_slice %arg3[%add3A_230, %dma_wait3A_261] : memref<16384x1000xf32, #tpu.memory_space<hbm>> -> memref<16x1000xf32, #tpu.memory_space<hbm>>
    %dma_wait3A_263 = tpu.memref_slice %arg7[%dma_wait3A_260] : memref<2x!tpu.dma_semaphore, #tpu.memory_space<semaphore_mem>> -> memref<1x!tpu.dma_semaphore, #tpu.memory_space<semaphore_mem>>
    %dma_wait3A_264 = tpu.memref_squeeze %dma_wait3A_263 : memref<1x!tpu.dma_semaphore, #tpu.memory_space<semaphore_mem>> -> memref<!tpu.dma_semaphore, #tpu.memory_space<semaphore_mem>>
    %dma_wait3A_265 = arith.constant 0 : i32
    %dma_wait3A_266 = tpu.memref_slice %arg3[%add3A_230, %dma_wait3A_265] : memref<16384x1000xf32, #tpu.memory_space<hbm>> -> memref<16x1000xf32, #tpu.memory_space<hbm>>
    tpu.wait_dma2 semaphore(%dma_wait3A_264 : memref<!tpu.dma_semaphore, #tpu.memory_space<semaphore_mem>>) src(%arg6 : memref<16x1000xf32, #tpu.memory_space<vmem>>) dst(%dma_wait3A_266 : memref<16x1000xf32, #tpu.memory_space<hbm>>)
    %get3A_267 = arith.constant 176 : index
    %get3A_268 = tpu.vector_load %arg4[%get3A_267] {strides = array<i32>} : memref<512xi32, #tpu.memory_space<vmem>>, vector<16xi32>,
    tpu.vector_store_idx %arg6[%iota3A, %get3A_268], %broadcast_in_dim3A_3 : memref<16x1000xf32, #tpu.memory_space<vmem>>[vector<16xi32>, vector<16xi32>], vector<16xf32>,
    tpu.vector_store_idx %arg6[%iota3A, %get3A_259], %broadcast_in_dim3A_5 : memref<16x1000xf32, #tpu.memory_space<vmem>>[vector<16xi32>, vector<16xi32>], vector<16xf32>,
    %add3A_269 = arith.constant 208 : i32
    %add3A_270 = arith.addi %mul3A_2, %add3A_269 : i32
    %dma_start3A_271 = arith.constant 1 : i32
    %dma_start3A_272 = arith.constant 0 : i32
    %dma_start3A_273 = tpu.memref_slice %arg3[%add3A_270, %dma_start3A_272] : memref<16384x1000xf32, #tpu.memory_space<hbm>> -> memref<16x1000xf32, #tpu.memory_space<hbm>>
    %dma_start3A_274 = tpu.memref_slice %arg7[%dma_start3A_271] : memref<2x!tpu.dma_semaphore, #tpu.memory_space<semaphore_mem>> -> memref<1x!tpu.dma_semaphore, #tpu.memory_space<semaphore_mem>>
    %dma_start3A_275 = tpu.memref_squeeze %dma_start3A_274 : memref<1x!tpu.dma_semaphore, #tpu.memory_space<semaphore_mem>> -> memref<!tpu.dma_semaphore, #tpu.memory_space<semaphore_mem>>
    %dma_start3A_276 = arith.constant 0 : i32
    %dma_start3A_277 = tpu.memref_slice %arg3[%add3A_270, %dma_start3A_276] : memref<16384x1000xf32, #tpu.memory_space<hbm>> -> memref<16x1000xf32, #tpu.memory_space<hbm>>
    tpu.enqueue_dma source(%arg6 : memref<16x1000xf32, #tpu.memory_space<vmem>>) target(%dma_start3A_277 : memref<16x1000xf32, #tpu.memory_space<hbm>>) target_semaphore(%dma_start3A_275 : memref<!tpu.dma_semaphore, #tpu.memory_space<semaphore_mem>>)
    %get3A_278 = arith.constant 224 : index
    %get3A_279 = tpu.vector_load %arg4[%get3A_278] {strides = array<i32>} : memref<512xi32, #tpu.memory_space<vmem>>, vector<16xi32>,
    %dma_wait3A_280 = arith.constant 0 : i32
    %dma_wait3A_281 = arith.constant 0 : i32
    %dma_wait3A_282 = tpu.memref_slice %arg3[%add3A_250, %dma_wait3A_281] : memref<16384x1000xf32, #tpu.memory_space<hbm>> -> memref<16x1000xf32, #tpu.memory_space<hbm>>
    %dma_wait3A_283 = tpu.memref_slice %arg7[%dma_wait3A_280] : memref<2x!tpu.dma_semaphore, #tpu.memory_space<semaphore_mem>> -> memref<1x!tpu.dma_semaphore, #tpu.memory_space<semaphore_mem>>
    %dma_wait3A_284 = tpu.memref_squeeze %dma_wait3A_283 : memref<1x!tpu.dma_semaphore, #tpu.memory_space<semaphore_mem>> -> memref<!tpu.dma_semaphore, #tpu.memory_space<semaphore_mem>>
    %dma_wait3A_285 = arith.constant 0 : i32
    %dma_wait3A_286 = tpu.memref_slice %arg3[%add3A_250, %dma_wait3A_285] : memref<16384x1000xf32, #tpu.memory_space<hbm>> -> memref<16x1000xf32, #tpu.memory_space<hbm>>
    tpu.wait_dma2 semaphore(%dma_wait3A_284 : memref<!tpu.dma_semaphore, #tpu.memory_space<semaphore_mem>>) src(%arg5 : memref<16x1000xf32, #tpu.memory_space<vmem>>) dst(%dma_wait3A_286 : memref<16x1000xf32, #tpu.memory_space<hbm>>)
    %get3A_287 = arith.constant 192 : index
    %get3A_288 = tpu.vector_load %arg4[%get3A_287] {strides = array<i32>} : memref<512xi32, #tpu.memory_space<vmem>>, vector<16xi32>,
    tpu.vector_store_idx %arg5[%iota3A, %get3A_288], %broadcast_in_dim3A_3 : memref<16x1000xf32, #tpu.memory_space<vmem>>[vector<16xi32>, vector<16xi32>], vector<16xf32>,
    tpu.vector_store_idx %arg5[%iota3A, %get3A_279], %broadcast_in_dim3A_5 : memref<16x1000xf32, #tpu.memory_space<vmem>>[vector<16xi32>, vector<16xi32>], vector<16xf32>,
    %add3A_289 = arith.constant 224 : i32
    %add3A_290 = arith.addi %mul3A_2, %add3A_289 : i32
    %dma_start3A_291 = arith.constant 0 : i32
    %dma_start3A_292 = arith.constant 0 : i32
    %dma_start3A_293 = tpu.memref_slice %arg3[%add3A_290, %dma_start3A_292] : memref<16384x1000xf32, #tpu.memory_space<hbm>> -> memref<16x1000xf32, #tpu.memory_space<hbm>>
    %dma_start3A_294 = tpu.memref_slice %arg7[%dma_start3A_291] : memref<2x!tpu.dma_semaphore, #tpu.memory_space<semaphore_mem>> -> memref<1x!tpu.dma_semaphore, #tpu.memory_space<semaphore_mem>>
    %dma_start3A_295 = tpu.memref_squeeze %dma_start3A_294 : memref<1x!tpu.dma_semaphore, #tpu.memory_space<semaphore_mem>> -> memref<!tpu.dma_semaphore, #tpu.memory_space<semaphore_mem>>
    %dma_start3A_296 = arith.constant 0 : i32
    %dma_start3A_297 = tpu.memref_slice %arg3[%add3A_290, %dma_start3A_296] : memref<16384x1000xf32, #tpu.memory_space<hbm>> -> memref<16x1000xf32, #tpu.memory_space<hbm>>
    tpu.enqueue_dma source(%arg5 : memref<16x1000xf32, #tpu.memory_space<vmem>>) target(%dma_start3A_297 : memref<16x1000xf32, #tpu.memory_space<hbm>>) target_semaphore(%dma_start3A_295 : memref<!tpu.dma_semaphore, #tpu.memory_space<semaphore_mem>>)
    %get3A_298 = arith.constant 240 : index
    %get3A_299 = tpu.vector_load %arg4[%get3A_298] {strides = array<i32>} : memref<512xi32, #tpu.memory_space<vmem>>, vector<16xi32>,
    %dma_wait3A_300 = arith.constant 1 : i32
    %dma_wait3A_301 = arith.constant 0 : i32
    %dma_wait3A_302 = tpu.memref_slice %arg3[%add3A_270, %dma_wait3A_301] : memref<16384x1000xf32, #tpu.memory_space<hbm>> -> memref<16x1000xf32, #tpu.memory_space<hbm>>
    %dma_wait3A_303 = tpu.memref_slice %arg7[%dma_wait3A_300] : memref<2x!tpu.dma_semaphore, #tpu.memory_space<semaphore_mem>> -> memref<1x!tpu.dma_semaphore, #tpu.memory_space<semaphore_mem>>
    %dma_wait3A_304 = tpu.memref_squeeze %dma_wait3A_303 : memref<1x!tpu.dma_semaphore, #tpu.memory_space<semaphore_mem>> -> memref<!tpu.dma_semaphore, #tpu.memory_space<semaphore_mem>>
    %dma_wait3A_305 = arith.constant 0 : i32
    %dma_wait3A_306 = tpu.memref_slice %arg3[%add3A_270, %dma_wait3A_305] : memref<16384x1000xf32, #tpu.memory_space<hbm>> -> memref<16x1000xf32, #tpu.memory_space<hbm>>
    tpu.wait_dma2 semaphore(%dma_wait3A_304 : memref<!tpu.dma_semaphore, #tpu.memory_space<semaphore_mem>>) src(%arg6 : memref<16x1000xf32, #tpu.memory_space<vmem>>) dst(%dma_wait3A_306 : memref<16x1000xf32, #tpu.memory_space<hbm>>)
    %get3A_307 = arith.constant 208 : index
    %get3A_308 = tpu.vector_load %arg4[%get3A_307] {strides = array<i32>} : memref<512xi32, #tpu.memory_space<vmem>>, vector<16xi32>,
    tpu.vector_store_idx %arg6[%iota3A, %get3A_308], %broadcast_in_dim3A_3 : memref<16x1000xf32, #tpu.memory_space<vmem>>[vector<16xi32>, vector<16xi32>], vector<16xf32>,
    tpu.vector_store_idx %arg6[%iota3A, %get3A_299], %broadcast_in_dim3A_5 : memref<16x1000xf32, #tpu.memory_space<vmem>>[vector<16xi32>, vector<16xi32>], vector<16xf32>,
    %add3A_309 = arith.constant 240 : i32
    %add3A_310 = arith.addi %mul3A_2, %add3A_309 : i32
    %dma_start3A_311 = arith.constant 1 : i32
    %dma_start3A_312 = arith.constant 0 : i32
    %dma_start3A_313 = tpu.memref_slice %arg3[%add3A_310, %dma_start3A_312] : memref<16384x1000xf32, #tpu.memory_space<hbm>> -> memref<16x1000xf32, #tpu.memory_space<hbm>>
    %dma_start3A_314 = tpu.memref_slice %arg7[%dma_start3A_311] : memref<2x!tpu.dma_semaphore, #tpu.memory_space<semaphore_mem>> -> memref<1x!tpu.dma_semaphore, #tpu.memory_space<semaphore_mem>>
    %dma_start3A_315 = tpu.memref_squeeze %dma_start3A_314 : memref<1x!tpu.dma_semaphore, #tpu.memory_space<semaphore_mem>> -> memref<!tpu.dma_semaphore, #tpu.memory_space<semaphore_mem>>
    %dma_start3A_316 = arith.constant 0 : i32
    %dma_start3A_317 = tpu.memref_slice %arg3[%add3A_310, %dma_start3A_316] : memref<16384x1000xf32, #tpu.memory_space<hbm>> -> memref<16x1000xf32, #tpu.memory_space<hbm>>
    tpu.enqueue_dma source(%arg6 : memref<16x1000xf32, #tpu.memory_space<vmem>>) target(%dma_start3A_317 : memref<16x1000xf32, #tpu.memory_space<hbm>>) target_semaphore(%dma_start3A_315 : memref<!tpu.dma_semaphore, #tpu.memory_space<semaphore_mem>>)
    %get3A_318 = arith.constant 256 : index
    %get3A_319 = tpu.vector_load %arg4[%get3A_318] {strides = array<i32>} : memref<512xi32, #tpu.memory_space<vmem>>, vector<16xi32>,
    %dma_wait3A_320 = arith.constant 0 : i32
    %dma_wait3A_321 = arith.constant 0 : i32
    %dma_wait3A_322 = tpu.memref_slice %arg3[%add3A_290, %dma_wait3A_321] : memref<16384x1000xf32, #tpu.memory_space<hbm>> -> memref<16x1000xf32, #tpu.memory_space<hbm>>
    %dma_wait3A_323 = tpu.memref_slice %arg7[%dma_wait3A_320] : memref<2x!tpu.dma_semaphore, #tpu.memory_space<semaphore_mem>> -> memref<1x!tpu.dma_semaphore, #tpu.memory_space<semaphore_mem>>
    %dma_wait3A_324 = tpu.memref_squeeze %dma_wait3A_323 : memref<1x!tpu.dma_semaphore, #tpu.memory_space<semaphore_mem>> -> memref<!tpu.dma_semaphore, #tpu.memory_space<semaphore_mem>>
    %dma_wait3A_325 = arith.constant 0 : i32
    %dma_wait3A_326 = tpu.memref_slice %arg3[%add3A_290, %dma_wait3A_325] : memref<16384x1000xf32, #tpu.memory_space<hbm>> -> memref<16x1000xf32, #tpu.memory_space<hbm>>
    tpu.wait_dma2 semaphore(%dma_wait3A_324 : memref<!tpu.dma_semaphore, #tpu.memory_space<semaphore_mem>>) src(%arg5 : memref<16x1000xf32, #tpu.memory_space<vmem>>) dst(%dma_wait3A_326 : memref<16x1000xf32, #tpu.memory_space<hbm>>)
    %get3A_327 = arith.constant 224 : index
    %get3A_328 = tpu.vector_load %arg4[%get3A_327] {strides = array<i32>} : memref<512xi32, #tpu.memory_space<vmem>>, vector<16xi32>,
    tpu.vector_store_idx %arg5[%iota3A, %get3A_328], %broadcast_in_dim3A_3 : memref<16x1000xf32, #tpu.memory_space<vmem>>[vector<16xi32>, vector<16xi32>], vector<16xf32>,
    tpu.vector_store_idx %arg5[%iota3A, %get3A_319], %broadcast_in_dim3A_5 : memref<16x1000xf32, #tpu.memory_space<vmem>>[vector<16xi32>, vector<16xi32>], vector<16xf32>,
    %add3A_329 = arith.constant 256 : i32
    %add3A_330 = arith.addi %mul3A_2, %add3A_329 : i32
    %dma_start3A_331 = arith.constant 0 : i32
    %dma_start3A_332 = arith.constant 0 : i32
    %dma_start3A_333 = tpu.memref_slice %arg3[%add3A_330, %dma_start3A_332] : memref<16384x1000xf32, #tpu.memory_space<hbm>> -> memref<16x1000xf32, #tpu.memory_space<hbm>>
    %dma_start3A_334 = tpu.memref_slice %arg7[%dma_start3A_331] : memref<2x!tpu.dma_semaphore, #tpu.memory_space<semaphore_mem>> -> memref<1x!tpu.dma_semaphore, #tpu.memory_space<semaphore_mem>>
    %dma_start3A_335 = tpu.memref_squeeze %dma_start3A_334 : memref<1x!tpu.dma_semaphore, #tpu.memory_space<semaphore_mem>> -> memref<!tpu.dma_semaphore, #tpu.memory_space<semaphore_mem>>
    %dma_start3A_336 = arith.constant 0 : i32
    %dma_start3A_337 = tpu.memref_slice %arg3[%add3A_330, %dma_start3A_336] : memref<16384x1000xf32, #tpu.memory_space<hbm>> -> memref<16x1000xf32, #tpu.memory_space<hbm>>
    tpu.enqueue_dma source(%arg5 : memref<16x1000xf32, #tpu.memory_space<vmem>>) target(%dma_start3A_337 : memref<16x1000xf32, #tpu.memory_space<hbm>>) target_semaphore(%dma_start3A_335 : memref<!tpu.dma_semaphore, #tpu.memory_space<semaphore_mem>>)
    %get3A_338 = arith.constant 272 : index
    %get3A_339 = tpu.vector_load %arg4[%get3A_338] {strides = array<i32>} : memref<512xi32, #tpu.memory_space<vmem>>, vector<16xi32>,
    %dma_wait3A_340 = arith.constant 1 : i32
    %dma_wait3A_341 = arith.constant 0 : i32
    %dma_wait3A_342 = tpu.memref_slice %arg3[%add3A_310, %dma_wait3A_341] : memref<16384x1000xf32, #tpu.memory_space<hbm>> -> memref<16x1000xf32, #tpu.memory_space<hbm>>
    %dma_wait3A_343 = tpu.memref_slice %arg7[%dma_wait3A_340] : memref<2x!tpu.dma_semaphore, #tpu.memory_space<semaphore_mem>> -> memref<1x!tpu.dma_semaphore, #tpu.memory_space<semaphore_mem>>
    %dma_wait3A_344 = tpu.memref_squeeze %dma_wait3A_343 : memref<1x!tpu.dma_semaphore, #tpu.memory_space<semaphore_mem>> -> memref<!tpu.dma_semaphore, #tpu.memory_space<semaphore_mem>>
    %dma_wait3A_345 = arith.constant 0 : i32
    %dma_wait3A_346 = tpu.memref_slice %arg3[%add3A_310, %dma_wait3A_345] : memref<16384x1000xf32, #tpu.memory_space<hbm>> -> memref<16x1000xf32, #tpu.memory_space<hbm>>
    tpu.wait_dma2 semaphore(%dma_wait3A_344 : memref<!tpu.dma_semaphore, #tpu.memory_space<semaphore_mem>>) src(%arg6 : memref<16x1000xf32, #tpu.memory_space<vmem>>) dst(%dma_wait3A_346 : memref<16x1000xf32, #tpu.memory_space<hbm>>)
    %get3A_347 = arith.constant 240 : index
    %get3A_348 = tpu.vector_load %arg4[%get3A_347] {strides = array<i32>} : memref<512xi32, #tpu.memory_space<vmem>>, vector<16xi32>,
    tpu.vector_store_idx %arg6[%iota3A, %get3A_348], %broadcast_in_dim3A_3 : memref<16x1000xf32, #tpu.memory_space<vmem>>[vector<16xi32>, vector<16xi32>], vector<16xf32>,
    tpu.vector_store_idx %arg6[%iota3A, %get3A_339], %broadcast_in_dim3A_5 : memref<16x1000xf32, #tpu.memory_space<vmem>>[vector<16xi32>, vector<16xi32>], vector<16xf32>,
    %add3A_349 = arith.constant 272 : i32
    %add3A_350 = arith.addi %mul3A_2, %add3A_349 : i32
    %dma_start3A_351 = arith.constant 1 : i32
    %dma_start3A_352 = arith.constant 0 : i32
    %dma_start3A_353 = tpu.memref_slice %arg3[%add3A_350, %dma_start3A_352] : memref<16384x1000xf32, #tpu.memory_space<hbm>> -> memref<16x1000xf32, #tpu.memory_space<hbm>>
    %dma_start3A_354 = tpu.memref_slice %arg7[%dma_start3A_351] : memref<2x!tpu.dma_semaphore, #tpu.memory_space<semaphore_mem>> -> memref<1x!tpu.dma_semaphore, #tpu.memory_space<semaphore_mem>>
    %dma_start3A_355 = tpu.memref_squeeze %dma_start3A_354 : memref<1x!tpu.dma_semaphore, #tpu.memory_space<semaphore_mem>> -> memref<!tpu.dma_semaphore, #tpu.memory_space<semaphore_mem>>
    %dma_start3A_356 = arith.constant 0 : i32
    %dma_start3A_357 = tpu.memref_slice %arg3[%add3A_350, %dma_start3A_356] : memref<16384x1000xf32, #tpu.memory_space<hbm>> -> memref<16x1000xf32, #tpu.memory_space<hbm>>
    tpu.enqueue_dma source(%arg6 : memref<16x1000xf32, #tpu.memory_space<vmem>>) target(%dma_start3A_357 : memref<16x1000xf32, #tpu.memory_space<hbm>>) target_semaphore(%dma_start3A_355 : memref<!tpu.dma_semaphore, #tpu.memory_space<semaphore_mem>>)
    %get3A_358 = arith.constant 288 : index
    %get3A_359 = tpu.vector_load %arg4[%get3A_358] {strides = array<i32>} : memref<512xi32, #tpu.memory_space<vmem>>, vector<16xi32>,
    %dma_wait3A_360 = arith.constant 0 : i32
    %dma_wait3A_361 = arith.constant 0 : i32
    %dma_wait3A_362 = tpu.memref_slice %arg3[%add3A_330, %dma_wait3A_361] : memref<16384x1000xf32, #tpu.memory_space<hbm>> -> memref<16x1000xf32, #tpu.memory_space<hbm>>
    %dma_wait3A_363 = tpu.memref_slice %arg7[%dma_wait3A_360] : memref<2x!tpu.dma_semaphore, #tpu.memory_space<semaphore_mem>> -> memref<1x!tpu.dma_semaphore, #tpu.memory_space<semaphore_mem>>
    %dma_wait3A_364 = tpu.memref_squeeze %dma_wait3A_363 : memref<1x!tpu.dma_semaphore, #tpu.memory_space<semaphore_mem>> -> memref<!tpu.dma_semaphore, #tpu.memory_space<semaphore_mem>>
    %dma_wait3A_365 = arith.constant 0 : i32
    %dma_wait3A_366 = tpu.memref_slice %arg3[%add3A_330, %dma_wait3A_365] : memref<16384x1000xf32, #tpu.memory_space<hbm>> -> memref<16x1000xf32, #tpu.memory_space<hbm>>
    tpu.wait_dma2 semaphore(%dma_wait3A_364 : memref<!tpu.dma_semaphore, #tpu.memory_space<semaphore_mem>>) src(%arg5 : memref<16x1000xf32, #tpu.memory_space<vmem>>) dst(%dma_wait3A_366 : memref<16x1000xf32, #tpu.memory_space<hbm>>)
    %get3A_367 = arith.constant 256 : index
    %get3A_368 = tpu.vector_load %arg4[%get3A_367] {strides = array<i32>} : memref<512xi32, #tpu.memory_space<vmem>>, vector<16xi32>,
    tpu.vector_store_idx %arg5[%iota3A, %get3A_368], %broadcast_in_dim3A_3 : memref<16x1000xf32, #tpu.memory_space<vmem>>[vector<16xi32>, vector<16xi32>], vector<16xf32>,
    tpu.vector_store_idx %arg5[%iota3A, %get3A_359], %broadcast_in_dim3A_5 : memref<16x1000xf32, #tpu.memory_space<vmem>>[vector<16xi32>, vector<16xi32>], vector<16xf32>,
    %add3A_369 = arith.constant 288 : i32
    %add3A_370 = arith.addi %mul3A_2, %add3A_369 : i32
    %dma_start3A_371 = arith.constant 0 : i32
    %dma_start3A_372 = arith.constant 0 : i32
    %dma_start3A_373 = tpu.memref_slice %arg3[%add3A_370, %dma_start3A_372] : memref<16384x1000xf32, #tpu.memory_space<hbm>> -> memref<16x1000xf32, #tpu.memory_space<hbm>>
    %dma_start3A_374 = tpu.memref_slice %arg7[%dma_start3A_371] : memref<2x!tpu.dma_semaphore, #tpu.memory_space<semaphore_mem>> -> memref<1x!tpu.dma_semaphore, #tpu.memory_space<semaphore_mem>>
    %dma_start3A_375 = tpu.memref_squeeze %dma_start3A_374 : memref<1x!tpu.dma_semaphore, #tpu.memory_space<semaphore_mem>> -> memref<!tpu.dma_semaphore, #tpu.memory_space<semaphore_mem>>
    %dma_start3A_376 = arith.constant 0 : i32
    %dma_start3A_377 = tpu.memref_slice %arg3[%add3A_370, %dma_start3A_376] : memref<16384x1000xf32, #tpu.memory_space<hbm>> -> memref<16x1000xf32, #tpu.memory_space<hbm>>
    tpu.enqueue_dma source(%arg5 : memref<16x1000xf32, #tpu.memory_space<vmem>>) target(%dma_start3A_377 : memref<16x1000xf32, #tpu.memory_space<hbm>>) target_semaphore(%dma_start3A_375 : memref<!tpu.dma_semaphore, #tpu.memory_space<semaphore_mem>>)
    %get3A_378 = arith.constant 304 : index
    %get3A_379 = tpu.vector_load %arg4[%get3A_378] {strides = array<i32>} : memref<512xi32, #tpu.memory_space<vmem>>, vector<16xi32>,
    %dma_wait3A_380 = arith.constant 1 : i32
    %dma_wait3A_381 = arith.constant 0 : i32
    %dma_wait3A_382 = tpu.memref_slice %arg3[%add3A_350, %dma_wait3A_381] : memref<16384x1000xf32, #tpu.memory_space<hbm>> -> memref<16x1000xf32, #tpu.memory_space<hbm>>
    %dma_wait3A_383 = tpu.memref_slice %arg7[%dma_wait3A_380] : memref<2x!tpu.dma_semaphore, #tpu.memory_space<semaphore_mem>> -> memref<1x!tpu.dma_semaphore, #tpu.memory_space<semaphore_mem>>
    %dma_wait3A_384 = tpu.memref_squeeze %dma_wait3A_383 : memref<1x!tpu.dma_semaphore, #tpu.memory_space<semaphore_mem>> -> memref<!tpu.dma_semaphore, #tpu.memory_space<semaphore_mem>>
    %dma_wait3A_385 = arith.constant 0 : i32
    %dma_wait3A_386 = tpu.memref_slice %arg3[%add3A_350, %dma_wait3A_385] : memref<16384x1000xf32, #tpu.memory_space<hbm>> -> memref<16x1000xf32, #tpu.memory_space<hbm>>
    tpu.wait_dma2 semaphore(%dma_wait3A_384 : memref<!tpu.dma_semaphore, #tpu.memory_space<semaphore_mem>>) src(%arg6 : memref<16x1000xf32, #tpu.memory_space<vmem>>) dst(%dma_wait3A_386 : memref<16x1000xf32, #tpu.memory_space<hbm>>)
    %get3A_387 = arith.constant 272 : index
    %get3A_388 = tpu.vector_load %arg4[%get3A_387] {strides = array<i32>} : memref<512xi32, #tpu.memory_space<vmem>>, vector<16xi32>,
    tpu.vector_store_idx %arg6[%iota3A, %get3A_388], %broadcast_in_dim3A_3 : memref<16x1000xf32, #tpu.memory_space<vmem>>[vector<16xi32>, vector<16xi32>], vector<16xf32>,
    tpu.vector_store_idx %arg6[%iota3A, %get3A_379], %broadcast_in_dim3A_5 : memref<16x1000xf32, #tpu.memory_space<vmem>>[vector<16xi32>, vector<16xi32>], vector<16xf32>,
    %add3A_389 = arith.constant 304 : i32
    %add3A_390 = arith.addi %mul3A_2, %add3A_389 : i32
    %dma_start3A_391 = arith.constant 1 : i32
    %dma_start3A_392 = arith.constant 0 : i32
    %dma_start3A_393 = tpu.memref_slice %arg3[%add3A_390, %dma_start3A_392] : memref<16384x1000xf32, #tpu.memory_space<hbm>> -> memref<16x1000xf32, #tpu.memory_space<hbm>>
    %dma_start3A_394 = tpu.memref_slice %arg7[%dma_start3A_391] : memref<2x!tpu.dma_semaphore, #tpu.memory_space<semaphore_mem>> -> memref<1x!tpu.dma_semaphore, #tpu.memory_space<semaphore_mem>>
    %dma_start3A_395 = tpu.memref_squeeze %dma_start3A_394 : memref<1x!tpu.dma_semaphore, #tpu.memory_space<semaphore_mem>> -> memref<!tpu.dma_semaphore, #tpu.memory_space<semaphore_mem>>
    %dma_start3A_396 = arith.constant 0 : i32
    %dma_start3A_397 = tpu.memref_slice %arg3[%add3A_390, %dma_start3A_396] : memref<16384x1000xf32, #tpu.memory_space<hbm>> -> memref<16x1000xf32, #tpu.memory_space<hbm>>
    tpu.enqueue_dma source(%arg6 : memref<16x1000xf32, #tpu.memory_space<vmem>>) target(%dma_start3A_397 : memref<16x1000xf32, #tpu.memory_space<hbm>>) target_semaphore(%dma_start3A_395 : memref<!tpu.dma_semaphore, #tpu.memory_space<semaphore_mem>>)
    %get3A_398 = arith.constant 320 : index
    %get3A_399 = tpu.vector_load %arg4[%get3A_398] {strides = array<i32>} : memref<512xi32, #tpu.memory_space<vmem>>, vector<16xi32>,
    %dma_wait3A_400 = arith.constant 0 : i32
    %dma_wait3A_401 = arith.constant 0 : i32
    %dma_wait3A_402 = tpu.memref_slice %arg3[%add3A_370, %dma_wait3A_401] : memref<16384x1000xf32, #tpu.memory_space<hbm>> -> memref<16x1000xf32, #tpu.memory_space<hbm>>
    %dma_wait3A_403 = tpu.memref_slice %arg7[%dma_wait3A_400] : memref<2x!tpu.dma_semaphore, #tpu.memory_space<semaphore_mem>> -> memref<1x!tpu.dma_semaphore, #tpu.memory_space<semaphore_mem>>
    %dma_wait3A_404 = tpu.memref_squeeze %dma_wait3A_403 : memref<1x!tpu.dma_semaphore, #tpu.memory_space<semaphore_mem>> -> memref<!tpu.dma_semaphore, #tpu.memory_space<semaphore_mem>>
    %dma_wait3A_405 = arith.constant 0 : i32
    %dma_wait3A_406 = tpu.memref_slice %arg3[%add3A_370, %dma_wait3A_405] : memref<16384x1000xf32, #tpu.memory_space<hbm>> -> memref<16x1000xf32, #tpu.memory_space<hbm>>
    tpu.wait_dma2 semaphore(%dma_wait3A_404 : memref<!tpu.dma_semaphore, #tpu.memory_space<semaphore_mem>>) src(%arg5 : memref<16x1000xf32, #tpu.memory_space<vmem>>) dst(%dma_wait3A_406 : memref<16x1000xf32, #tpu.memory_space<hbm>>)
    %get3A_407 = arith.constant 288 : index
    %get3A_408 = tpu.vector_load %arg4[%get3A_407] {strides = array<i32>} : memref<512xi32, #tpu.memory_space<vmem>>, vector<16xi32>,
    tpu.vector_store_idx %arg5[%iota3A, %get3A_408], %broadcast_in_dim3A_3 : memref<16x1000xf32, #tpu.memory_space<vmem>>[vector<16xi32>, vector<16xi32>], vector<16xf32>,
    tpu.vector_store_idx %arg5[%iota3A, %get3A_399], %broadcast_in_dim3A_5 : memref<16x1000xf32, #tpu.memory_space<vmem>>[vector<16xi32>, vector<16xi32>], vector<16xf32>,
    %add3A_409 = arith.constant 320 : i32
    %add3A_410 = arith.addi %mul3A_2, %add3A_409 : i32
    %dma_start3A_411 = arith.constant 0 : i32
    %dma_start3A_412 = arith.constant 0 : i32
    %dma_start3A_413 = tpu.memref_slice %arg3[%add3A_410, %dma_start3A_412] : memref<16384x1000xf32, #tpu.memory_space<hbm>> -> memref<16x1000xf32, #tpu.memory_space<hbm>>
    %dma_start3A_414 = tpu.memref_slice %arg7[%dma_start3A_411] : memref<2x!tpu.dma_semaphore, #tpu.memory_space<semaphore_mem>> -> memref<1x!tpu.dma_semaphore, #tpu.memory_space<semaphore_mem>>
    %dma_start3A_415 = tpu.memref_squeeze %dma_start3A_414 : memref<1x!tpu.dma_semaphore, #tpu.memory_space<semaphore_mem>> -> memref<!tpu.dma_semaphore, #tpu.memory_space<semaphore_mem>>
    %dma_start3A_416 = arith.constant 0 : i32
    %dma_start3A_417 = tpu.memref_slice %arg3[%add3A_410, %dma_start3A_416] : memref<16384x1000xf32, #tpu.memory_space<hbm>> -> memref<16x1000xf32, #tpu.memory_space<hbm>>
    tpu.enqueue_dma source(%arg5 : memref<16x1000xf32, #tpu.memory_space<vmem>>) target(%dma_start3A_417 : memref<16x1000xf32, #tpu.memory_space<hbm>>) target_semaphore(%dma_start3A_415 : memref<!tpu.dma_semaphore, #tpu.memory_space<semaphore_mem>>)
    %get3A_418 = arith.constant 336 : index
    %get3A_419 = tpu.vector_load %arg4[%get3A_418] {strides = array<i32>} : memref<512xi32, #tpu.memory_space<vmem>>, vector<16xi32>,
    %dma_wait3A_420 = arith.constant 1 : i32
    %dma_wait3A_421 = arith.constant 0 : i32
    %dma_wait3A_422 = tpu.memref_slice %arg3[%add3A_390, %dma_wait3A_421] : memref<16384x1000xf32, #tpu.memory_space<hbm>> -> memref<16x1000xf32, #tpu.memory_space<hbm>>
    %dma_wait3A_423 = tpu.memref_slice %arg7[%dma_wait3A_420] : memref<2x!tpu.dma_semaphore, #tpu.memory_space<semaphore_mem>> -> memref<1x!tpu.dma_semaphore, #tpu.memory_space<semaphore_mem>>
    %dma_wait3A_424 = tpu.memref_squeeze %dma_wait3A_423 : memref<1x!tpu.dma_semaphore, #tpu.memory_space<semaphore_mem>> -> memref<!tpu.dma_semaphore, #tpu.memory_space<semaphore_mem>>
    %dma_wait3A_425 = arith.constant 0 : i32
    %dma_wait3A_426 = tpu.memref_slice %arg3[%add3A_390, %dma_wait3A_425] : memref<16384x1000xf32, #tpu.memory_space<hbm>> -> memref<16x1000xf32, #tpu.memory_space<hbm>>
    tpu.wait_dma2 semaphore(%dma_wait3A_424 : memref<!tpu.dma_semaphore, #tpu.memory_space<semaphore_mem>>) src(%arg6 : memref<16x1000xf32, #tpu.memory_space<vmem>>) dst(%dma_wait3A_426 : memref<16x1000xf32, #tpu.memory_space<hbm>>)
    %get3A_427 = arith.constant 304 : index
    %get3A_428 = tpu.vector_load %arg4[%get3A_427] {strides = array<i32>} : memref<512xi32, #tpu.memory_space<vmem>>, vector<16xi32>,
    tpu.vector_store_idx %arg6[%iota3A, %get3A_428], %broadcast_in_dim3A_3 : memref<16x1000xf32, #tpu.memory_space<vmem>>[vector<16xi32>, vector<16xi32>], vector<16xf32>,
    tpu.vector_store_idx %arg6[%iota3A, %get3A_419], %broadcast_in_dim3A_5 : memref<16x1000xf32, #tpu.memory_space<vmem>>[vector<16xi32>, vector<16xi32>], vector<16xf32>,
    %add3A_429 = arith.constant 336 : i32
    %add3A_430 = arith.addi %mul3A_2, %add3A_429 : i32
    %dma_start3A_431 = arith.constant 1 : i32
    %dma_start3A_432 = arith.constant 0 : i32
    %dma_start3A_433 = tpu.memref_slice %arg3[%add3A_430, %dma_start3A_432] : memref<16384x1000xf32, #tpu.memory_space<hbm>> -> memref<16x1000xf32, #tpu.memory_space<hbm>>
    %dma_start3A_434 = tpu.memref_slice %arg7[%dma_start3A_431] : memref<2x!tpu.dma_semaphore, #tpu.memory_space<semaphore_mem>> -> memref<1x!tpu.dma_semaphore, #tpu.memory_space<semaphore_mem>>
    %dma_start3A_435 = tpu.memref_squeeze %dma_start3A_434 : memref<1x!tpu.dma_semaphore, #tpu.memory_space<semaphore_mem>> -> memref<!tpu.dma_semaphore, #tpu.memory_space<semaphore_mem>>
    %dma_start3A_436 = arith.constant 0 : i32
    %dma_start3A_437 = tpu.memref_slice %arg3[%add3A_430, %dma_start3A_436] : memref<16384x1000xf32, #tpu.memory_space<hbm>> -> memref<16x1000xf32, #tpu.memory_space<hbm>>
    tpu.enqueue_dma source(%arg6 : memref<16x1000xf32, #tpu.memory_space<vmem>>) target(%dma_start3A_437 : memref<16x1000xf32, #tpu.memory_space<hbm>>) target_semaphore(%dma_start3A_435 : memref<!tpu.dma_semaphore, #tpu.memory_space<semaphore_mem>>)
    %get3A_438 = arith.constant 352 : index
    %get3A_439 = tpu.vector_load %arg4[%get3A_438] {strides = array<i32>} : memref<512xi32, #tpu.memory_space<vmem>>, vector<16xi32>,
    %dma_wait3A_440 = arith.constant 0 : i32
    %dma_wait3A_441 = arith.constant 0 : i32
    %dma_wait3A_442 = tpu.memref_slice %arg3[%add3A_410, %dma_wait3A_441] : memref<16384x1000xf32, #tpu.memory_space<hbm>> -> memref<16x1000xf32, #tpu.memory_space<hbm>>
    %dma_wait3A_443 = tpu.memref_slice %arg7[%dma_wait3A_440] : memref<2x!tpu.dma_semaphore, #tpu.memory_space<semaphore_mem>> -> memref<1x!tpu.dma_semaphore, #tpu.memory_space<semaphore_mem>>
    %dma_wait3A_444 = tpu.memref_squeeze %dma_wait3A_443 : memref<1x!tpu.dma_semaphore, #tpu.memory_space<semaphore_mem>> -> memref<!tpu.dma_semaphore, #tpu.memory_space<semaphore_mem>>
    %dma_wait3A_445 = arith.constant 0 : i32
    %dma_wait3A_446 = tpu.memref_slice %arg3[%add3A_410, %dma_wait3A_445] : memref<16384x1000xf32, #tpu.memory_space<hbm>> -> memref<16x1000xf32, #tpu.memory_space<hbm>>
    tpu.wait_dma2 semaphore(%dma_wait3A_444 : memref<!tpu.dma_semaphore, #tpu.memory_space<semaphore_mem>>) src(%arg5 : memref<16x1000xf32, #tpu.memory_space<vmem>>) dst(%dma_wait3A_446 : memref<16x1000xf32, #tpu.memory_space<hbm>>)
    %get3A_447 = arith.constant 320 : index
    %get3A_448 = tpu.vector_load %arg4[%get3A_447] {strides = array<i32>} : memref<512xi32, #tpu.memory_space<vmem>>, vector<16xi32>,
    tpu.vector_store_idx %arg5[%iota3A, %get3A_448], %broadcast_in_dim3A_3 : memref<16x1000xf32, #tpu.memory_space<vmem>>[vector<16xi32>, vector<16xi32>], vector<16xf32>,
    tpu.vector_store_idx %arg5[%iota3A, %get3A_439], %broadcast_in_dim3A_5 : memref<16x1000xf32, #tpu.memory_space<vmem>>[vector<16xi32>, vector<16xi32>], vector<16xf32>,
    %add3A_449 = arith.constant 352 : i32
    %add3A_450 = arith.addi %mul3A_2, %add3A_449 : i32
    %dma_start3A_451 = arith.constant 0 : i32
    %dma_start3A_452 = arith.constant 0 : i32
    %dma_start3A_453 = tpu.memref_slice %arg3[%add3A_450, %dma_start3A_452] : memref<16384x1000xf32, #tpu.memory_space<hbm>> -> memref<16x1000xf32, #tpu.memory_space<hbm>>
    %dma_start3A_454 = tpu.memref_slice %arg7[%dma_start3A_451] : memref<2x!tpu.dma_semaphore, #tpu.memory_space<semaphore_mem>> -> memref<1x!tpu.dma_semaphore, #tpu.memory_space<semaphore_mem>>
    %dma_start3A_455 = tpu.memref_squeeze %dma_start3A_454 : memref<1x!tpu.dma_semaphore, #tpu.memory_space<semaphore_mem>> -> memref<!tpu.dma_semaphore, #tpu.memory_space<semaphore_mem>>
    %dma_start3A_456 = arith.constant 0 : i32
    %dma_start3A_457 = tpu.memref_slice %arg3[%add3A_450, %dma_start3A_456] : memref<16384x1000xf32, #tpu.memory_space<hbm>> -> memref<16x1000xf32, #tpu.memory_space<hbm>>
    tpu.enqueue_dma source(%arg5 : memref<16x1000xf32, #tpu.memory_space<vmem>>) target(%dma_start3A_457 : memref<16x1000xf32, #tpu.memory_space<hbm>>) target_semaphore(%dma_start3A_455 : memref<!tpu.dma_semaphore, #tpu.memory_space<semaphore_mem>>)
    %get3A_458 = arith.constant 368 : index
    %get3A_459 = tpu.vector_load %arg4[%get3A_458] {strides = array<i32>} : memref<512xi32, #tpu.memory_space<vmem>>, vector<16xi32>,
    %dma_wait3A_460 = arith.constant 1 : i32
    %dma_wait3A_461 = arith.constant 0 : i32
    %dma_wait3A_462 = tpu.memref_slice %arg3[%add3A_430, %dma_wait3A_461] : memref<16384x1000xf32, #tpu.memory_space<hbm>> -> memref<16x1000xf32, #tpu.memory_space<hbm>>
    %dma_wait3A_463 = tpu.memref_slice %arg7[%dma_wait3A_460] : memref<2x!tpu.dma_semaphore, #tpu.memory_space<semaphore_mem>> -> memref<1x!tpu.dma_semaphore, #tpu.memory_space<semaphore_mem>>
    %dma_wait3A_464 = tpu.memref_squeeze %dma_wait3A_463 : memref<1x!tpu.dma_semaphore, #tpu.memory_space<semaphore_mem>> -> memref<!tpu.dma_semaphore, #tpu.memory_space<semaphore_mem>>
    %dma_wait3A_465 = arith.constant 0 : i32
    %dma_wait3A_466 = tpu.memref_slice %arg3[%add3A_430, %dma_wait3A_465] : memref<16384x1000xf32, #tpu.memory_space<hbm>> -> memref<16x1000xf32, #tpu.memory_space<hbm>>
    tpu.wait_dma2 semaphore(%dma_wait3A_464 : memref<!tpu.dma_semaphore, #tpu.memory_space<semaphore_mem>>) src(%arg6 : memref<16x1000xf32, #tpu.memory_space<vmem>>) dst(%dma_wait3A_466 : memref<16x1000xf32, #tpu.memory_space<hbm>>)
    %get3A_467 = arith.constant 336 : index
    %get3A_468 = tpu.vector_load %arg4[%get3A_467] {strides = array<i32>} : memref<512xi32, #tpu.memory_space<vmem>>, vector<16xi32>,
    tpu.vector_store_idx %arg6[%iota3A, %get3A_468], %broadcast_in_dim3A_3 : memref<16x1000xf32, #tpu.memory_space<vmem>>[vector<16xi32>, vector<16xi32>], vector<16xf32>,
    tpu.vector_store_idx %arg6[%iota3A, %get3A_459], %broadcast_in_dim3A_5 : memref<16x1000xf32, #tpu.memory_space<vmem>>[vector<16xi32>, vector<16xi32>], vector<16xf32>,
    %add3A_469 = arith.constant 368 : i32
    %add3A_470 = arith.addi %mul3A_2, %add3A_469 : i32
    %dma_start3A_471 = arith.constant 1 : i32
    %dma_start3A_472 = arith.constant 0 : i32
    %dma_start3A_473 = tpu.memref_slice %arg3[%add3A_470, %dma_start3A_472] : memref<16384x1000xf32, #tpu.memory_space<hbm>> -> memref<16x1000xf32, #tpu.memory_space<hbm>>
    %dma_start3A_474 = tpu.memref_slice %arg7[%dma_start3A_471] : memref<2x!tpu.dma_semaphore, #tpu.memory_space<semaphore_mem>> -> memref<1x!tpu.dma_semaphore, #tpu.memory_space<semaphore_mem>>
    %dma_start3A_475 = tpu.memref_squeeze %dma_start3A_474 : memref<1x!tpu.dma_semaphore, #tpu.memory_space<semaphore_mem>> -> memref<!tpu.dma_semaphore, #tpu.memory_space<semaphore_mem>>
    %dma_start3A_476 = arith.constant 0 : i32
    %dma_start3A_477 = tpu.memref_slice %arg3[%add3A_470, %dma_start3A_476] : memref<16384x1000xf32, #tpu.memory_space<hbm>> -> memref<16x1000xf32, #tpu.memory_space<hbm>>
    tpu.enqueue_dma source(%arg6 : memref<16x1000xf32, #tpu.memory_space<vmem>>) target(%dma_start3A_477 : memref<16x1000xf32, #tpu.memory_space<hbm>>) target_semaphore(%dma_start3A_475 : memref<!tpu.dma_semaphore, #tpu.memory_space<semaphore_mem>>)
    %get3A_478 = arith.constant 384 : index
    %get3A_479 = tpu.vector_load %arg4[%get3A_478] {strides = array<i32>} : memref<512xi32, #tpu.memory_space<vmem>>, vector<16xi32>,
    %dma_wait3A_480 = arith.constant 0 : i32
    %dma_wait3A_481 = arith.constant 0 : i32
    %dma_wait3A_482 = tpu.memref_slice %arg3[%add3A_450, %dma_wait3A_481] : memref<16384x1000xf32, #tpu.memory_space<hbm>> -> memref<16x1000xf32, #tpu.memory_space<hbm>>
    %dma_wait3A_483 = tpu.memref_slice %arg7[%dma_wait3A_480] : memref<2x!tpu.dma_semaphore, #tpu.memory_space<semaphore_mem>> -> memref<1x!tpu.dma_semaphore, #tpu.memory_space<semaphore_mem>>
    %dma_wait3A_484 = tpu.memref_squeeze %dma_wait3A_483 : memref<1x!tpu.dma_semaphore, #tpu.memory_space<semaphore_mem>> -> memref<!tpu.dma_semaphore, #tpu.memory_space<semaphore_mem>>
    %dma_wait3A_485 = arith.constant 0 : i32
    %dma_wait3A_486 = tpu.memref_slice %arg3[%add3A_450, %dma_wait3A_485] : memref<16384x1000xf32, #tpu.memory_space<hbm>> -> memref<16x1000xf32, #tpu.memory_space<hbm>>
    tpu.wait_dma2 semaphore(%dma_wait3A_484 : memref<!tpu.dma_semaphore, #tpu.memory_space<semaphore_mem>>) src(%arg5 : memref<16x1000xf32, #tpu.memory_space<vmem>>) dst(%dma_wait3A_486 : memref<16x1000xf32, #tpu.memory_space<hbm>>)
    %get3A_487 = arith.constant 352 : index
    %get3A_488 = tpu.vector_load %arg4[%get3A_487] {strides = array<i32>} : memref<512xi32, #tpu.memory_space<vmem>>, vector<16xi32>,
    tpu.vector_store_idx %arg5[%iota3A, %get3A_488], %broadcast_in_dim3A_3 : memref<16x1000xf32, #tpu.memory_space<vmem>>[vector<16xi32>, vector<16xi32>], vector<16xf32>,
    tpu.vector_store_idx %arg5[%iota3A, %get3A_479], %broadcast_in_dim3A_5 : memref<16x1000xf32, #tpu.memory_space<vmem>>[vector<16xi32>, vector<16xi32>], vector<16xf32>,
    %add3A_489 = arith.constant 384 : i32
    %add3A_490 = arith.addi %mul3A_2, %add3A_489 : i32
    %dma_start3A_491 = arith.constant 0 : i32
    %dma_start3A_492 = arith.constant 0 : i32
    %dma_start3A_493 = tpu.memref_slice %arg3[%add3A_490, %dma_start3A_492] : memref<16384x1000xf32, #tpu.memory_space<hbm>> -> memref<16x1000xf32, #tpu.memory_space<hbm>>
    %dma_start3A_494 = tpu.memref_slice %arg7[%dma_start3A_491] : memref<2x!tpu.dma_semaphore, #tpu.memory_space<semaphore_mem>> -> memref<1x!tpu.dma_semaphore, #tpu.memory_space<semaphore_mem>>
    %dma_start3A_495 = tpu.memref_squeeze %dma_start3A_494 : memref<1x!tpu.dma_semaphore, #tpu.memory_space<semaphore_mem>> -> memref<!tpu.dma_semaphore, #tpu.memory_space<semaphore_mem>>
    %dma_start3A_496 = arith.constant 0 : i32
    %dma_start3A_497 = tpu.memref_slice %arg3[%add3A_490, %dma_start3A_496] : memref<16384x1000xf32, #tpu.memory_space<hbm>> -> memref<16x1000xf32, #tpu.memory_space<hbm>>
    tpu.enqueue_dma source(%arg5 : memref<16x1000xf32, #tpu.memory_space<vmem>>) target(%dma_start3A_497 : memref<16x1000xf32, #tpu.memory_space<hbm>>) target_semaphore(%dma_start3A_495 : memref<!tpu.dma_semaphore, #tpu.memory_space<semaphore_mem>>)
    %get3A_498 = arith.constant 400 : index
    %get3A_499 = tpu.vector_load %arg4[%get3A_498] {strides = array<i32>} : memref<512xi32, #tpu.memory_space<vmem>>, vector<16xi32>,
    %dma_wait3A_500 = arith.constant 1 : i32
    %dma_wait3A_501 = arith.constant 0 : i32
    %dma_wait3A_502 = tpu.memref_slice %arg3[%add3A_470, %dma_wait3A_501] : memref<16384x1000xf32, #tpu.memory_space<hbm>> -> memref<16x1000xf32, #tpu.memory_space<hbm>>
    %dma_wait3A_503 = tpu.memref_slice %arg7[%dma_wait3A_500] : memref<2x!tpu.dma_semaphore, #tpu.memory_space<semaphore_mem>> -> memref<1x!tpu.dma_semaphore, #tpu.memory_space<semaphore_mem>>
    %dma_wait3A_504 = tpu.memref_squeeze %dma_wait3A_503 : memref<1x!tpu.dma_semaphore, #tpu.memory_space<semaphore_mem>> -> memref<!tpu.dma_semaphore, #tpu.memory_space<semaphore_mem>>
    %dma_wait3A_505 = arith.constant 0 : i32
    %dma_wait3A_506 = tpu.memref_slice %arg3[%add3A_470, %dma_wait3A_505] : memref<16384x1000xf32, #tpu.memory_space<hbm>> -> memref<16x1000xf32, #tpu.memory_space<hbm>>
    tpu.wait_dma2 semaphore(%dma_wait3A_504 : memref<!tpu.dma_semaphore, #tpu.memory_space<semaphore_mem>>) src(%arg6 : memref<16x1000xf32, #tpu.memory_space<vmem>>) dst(%dma_wait3A_506 : memref<16x1000xf32, #tpu.memory_space<hbm>>)
    %get3A_507 = arith.constant 368 : index
    %get3A_508 = tpu.vector_load %arg4[%get3A_507] {strides = array<i32>} : memref<512xi32, #tpu.memory_space<vmem>>, vector<16xi32>,
    tpu.vector_store_idx %arg6[%iota3A, %get3A_508], %broadcast_in_dim3A_3 : memref<16x1000xf32, #tpu.memory_space<vmem>>[vector<16xi32>, vector<16xi32>], vector<16xf32>,
    tpu.vector_store_idx %arg6[%iota3A, %get3A_499], %broadcast_in_dim3A_5 : memref<16x1000xf32, #tpu.memory_space<vmem>>[vector<16xi32>, vector<16xi32>], vector<16xf32>,
    %add3A_509 = arith.constant 400 : i32
    %add3A_510 = arith.addi %mul3A_2, %add3A_509 : i32
    %dma_start3A_511 = arith.constant 1 : i32
    %dma_start3A_512 = arith.constant 0 : i32
    %dma_start3A_513 = tpu.memref_slice %arg3[%add3A_510, %dma_start3A_512] : memref<16384x1000xf32, #tpu.memory_space<hbm>> -> memref<16x1000xf32, #tpu.memory_space<hbm>>
    %dma_start3A_514 = tpu.memref_slice %arg7[%dma_start3A_511] : memref<2x!tpu.dma_semaphore, #tpu.memory_space<semaphore_mem>> -> memref<1x!tpu.dma_semaphore, #tpu.memory_space<semaphore_mem>>
    %dma_start3A_515 = tpu.memref_squeeze %dma_start3A_514 : memref<1x!tpu.dma_semaphore, #tpu.memory_space<semaphore_mem>> -> memref<!tpu.dma_semaphore, #tpu.memory_space<semaphore_mem>>
    %dma_start3A_516 = arith.constant 0 : i32
    %dma_start3A_517 = tpu.memref_slice %arg3[%add3A_510, %dma_start3A_516] : memref<16384x1000xf32, #tpu.memory_space<hbm>> -> memref<16x1000xf32, #tpu.memory_space<hbm>>
    tpu.enqueue_dma source(%arg6 : memref<16x1000xf32, #tpu.memory_space<vmem>>) target(%dma_start3A_517 : memref<16x1000xf32, #tpu.memory_space<hbm>>) target_semaphore(%dma_start3A_515 : memref<!tpu.dma_semaphore, #tpu.memory_space<semaphore_mem>>)
    %get3A_518 = arith.constant 416 : index
    %get3A_519 = tpu.vector_load %arg4[%get3A_518] {strides = array<i32>} : memref<512xi32, #tpu.memory_space<vmem>>, vector<16xi32>,
    %dma_wait3A_520 = arith.constant 0 : i32
    %dma_wait3A_521 = arith.constant 0 : i32
    %dma_wait3A_522 = tpu.memref_slice %arg3[%add3A_490, %dma_wait3A_521] : memref<16384x1000xf32, #tpu.memory_space<hbm>> -> memref<16x1000xf32, #tpu.memory_space<hbm>>
    %dma_wait3A_523 = tpu.memref_slice %arg7[%dma_wait3A_520] : memref<2x!tpu.dma_semaphore, #tpu.memory_space<semaphore_mem>> -> memref<1x!tpu.dma_semaphore, #tpu.memory_space<semaphore_mem>>
    %dma_wait3A_524 = tpu.memref_squeeze %dma_wait3A_523 : memref<1x!tpu.dma_semaphore, #tpu.memory_space<semaphore_mem>> -> memref<!tpu.dma_semaphore, #tpu.memory_space<semaphore_mem>>
    %dma_wait3A_525 = arith.constant 0 : i32
    %dma_wait3A_526 = tpu.memref_slice %arg3[%add3A_490, %dma_wait3A_525] : memref<16384x1000xf32, #tpu.memory_space<hbm>> -> memref<16x1000xf32, #tpu.memory_space<hbm>>
    tpu.wait_dma2 semaphore(%dma_wait3A_524 : memref<!tpu.dma_semaphore, #tpu.memory_space<semaphore_mem>>) src(%arg5 : memref<16x1000xf32, #tpu.memory_space<vmem>>) dst(%dma_wait3A_526 : memref<16x1000xf32, #tpu.memory_space<hbm>>)
    %get3A_527 = arith.constant 384 : index
    %get3A_528 = tpu.vector_load %arg4[%get3A_527] {strides = array<i32>} : memref<512xi32, #tpu.memory_space<vmem>>, vector<16xi32>,
    tpu.vector_store_idx %arg5[%iota3A, %get3A_528], %broadcast_in_dim3A_3 : memref<16x1000xf32, #tpu.memory_space<vmem>>[vector<16xi32>, vector<16xi32>], vector<16xf32>,
    tpu.vector_store_idx %arg5[%iota3A, %get3A_519], %broadcast_in_dim3A_5 : memref<16x1000xf32, #tpu.memory_space<vmem>>[vector<16xi32>, vector<16xi32>], vector<16xf32>,
    %add3A_529 = arith.constant 416 : i32
    %add3A_530 = arith.addi %mul3A_2, %add3A_529 : i32
    %dma_start3A_531 = arith.constant 0 : i32
    %dma_start3A_532 = arith.constant 0 : i32
    %dma_start3A_533 = tpu.memref_slice %arg3[%add3A_530, %dma_start3A_532] : memref<16384x1000xf32, #tpu.memory_space<hbm>> -> memref<16x1000xf32, #tpu.memory_space<hbm>>
    %dma_start3A_534 = tpu.memref_slice %arg7[%dma_start3A_531] : memref<2x!tpu.dma_semaphore, #tpu.memory_space<semaphore_mem>> -> memref<1x!tpu.dma_semaphore, #tpu.memory_space<semaphore_mem>>
    %dma_start3A_535 = tpu.memref_squeeze %dma_start3A_534 : memref<1x!tpu.dma_semaphore, #tpu.memory_space<semaphore_mem>> -> memref<!tpu.dma_semaphore, #tpu.memory_space<semaphore_mem>>
    %dma_start3A_536 = arith.constant 0 : i32
    %dma_start3A_537 = tpu.memref_slice %arg3[%add3A_530, %dma_start3A_536] : memref<16384x1000xf32, #tpu.memory_space<hbm>> -> memref<16x1000xf32, #tpu.memory_space<hbm>>
    tpu.enqueue_dma source(%arg5 : memref<16x1000xf32, #tpu.memory_space<vmem>>) target(%dma_start3A_537 : memref<16x1000xf32, #tpu.memory_space<hbm>>) target_semaphore(%dma_start3A_535 : memref<!tpu.dma_semaphore, #tpu.memory_space<semaphore_mem>>)
    %get3A_538 = arith.constant 432 : index
    %get3A_539 = tpu.vector_load %arg4[%get3A_538] {strides = array<i32>} : memref<512xi32, #tpu.memory_space<vmem>>, vector<16xi32>,
    %dma_wait3A_540 = arith.constant 1 : i32
    %dma_wait3A_541 = arith.constant 0 : i32
    %dma_wait3A_542 = tpu.memref_slice %arg3[%add3A_510, %dma_wait3A_541] : memref<16384x1000xf32, #tpu.memory_space<hbm>> -> memref<16x1000xf32, #tpu.memory_space<hbm>>
    %dma_wait3A_543 = tpu.memref_slice %arg7[%dma_wait3A_540] : memref<2x!tpu.dma_semaphore, #tpu.memory_space<semaphore_mem>> -> memref<1x!tpu.dma_semaphore, #tpu.memory_space<semaphore_mem>>
    %dma_wait3A_544 = tpu.memref_squeeze %dma_wait3A_543 : memref<1x!tpu.dma_semaphore, #tpu.memory_space<semaphore_mem>> -> memref<!tpu.dma_semaphore, #tpu.memory_space<semaphore_mem>>
    %dma_wait3A_545 = arith.constant 0 : i32
    %dma_wait3A_546 = tpu.memref_slice %arg3[%add3A_510, %dma_wait3A_545] : memref<16384x1000xf32, #tpu.memory_space<hbm>> -> memref<16x1000xf32, #tpu.memory_space<hbm>>
    tpu.wait_dma2 semaphore(%dma_wait3A_544 : memref<!tpu.dma_semaphore, #tpu.memory_space<semaphore_mem>>) src(%arg6 : memref<16x1000xf32, #tpu.memory_space<vmem>>) dst(%dma_wait3A_546 : memref<16x1000xf32, #tpu.memory_space<hbm>>)
    %get3A_547 = arith.constant 400 : index
    %get3A_548 = tpu.vector_load %arg4[%get3A_547] {strides = array<i32>} : memref<512xi32, #tpu.memory_space<vmem>>, vector<16xi32>,
    tpu.vector_store_idx %arg6[%iota3A, %get3A_548], %broadcast_in_dim3A_3 : memref<16x1000xf32, #tpu.memory_space<vmem>>[vector<16xi32>, vector<16xi32>], vector<16xf32>,
    tpu.vector_store_idx %arg6[%iota3A, %get3A_539], %broadcast_in_dim3A_5 : memref<16x1000xf32, #tpu.memory_space<vmem>>[vector<16xi32>, vector<16xi32>], vector<16xf32>,
    %add3A_549 = arith.constant 432 : i32
    %add3A_550 = arith.addi %mul3A_2, %add3A_549 : i32
    %dma_start3A_551 = arith.constant 1 : i32
    %dma_start3A_552 = arith.constant 0 : i32
    %dma_start3A_553 = tpu.memref_slice %arg3[%add3A_550, %dma_start3A_552] : memref<16384x1000xf32, #tpu.memory_space<hbm>> -> memref<16x1000xf32, #tpu.memory_space<hbm>>
    %dma_start3A_554 = tpu.memref_slice %arg7[%dma_start3A_551] : memref<2x!tpu.dma_semaphore, #tpu.memory_space<semaphore_mem>> -> memref<1x!tpu.dma_semaphore, #tpu.memory_space<semaphore_mem>>
    %dma_start3A_555 = tpu.memref_squeeze %dma_start3A_554 : memref<1x!tpu.dma_semaphore, #tpu.memory_space<semaphore_mem>> -> memref<!tpu.dma_semaphore, #tpu.memory_space<semaphore_mem>>
    %dma_start3A_556 = arith.constant 0 : i32
    %dma_start3A_557 = tpu.memref_slice %arg3[%add3A_550, %dma_start3A_556] : memref<16384x1000xf32, #tpu.memory_space<hbm>> -> memref<16x1000xf32, #tpu.memory_space<hbm>>
    tpu.enqueue_dma source(%arg6 : memref<16x1000xf32, #tpu.memory_space<vmem>>) target(%dma_start3A_557 : memref<16x1000xf32, #tpu.memory_space<hbm>>) target_semaphore(%dma_start3A_555 : memref<!tpu.dma_semaphore, #tpu.memory_space<semaphore_mem>>)
    %get3A_558 = arith.constant 448 : index
    %get3A_559 = tpu.vector_load %arg4[%get3A_558] {strides = array<i32>} : memref<512xi32, #tpu.memory_space<vmem>>, vector<16xi32>,
    %dma_wait3A_560 = arith.constant 0 : i32
    %dma_wait3A_561 = arith.constant 0 : i32
    %dma_wait3A_562 = tpu.memref_slice %arg3[%add3A_530, %dma_wait3A_561] : memref<16384x1000xf32, #tpu.memory_space<hbm>> -> memref<16x1000xf32, #tpu.memory_space<hbm>>
    %dma_wait3A_563 = tpu.memref_slice %arg7[%dma_wait3A_560] : memref<2x!tpu.dma_semaphore, #tpu.memory_space<semaphore_mem>> -> memref<1x!tpu.dma_semaphore, #tpu.memory_space<semaphore_mem>>
    %dma_wait3A_564 = tpu.memref_squeeze %dma_wait3A_563 : memref<1x!tpu.dma_semaphore, #tpu.memory_space<semaphore_mem>> -> memref<!tpu.dma_semaphore, #tpu.memory_space<semaphore_mem>>
    %dma_wait3A_565 = arith.constant 0 : i32
    %dma_wait3A_566 = tpu.memref_slice %arg3[%add3A_530, %dma_wait3A_565] : memref<16384x1000xf32, #tpu.memory_space<hbm>> -> memref<16x1000xf32, #tpu.memory_space<hbm>>
    tpu.wait_dma2 semaphore(%dma_wait3A_564 : memref<!tpu.dma_semaphore, #tpu.memory_space<semaphore_mem>>) src(%arg5 : memref<16x1000xf32, #tpu.memory_space<vmem>>) dst(%dma_wait3A_566 : memref<16x1000xf32, #tpu.memory_space<hbm>>)
    %get3A_567 = arith.constant 416 : index
    %get3A_568 = tpu.vector_load %arg4[%get3A_567] {strides = array<i32>} : memref<512xi32, #tpu.memory_space<vmem>>, vector<16xi32>,
    tpu.vector_store_idx %arg5[%iota3A, %get3A_568], %broadcast_in_dim3A_3 : memref<16x1000xf32, #tpu.memory_space<vmem>>[vector<16xi32>, vector<16xi32>], vector<16xf32>,
    tpu.vector_store_idx %arg5[%iota3A, %get3A_559], %broadcast_in_dim3A_5 : memref<16x1000xf32, #tpu.memory_space<vmem>>[vector<16xi32>, vector<16xi32>], vector<16xf32>,
    %add3A_569 = arith.constant 448 : i32
    %add3A_570 = arith.addi %mul3A_2, %add3A_569 : i32
    %dma_start3A_571 = arith.constant 0 : i32
    %dma_start3A_572 = arith.constant 0 : i32
    %dma_start3A_573 = tpu.memref_slice %arg3[%add3A_570, %dma_start3A_572] : memref<16384x1000xf32, #tpu.memory_space<hbm>> -> memref<16x1000xf32, #tpu.memory_space<hbm>>
    %dma_start3A_574 = tpu.memref_slice %arg7[%dma_start3A_571] : memref<2x!tpu.dma_semaphore, #tpu.memory_space<semaphore_mem>> -> memref<1x!tpu.dma_semaphore, #tpu.memory_space<semaphore_mem>>
    %dma_start3A_575 = tpu.memref_squeeze %dma_start3A_574 : memref<1x!tpu.dma_semaphore, #tpu.memory_space<semaphore_mem>> -> memref<!tpu.dma_semaphore, #tpu.memory_space<semaphore_mem>>
    %dma_start3A_576 = arith.constant 0 : i32
    %dma_start3A_577 = tpu.memref_slice %arg3[%add3A_570, %dma_start3A_576] : memref<16384x1000xf32, #tpu.memory_space<hbm>> -> memref<16x1000xf32, #tpu.memory_space<hbm>>
    tpu.enqueue_dma source(%arg5 : memref<16x1000xf32, #tpu.memory_space<vmem>>) target(%dma_start3A_577 : memref<16x1000xf32, #tpu.memory_space<hbm>>) target_semaphore(%dma_start3A_575 : memref<!tpu.dma_semaphore, #tpu.memory_space<semaphore_mem>>)
    %get3A_578 = arith.constant 464 : index
    %get3A_579 = tpu.vector_load %arg4[%get3A_578] {strides = array<i32>} : memref<512xi32, #tpu.memory_space<vmem>>, vector<16xi32>,
    %dma_wait3A_580 = arith.constant 1 : i32
    %dma_wait3A_581 = arith.constant 0 : i32
    %dma_wait3A_582 = tpu.memref_slice %arg3[%add3A_550, %dma_wait3A_581] : memref<16384x1000xf32, #tpu.memory_space<hbm>> -> memref<16x1000xf32, #tpu.memory_space<hbm>>
    %dma_wait3A_583 = tpu.memref_slice %arg7[%dma_wait3A_580] : memref<2x!tpu.dma_semaphore, #tpu.memory_space<semaphore_mem>> -> memref<1x!tpu.dma_semaphore, #tpu.memory_space<semaphore_mem>>
    %dma_wait3A_584 = tpu.memref_squeeze %dma_wait3A_583 : memref<1x!tpu.dma_semaphore, #tpu.memory_space<semaphore_mem>> -> memref<!tpu.dma_semaphore, #tpu.memory_space<semaphore_mem>>
    %dma_wait3A_585 = arith.constant 0 : i32
    %dma_wait3A_586 = tpu.memref_slice %arg3[%add3A_550, %dma_wait3A_585] : memref<16384x1000xf32, #tpu.memory_space<hbm>> -> memref<16x1000xf32, #tpu.memory_space<hbm>>
    tpu.wait_dma2 semaphore(%dma_wait3A_584 : memref<!tpu.dma_semaphore, #tpu.memory_space<semaphore_mem>>) src(%arg6 : memref<16x1000xf32, #tpu.memory_space<vmem>>) dst(%dma_wait3A_586 : memref<16x1000xf32, #tpu.memory_space<hbm>>)
    %get3A_587 = arith.constant 432 : index
    %get3A_588 = tpu.vector_load %arg4[%get3A_587] {strides = array<i32>} : memref<512xi32, #tpu.memory_space<vmem>>, vector<16xi32>,
    tpu.vector_store_idx %arg6[%iota3A, %get3A_588], %broadcast_in_dim3A_3 : memref<16x1000xf32, #tpu.memory_space<vmem>>[vector<16xi32>, vector<16xi32>], vector<16xf32>,
    tpu.vector_store_idx %arg6[%iota3A, %get3A_579], %broadcast_in_dim3A_5 : memref<16x1000xf32, #tpu.memory_space<vmem>>[vector<16xi32>, vector<16xi32>], vector<16xf32>,
    %add3A_589 = arith.constant 464 : i32
    %add3A_590 = arith.addi %mul3A_2, %add3A_589 : i32
    %dma_start3A_591 = arith.constant 1 : i32
    %dma_start3A_592 = arith.constant 0 : i32
    %dma_start3A_593 = tpu.memref_slice %arg3[%add3A_590, %dma_start3A_592] : memref<16384x1000xf32, #tpu.memory_space<hbm>> -> memref<16x1000xf32, #tpu.memory_space<hbm>>
    %dma_start3A_594 = tpu.memref_slice %arg7[%dma_start3A_591] : memref<2x!tpu.dma_semaphore, #tpu.memory_space<semaphore_mem>> -> memref<1x!tpu.dma_semaphore, #tpu.memory_space<semaphore_mem>>
    %dma_start3A_595 = tpu.memref_squeeze %dma_start3A_594 : memref<1x!tpu.dma_semaphore, #tpu.memory_space<semaphore_mem>> -> memref<!tpu.dma_semaphore, #tpu.memory_space<semaphore_mem>>
    %dma_start3A_596 = arith.constant 0 : i32
    %dma_start3A_597 = tpu.memref_slice %arg3[%add3A_590, %dma_start3A_596] : memref<16384x1000xf32, #tpu.memory_space<hbm>> -> memref<16x1000xf32, #tpu.memory_space<hbm>>
    tpu.enqueue_dma source(%arg6 : memref<16x1000xf32, #tpu.memory_space<vmem>>) target(%dma_start3A_597 : memref<16x1000xf32, #tpu.memory_space<hbm>>) target_semaphore(%dma_start3A_595 : memref<!tpu.dma_semaphore, #tpu.memory_space<semaphore_mem>>)
    %get3A_598 = arith.constant 480 : index
    %get3A_599 = tpu.vector_load %arg4[%get3A_598] {strides = array<i32>} : memref<512xi32, #tpu.memory_space<vmem>>, vector<16xi32>,
    %dma_wait3A_600 = arith.constant 0 : i32
    %dma_wait3A_601 = arith.constant 0 : i32
    %dma_wait3A_602 = tpu.memref_slice %arg3[%add3A_570, %dma_wait3A_601] : memref<16384x1000xf32, #tpu.memory_space<hbm>> -> memref<16x1000xf32, #tpu.memory_space<hbm>>
    %dma_wait3A_603 = tpu.memref_slice %arg7[%dma_wait3A_600] : memref<2x!tpu.dma_semaphore, #tpu.memory_space<semaphore_mem>> -> memref<1x!tpu.dma_semaphore, #tpu.memory_space<semaphore_mem>>
    %dma_wait3A_604 = tpu.memref_squeeze %dma_wait3A_603 : memref<1x!tpu.dma_semaphore, #tpu.memory_space<semaphore_mem>> -> memref<!tpu.dma_semaphore, #tpu.memory_space<semaphore_mem>>
    %dma_wait3A_605 = arith.constant 0 : i32
    %dma_wait3A_606 = tpu.memref_slice %arg3[%add3A_570, %dma_wait3A_605] : memref<16384x1000xf32, #tpu.memory_space<hbm>> -> memref<16x1000xf32, #tpu.memory_space<hbm>>
    tpu.wait_dma2 semaphore(%dma_wait3A_604 : memref<!tpu.dma_semaphore, #tpu.memory_space<semaphore_mem>>) src(%arg5 : memref<16x1000xf32, #tpu.memory_space<vmem>>) dst(%dma_wait3A_606 : memref<16x1000xf32, #tpu.memory_space<hbm>>)
    %get3A_607 = arith.constant 448 : index
    %get3A_608 = tpu.vector_load %arg4[%get3A_607] {strides = array<i32>} : memref<512xi32, #tpu.memory_space<vmem>>, vector<16xi32>,
    tpu.vector_store_idx %arg5[%iota3A, %get3A_608], %broadcast_in_dim3A_3 : memref<16x1000xf32, #tpu.memory_space<vmem>>[vector<16xi32>, vector<16xi32>], vector<16xf32>,
    tpu.vector_store_idx %arg5[%iota3A, %get3A_599], %broadcast_in_dim3A_5 : memref<16x1000xf32, #tpu.memory_space<vmem>>[vector<16xi32>, vector<16xi32>], vector<16xf32>,
    %add3A_609 = arith.constant 480 : i32
    %add3A_610 = arith.addi %mul3A_2, %add3A_609 : i32
    %dma_start3A_611 = arith.constant 0 : i32
    %dma_start3A_612 = arith.constant 0 : i32
    %dma_start3A_613 = tpu.memref_slice %arg3[%add3A_610, %dma_start3A_612] : memref<16384x1000xf32, #tpu.memory_space<hbm>> -> memref<16x1000xf32, #tpu.memory_space<hbm>>
    %dma_start3A_614 = tpu.memref_slice %arg7[%dma_start3A_611] : memref<2x!tpu.dma_semaphore, #tpu.memory_space<semaphore_mem>> -> memref<1x!tpu.dma_semaphore, #tpu.memory_space<semaphore_mem>>
    %dma_start3A_615 = tpu.memref_squeeze %dma_start3A_614 : memref<1x!tpu.dma_semaphore, #tpu.memory_space<semaphore_mem>> -> memref<!tpu.dma_semaphore, #tpu.memory_space<semaphore_mem>>
    %dma_start3A_616 = arith.constant 0 : i32
    %dma_start3A_617 = tpu.memref_slice %arg3[%add3A_610, %dma_start3A_616] : memref<16384x1000xf32, #tpu.memory_space<hbm>> -> memref<16x1000xf32, #tpu.memory_space<hbm>>
    tpu.enqueue_dma source(%arg5 : memref<16x1000xf32, #tpu.memory_space<vmem>>) target(%dma_start3A_617 : memref<16x1000xf32, #tpu.memory_space<hbm>>) target_semaphore(%dma_start3A_615 : memref<!tpu.dma_semaphore, #tpu.memory_space<semaphore_mem>>)
    %get3A_618 = arith.constant 496 : index
    %get3A_619 = tpu.vector_load %arg4[%get3A_618] {strides = array<i32>} : memref<512xi32, #tpu.memory_space<vmem>>, vector<16xi32>,
    %dma_wait3A_620 = arith.constant 1 : i32
    %dma_wait3A_621 = arith.constant 0 : i32
    %dma_wait3A_622 = tpu.memref_slice %arg3[%add3A_590, %dma_wait3A_621] : memref<16384x1000xf32, #tpu.memory_space<hbm>> -> memref<16x1000xf32, #tpu.memory_space<hbm>>
    %dma_wait3A_623 = tpu.memref_slice %arg7[%dma_wait3A_620] : memref<2x!tpu.dma_semaphore, #tpu.memory_space<semaphore_mem>> -> memref<1x!tpu.dma_semaphore, #tpu.memory_space<semaphore_mem>>
    %dma_wait3A_624 = tpu.memref_squeeze %dma_wait3A_623 : memref<1x!tpu.dma_semaphore, #tpu.memory_space<semaphore_mem>> -> memref<!tpu.dma_semaphore, #tpu.memory_space<semaphore_mem>>
    %dma_wait3A_625 = arith.constant 0 : i32
    %dma_wait3A_626 = tpu.memref_slice %arg3[%add3A_590, %dma_wait3A_625] : memref<16384x1000xf32, #tpu.memory_space<hbm>> -> memref<16x1000xf32, #tpu.memory_space<hbm>>
    tpu.wait_dma2 semaphore(%dma_wait3A_624 : memref<!tpu.dma_semaphore, #tpu.memory_space<semaphore_mem>>) src(%arg6 : memref<16x1000xf32, #tpu.memory_space<vmem>>) dst(%dma_wait3A_626 : memref<16x1000xf32, #tpu.memory_space<hbm>>)
    %get3A_627 = arith.constant 464 : index
    %get3A_628 = tpu.vector_load %arg4[%get3A_627] {strides = array<i32>} : memref<512xi32, #tpu.memory_space<vmem>>, vector<16xi32>,
    tpu.vector_store_idx %arg6[%iota3A, %get3A_628], %broadcast_in_dim3A_3 : memref<16x1000xf32, #tpu.memory_space<vmem>>[vector<16xi32>, vector<16xi32>], vector<16xf32>,
    tpu.vector_store_idx %arg6[%iota3A, %get3A_619], %broadcast_in_dim3A_5 : memref<16x1000xf32, #tpu.memory_space<vmem>>[vector<16xi32>, vector<16xi32>], vector<16xf32>,
    %add3A_629 = arith.constant 496 : i32
    %add3A_630 = arith.addi %mul3A_2, %add3A_629 : i32
    %dma_start3A_631 = arith.constant 1 : i32
    %dma_start3A_632 = arith.constant 0 : i32
    %dma_start3A_633 = tpu.memref_slice %arg3[%add3A_630, %dma_start3A_632] : memref<16384x1000xf32, #tpu.memory_space<hbm>> -> memref<16x1000xf32, #tpu.memory_space<hbm>>
    %dma_start3A_634 = tpu.memref_slice %arg7[%dma_start3A_631] : memref<2x!tpu.dma_semaphore, #tpu.memory_space<semaphore_mem>> -> memref<1x!tpu.dma_semaphore, #tpu.memory_space<semaphore_mem>>
    %dma_start3A_635 = tpu.memref_squeeze %dma_start3A_634 : memref<1x!tpu.dma_semaphore, #tpu.memory_space<semaphore_mem>> -> memref<!tpu.dma_semaphore, #tpu.memory_space<semaphore_mem>>
    %dma_start3A_636 = arith.constant 0 : i32
    %dma_start3A_637 = tpu.memref_slice %arg3[%add3A_630, %dma_start3A_636] : memref<16384x1000xf32, #tpu.memory_space<hbm>> -> memref<16x1000xf32, #tpu.memory_space<hbm>>
    tpu.enqueue_dma source(%arg6 : memref<16x1000xf32, #tpu.memory_space<vmem>>) target(%dma_start3A_637 : memref<16x1000xf32, #tpu.memory_space<hbm>>) target_semaphore(%dma_start3A_635 : memref<!tpu.dma_semaphore, #tpu.memory_space<semaphore_mem>>)
    %dma_wait3A_638 = arith.constant 0 : i32
    %dma_wait3A_639 = arith.constant 0 : i32
    %dma_wait3A_640 = tpu.memref_slice %arg3[%add3A_610, %dma_wait3A_639] : memref<16384x1000xf32, #tpu.memory_space<hbm>> -> memref<16x1000xf32, #tpu.memory_space<hbm>>
    %dma_wait3A_641 = tpu.memref_slice %arg7[%dma_wait3A_638] : memref<2x!tpu.dma_semaphore, #tpu.memory_space<semaphore_mem>> -> memref<1x!tpu.dma_semaphore, #tpu.memory_space<semaphore_mem>>
    %dma_wait3A_642 = tpu.memref_squeeze %dma_wait3A_641 : memref<1x!tpu.dma_semaphore, #tpu.memory_space<semaphore_mem>> -> memref<!tpu.dma_semaphore, #tpu.memory_space<semaphore_mem>>
    %dma_wait3A_643 = arith.constant 0 : i32
    %dma_wait3A_644 = tpu.memref_slice %arg3[%add3A_610, %dma_wait3A_643] : memref<16384x1000xf32, #tpu.memory_space<hbm>> -> memref<16x1000xf32, #tpu.memory_space<hbm>>
    tpu.wait_dma2 semaphore(%dma_wait3A_642 : memref<!tpu.dma_semaphore, #tpu.memory_space<semaphore_mem>>) src(%arg5 : memref<16x1000xf32, #tpu.memory_space<vmem>>) dst(%dma_wait3A_644 : memref<16x1000xf32, #tpu.memory_space<hbm>>)
    %dma_wait3A_645 = arith.constant 1 : i32
    %dma_wait3A_646 = arith.constant 0 : i32
    %dma_wait3A_647 = tpu.memref_slice %arg3[%add3A_630, %dma_wait3A_646] : memref<16384x1000xf32, #tpu.memory_space<hbm>> -> memref<16x1000xf32, #tpu.memory_space<hbm>>
    %dma_wait3A_648 = tpu.memref_slice %arg7[%dma_wait3A_645] : memref<2x!tpu.dma_semaphore, #tpu.memory_space<semaphore_mem>> -> memref<1x!tpu.dma_semaphore, #tpu.memory_space<semaphore_mem>>
    %dma_wait3A_649 = tpu.memref_squeeze %dma_wait3A_648 : memref<1x!tpu.dma_semaphore, #tpu.memory_space<semaphore_mem>> -> memref<!tpu.dma_semaphore, #tpu.memory_space<semaphore_mem>>
    %dma_wait3A_650 = arith.constant 0 : i32
    %dma_wait3A_651 = tpu.memref_slice %arg3[%add3A_630, %dma_wait3A_650] : memref<16384x1000xf32, #tpu.memory_space<hbm>> -> memref<16x1000xf32, #tpu.memory_space<hbm>>
    tpu.wait_dma2 semaphore(%dma_wait3A_649 : memref<!tpu.dma_semaphore, #tpu.memory_space<semaphore_mem>>) src(%arg6 : memref<16x1000xf32, #tpu.memory_space<vmem>>) dst(%dma_wait3A_651 : memref<16x1000xf32, #tpu.memory_space<hbm>>)
    return
  }
}

</mosaic_0001>

<sc_bundles>
// kernel: kernel.3.cloned.1.call-start
scs
__scs_entry_jumppad:
0x0: {  	(pc) =	sbr.rel $0x88, $3  }
0x1: {  	(tag) =	ssettag $0x0;
	lr =	simm.s32 $0x1  }
0x2: {  	[smem:$0x3FA0] =	sst lr;
	_ =	strace $0xD0000000  }
0x3: {  	_ = 	snop  }
0x4: {  	_ = 	snop  }
0x5: {  	_ = 	snop  }
0x6: {  	_ = 	snop  }
0x7: {  	_ = 	snop  }
__scs_overlays_trampoline_lowered:
0x8: {  	[smem:$0x3FAF] =	sst s0  }
0x9: {  	[smem:$0x3FB0] =	sst s1  }
0xa: {  	[smem:$0x3FB1] =	sst s2  }
0xb: {  	[smem:$0x3FB2] =	sst s3  }
0xc: {  	[smem:$0x3FB3] =	sst s4  }
0xd: {  	[smem:$0x3FB4] =	sst s5  }
0xe: {  	[smem:$0x3FB5] =	sst s6  }
0xf: {  	[smem:$0x3FB6] =	sst s7  }
0x10: {  	[smem:$0x3FB7] =	sst s8  }
0x11: {  	[smem:$0x3FB8] =	sst s9;
	s0 =	simm.s32 @!p0 $0x0  }
0x12: {  	s1 =	sld [smem:$0x3F9E];
	s0 =	simm.s32 @p0 $0x1  }
0x13: {  	[smem:$0x3FB9] =	sst s0;
	s0 =	simm.s32 @!p1 $0x0  }
0x14: {  	s2 =	sld [smem:$0x3F9D];
	s0 =	simm.s32 @p1 $0x1  }
0x15: {  	[smem:$0x3FBA] =	sst s0;
	s0 =	simm.s32 @!p2 $0x0  }
0x16: {  	s3 =	sld [smem:$0x3FDB];
	s0 =	simm.s32 @p2 $0x1  }
0x17: {  	s4 =	simm.s32 $0x1BF5;
	[smem:$0x3FBC] =	sst s0  }
0x18: {  	s0 =	sld [smem:$0x3F9F];
	_ =	swait.ge [sflag:s4], $0x0  }
0x19: {  	s7 =	sld [smem:$0x3FA0]  }
0x1a: {  	s8 =	sadd.s32 $0xFFFFE003, lr  }
0x1b: {  	s9 =	sadd.s32 $0xFFFFFEF7, lr;
	s5 =	simm.s32 $0xFFFFFFFF;
	p2 =	slt.u32 s8, $0xFFFFF086  }
0x1c: {  	p1 =	slt.u32 s9, $0xF7A;
	s5 =	simm.s32 @!p2 $0x0  }
0x1d: {  	s5 =	simm.s32 @p1 $0x1;
	p0 =	seq.s32 s7, s2  }
0x1e: {  	s7 =	smul.u32 @!p0 $0xF7A, s2;
	p2 =	seq.s32 @!p0 s5, $0x0  }
0x1f: {  	s9 =	smul.u32 $0xF7A, s1;
	s8 =	simm.s32 @!p0 $0x1BF5;
	p2 =	por !p2, p0  }
0x20: {  	[sflag:s8] =	ssyncset.s32 @!p0 $0xFFFFF086;
	s6 =	sadd.s32 @!p0 s3, s7;
	s7 =	simm.s32 @!p0 $0x108  }
0x21: {  	s3 =	sadd.s32 s3, s9;
	s6 =	sadd.s32 @!p0 $0x88, s6;
	s7 =	simm.s32 @p2 $0x1082  }
0x22: {  	[simem:s7], [sflag:s8] =	dma.local @!p0 [hbm:s6], $0xF7A  }
0x23: {  	s9 =	sor.u32 $0xD0000000, s2;
	s6 =	simm.s32 $0x108;
	_ =	swait.ge @!p0 [sflag:s8], $0x0  }
0x24: {  	s3 =	sadd.s32 $0x88, s3;
	s6 =	simm.s32 @!p1 $0x1082;
	[sflag:s4] =	ssyncset.s32 $0xFFFFF086  }
0x25: {  	[simem:s6], [sflag:s4] =	dma.local [hbm:s3], $0xF7A  }
0x26: {  	[smem:$0x3FA0] =	sst s1;
	(tag) =	ssettag s2;
	_ =	strace s9  }
0x27: {  	s1 =	sld [smem:$0x3FB0]  }
0x28: {  	s2 =	sld [smem:$0x3FB1]  }
0x29: {  	s4 =	sld [smem:$0x3FB3]  }
0x2a: {  	p0 =	seq.s32 s5, $0x0;
	s5 =	sld [smem:$0x3FB4]  }
0x2b: {  	s6 =	sld [smem:$0x3FB5]  }
0x2c: {  	s7 =	sld [smem:$0x3FB6]  }
0x2d: {  	s3 =	simm.s32 $0x108;
	s8 =	sld [smem:$0x3FB7]  }
0x2e: {  	s3 =	simm.s32 @!p0 $0x1082;
	s9 =	sld [smem:$0x3FB8]  }
0x2f: {  	lr =	sadd.s32 s0, s3;
	s0 =	sld [smem:$0x3FAF]  }
0x30: {  	s3 =	sld [smem:$0x3FB2]  }
0x31: {  	[smem:$0x3FBB] =	sst s10  }
0x32: {  	s10 =	sld [smem:$0x3FB9];
	_ =	sdelay $0x3  }
0x33: {  	p0 =	seq.s32 s10, $0x1;
	s10 =	sld [smem:$0x3FBB];
	_ =	sdelay $0x3  }
0x34: {  	[smem:$0x3FBB] =	sst s10  }
0x35: {  	s10 =	sld [smem:$0x3FBA];
	_ =	sdelay $0x3  }
0x36: {  	p1 =	seq.s32 s10, $0x1;
	s10 =	sld [smem:$0x3FBB];
	_ =	sdelay $0x3  }
0x37: {  	[smem:$0x3FBB] =	sst s10  }
0x38: {  	s10 =	sld [smem:$0x3FBC]  }
0x39: {  	_ = 	snop;
	(pc) =	sbr.ind lr, $3  }
0x3a: {  	_ = 	snop  }
0x3b: {  	_ = 	snop  }
0x3c: {  	p2 =	seq.s32 s10, $0x1;
	s10 =	sld [smem:$0x3FBB]  }
0x3d: {  	_ =	shalt  }
0x3e: {  	_ =	shalt  }
0x3f: {  	_ =	shalt  }
0x40: {  	_ =	shalt  }
0x41: {  	_ =	shalt  }
0x42: {  	_ =	shalt  }
0x43: {  	_ =	shalt  }
0x44: {  	_ =	shalt  }
0x45: {  	_ =	shalt  }
0x46: {  	_ =	shalt  }
0x47: {  	_ =	shalt  }
0x48: {  	_ =	shalt  }
0x49: {  	_ =	shalt  }
0x4a: {  	_ =	shalt  }
0x4b: {  	_ =	shalt  }
0x4c: {  	_ =	shalt  }
0x4d: {  	_ =	shalt  }
0x4e: {  	_ =	shalt  }
0x4f: {  	_ =	shalt  }
0x50: {  	_ =	shalt  }
0x51: {  	_ =	shalt  }
0x52: {  	_ =	shalt  }
0x53: {  	_ =	shalt  }
0x54: {  	_ =	shalt  }
0x55: {  	_ =	shalt  }
0x56: {  	_ =	shalt  }
0x57: {  	_ =	shalt  }
0x58: {  	_ =	shalt  }
0x59: {  	_ =	shalt  }
0x5a: {  	_ =	shalt  }
0x5b: {  	_ =	shalt  }
0x5c: {  	_ =	shalt  }
0x5d: {  	_ =	shalt  }
0x5e: {  	_ =	shalt  }
0x5f: {  	_ =	shalt  }
0x60: {  	_ =	shalt  }
0x61: {  	_ =	shalt  }
0x62: {  	_ =	shalt  }
0x63: {  	_ =	shalt  }
0x64: {  	_ =	shalt  }
0x65: {  	_ =	shalt  }
0x66: {  	_ =	shalt  }
0x67: {  	_ =	shalt  }
0x68: {  	_ =	shalt  }
0x69: {  	_ =	shalt  }
0x6a: {  	_ =	shalt  }
0x6b: {  	_ =	shalt  }
0x6c: {  	_ =	shalt  }
0x6d: {  	_ =	shalt  }
0x6e: {  	_ =	shalt  }
0x6f: {  	_ =	shalt  }
0x70: {  	_ =	shalt  }
0x71: {  	_ =	shalt  }
0x72: {  	_ =	shalt  }
0x73: {  	_ =	shalt  }
0x74: {  	_ =	shalt  }
0x75: {  	_ =	shalt  }
0x76: {  	_ =	shalt  }
0x77: {  	_ =	shalt  }
0x78: {  	_ =	shalt  }
0x79: {  	_ =	shalt  }
0x7a: {  	_ =	shalt  }
0x7b: {  	_ =	shalt  }
0x7c: {  	_ =	shalt  }
0x7d: {  	_ =	shalt  }
0x7e: {  	_ =	shalt  }
0x7f: {  	_ =	shalt  }
0x80: {  	_ =	shalt  }
0x81: {  	_ =	shalt  }
0x82: {  	_ =	shalt  }
0x83: {  	_ =	shalt  }
0x84: {  	_ =	shalt  }
0x85: {  	_ =	shalt  }
0x86: {  	_ =	shalt  }
0x87: {  	_ =	shalt  }
.Lfunc_end0:
.L_simem_size_0:
called_computation_lowered:
.L_overlay_start_0:
0x88: {  	s2 =	sld [smem:$0x3FD9]  }
0x89: {  	s3 =	sld [smem:$0x3FFE];
	_ =	sdelay $0x1  }
0x8a: {  	s1 =	srdreg.scid  }
0x8b: {  	s0 =	sand.u32 $0x1, s1  }
0x8c: {  	s17 =	sshll.u32 s0, $0xA;
	s2 =	sadd.s32 s3, s2  }
0x8d: {  	s2 =	sadd.s32 s2, s17  }
0x8e: {  	[smem:$0x3FC7] =	sst s2  }
0x8f: {  	_ = 	snop  }
0x90: {  	s2 =	sld [smem:$0x3FC9];
	(tm) =	ssettm $0x1  }
0x91: {  	s18 =	sld [smem:$0x3FFB];
	_ =	sdelay $0x3  }
0x92: {  	_ =	strace s18  }
0x93: {  	s3 =	sld [smem:$0x3FFC];
	_ =	sdelay $0x3  }
0x94: {  	_ =	strace s3  }
0x95: {  	s3 =	sld [smem:$0x3FFD];
	_ =	sdelay $0x3  }
0x96: {  	_ =	strace s3  }
0x97: {  	_ =	strace $0x8FFFFFFF  }
0x98: {  	s19 =	sld [smem:$0x3FDB];
	_ =	sdelay $0x1  }
0x99: {  	s4 =	simm.s32 $_scs_section_size  }
0x9a: {  	s5 =	simm.s32 $_size__tile_overlayer_lowered;
	s6 =	simm.s32 $_tile_overlayer_lowered  }
0x9b: {  	s22 =	simm.s32 $0x1BFF;
	s21 =	sshll.u32 s6, $0x1;
	s3 =	sadd.s32 s4, s19  }
0x9c: {  	s7 =	simm.s32 $0x0;
	s20 =	sshll.u32 s5, $0x1;
	s5 =	sadd.s32 s21, s3  }
0x9d: {  	[timem:s7], [sflag:s22] =	dma.local [hbm:s5], s20  }
0x9e: {  	_ =	swait.ge [sflag:s22], s20  }
0x9f: {  	s4 =	ssub.s32 $0x0, s20;
	[sflag:s22] =	ssyncset.done $0x0  }
0xa0: {  	[sflag:s22] =	ssyncadd.s32 s4;
	_ =	sdelay $0x1  }
0xa1: {  	s23 =	simm.s32 $0x1B8B  }
0xa2: {  	_ =	swait.ge [sflag:s23], $0x1  }
0xa3: {  	[sflag:s23] =	ssyncset.done $0x0  }
0xa4: {  	s25 =	simm.s32 $0x1B8E;
	s24 =	sld [smem:$0x3FFE];
	[sflag:s23] =	ssyncadd.s32 $0xFFFFFFFF  }
0xa5: {  	s26 =	simm.s32 $execute0_lowered;
	[smem:$0x3FD2] =	sst s25  }
0xa6: {  	s5 =	sshll.u32 s26, $0x1;
	_ =	strace $0x80000046;
	[dreg:$0x1] =	wrdreg $0xFFFFFFFF  }
0xa7: {  	s28 =	simm.s32 $_size_execute0_lowered;
	s3 =	sadd.s32 s3, s5;
	[dreg:$0x0] =	wrdreg $0x0  }
0xa8: {  	s5 =	sshll.u32 s28, $0x1;
	[dreg:$0x2] =	wrdreg s3  }
0xa9: {  	[dreg:$0x3] =	wrdreg s5  }
0xaa: {  	[dreg:$0x4] =	wrdreg $0xC0  }
0xab: {  	_ =	task [dreg:s7], $0x5FFFF  }
0xac: {  	[dreg:$0x1] =	wrdreg $0xFFFFFFFF  }
0xad: {  	[dreg:$0x0] =	wrdreg $0x60  }
0xae: {  	[dreg:$0x2] =	wrdreg s2  }
0xaf: {  	[dreg:$0x3] =	wrdreg s24  }
0xb0: {  	[dreg:$0x4] =	wrdreg $0x9  }
0xb1: {  	_ =	task.clear_ibuf [dreg:s7], $0x5FFFF;
	_ =	strace $0x90000046  }
0xb2: {  	s29 =	simm.s32 $0x9;
	_ =	strace $0x80000048  }
0xb3: {  	_ =	swait.ge [sflag:s29], $0x1  }
0xb4: {  	[sflag:s29] =	ssyncadd.s32 $0xFFFFFFFF  }
0xb5: {  	_ =	strace $0x90000048  }
0xb6: {  	_ =	sfence  }
0xb7: {  	s30 =	sld [smem:$0x0];
	_ =	sdelay $0x2  }
0xb8: {  	s31 =	sshll.u32 s1, $0xD;
	s1 =	sshrl.u32 s1, $0x2  }
0xb9: {  	s3 =	sand.u32 $0x4000, s31;
	s1 =	sadd.s32 s1, s30  }
0xba: {  	s0 =	sor.u32 s3, s0;
	s1 =	sshll.u32 s1, $0x11  }
0xbb: {  	s0 =	sor.u32 s1, s0  }
0xbc: {  	s0 =	sadd.s32 $0x8F2B, s0  }
0xbd: {  	[sflag:s0] =	ssyncadd.remote.s32 $0x1  }
0xbe: {  	_ =	sfence.sel $0xFFFF  }
0xbf: {  	[dreg:$0x0] =	wrdreg $0xFFFFFFFF;
	(pc) =	sbr.abs _section_cstart, $3  }
0xc0: {  	[dreg:$0x1] =	wrdreg $0xFFFFFFFF  }
0xc1: {  	_ =	task.clear_ibuf [dreg:s7], $0x2FFFF;
	_ =	strace $0x9FFFFFFF  }
0xc2: {  	(tm) =	ssettm $0x7FFFFFFF  }
0xc3: {  	_ =	shalt  }
tec
execute0_lowered:
.L_overlay_start_1:
0x0: {  	(tag) =	ssettag $0x1  }
0x1: {  	s3 =	srdreg.scid  }
0x2: {  	s0 =	rddreg [dreg:$0x0];
	s4 =	stileid.u32;
	s3 =	sand.u32 $0x1, s3  }
0x3: {  	s1 =	rddreg [dreg:$0x1];
	s4 =	sshll.u32 s4, $0xA;
	s5 =	sshll.u32 s3, $0x9  }
0x4: {  	s2 =	simm.s32 $0x0;
	s7 =	simm.s32 $0x3;
	s4 =	sor.u32 s5, s4  }
0x5: {  	s8 =	simm.s32 $0x200;
	s5 =	sshll.u32 s4, $0x7;
	s4 =	sshrl.u32 s4, $0x3  }
0x6: {  	[smem:$0x7FF] =	sst s2;
	s5 =	sadd.s32 s5, s1;
	s0 =	sadd.s32 s0, s4  }
0x7: {  	_ =	strace $0x80000047;
	[dreg:$0x3] =	wrdreg s0;
	s12 =	sadd.s32 $0x400, s5  }
0x8: {  	s9 =	simm.s32 $0x4200;
	s13 =	sadd.s32 $0xC00, s5;
	[dreg:$0x4] =	wrdreg s12  }
0x9: {  	s10 =	simm.s32 $0x1;
	s14 =	sadd.s32 $0x1400, s5;
	[dreg:$0x5] =	wrdreg s13  }
0xa: {  	v0 =	vimm.s32 $0x2380;
	vm0 =	vcmask $0x300;
	s11 =	simm.s32 $0x2;
	s15 =	sadd.s32 $0x1C00, s5;
	[dreg:$0x6] =	wrdreg s14  }
0xb: {  	vm14 =	vcmask $0x704;
	v0 =	vsel vm0, $0x0, v0;
	s3 =	ssub.s32 $0x2, s3;
	s16 =	sadd.s32 $0x2400, s5;
	[dreg:$0x7] =	wrdreg s15  }
0xc: {  	vm15 =	vcmask $0xB08;
	v0 =	vsel vm14, $0x80, v0;
	s6 =	sshrl.u32 s3, $0x1;
	s17 =	sadd.s32 $0x2C00, s5;
	[dreg:$0x8] =	wrdreg s16  }
0xd: {  	vm4 =	vcmask $0xF0C;
	v0 =	vsel vm15, $0x100, v0;
	s6 =	ssub.s32 s3, s6;
	s18 =	sadd.s32 $0x3400, s5;
	[dreg:$0x9] =	wrdreg s17  }
0xe: {  	vm5 =	vcmask $0x1310;
	v0 =	vsel vm4, $0x180, v0;
	s6 =	smax.u32 s6, $0x1;
	s19 =	sadd.s32 $0x3C00, s5;
	[dreg:$0xa] =	wrdreg s18  }
0xf: {  	vm6 =	vcmask $0x1714;
	v0 =	vsel vm5, $0x200, v0;
	s20 =	sadd.s32 $0x4400, s5;
	s21 =	sadd.s32 $0x4C00, s5;
	[dreg:$0xb] =	wrdreg s19  }
0x10: {  	vm7 =	vcmask $0x1B18;
	s22 =	sadd.s32 $0x5400, s5;
	s23 =	sadd.s32 $0x5C00, s5;
	v0 =	vsel vm6, $0x280, v0;
	[dreg:$0xc] =	wrdreg s20  }
0x11: {  	vm8 =	vcmask $0x1F1C;
	s24 =	sadd.s32 $0x6400, s5;
	s25 =	sadd.s32 $0x6C00, s5;
	[dreg:$0xd] =	wrdreg s21;
	v0 =	vsel vm7, $0x300, v0  }
0x12: {  	vm9 =	vcmask $0x2320;
	s26 =	sadd.s32 $0x7400, s5;
	s28 =	sadd.s32 $0xBC00, s5;
	[dreg:$0xe] =	wrdreg s22;
	v0 =	vsel vm8, $0x380, v0  }
0x13: {  	vm10 =	vcmask $0x2724;
	s29 =	sadd.s32 $0xC400, s5;
	s30 =	sadd.s32 $0xCC00, s5;
	[dreg:$0xf] =	wrdreg s23;
	v0 =	vsel vm9, $0x2000, v0  }
0x14: {  	vm11 =	vcmask $0x2B28;
	s31 =	sadd.s32 $0xD400, s5;
	s0 =	sadd.s32 $0xDC00, s5;
	[dreg:$0x10] =	wrdreg s24;
	v0 =	vsel vm10, $0x2080, v0  }
0x15: {  	vm12 =	vcmask $0x2F2C;
	s1 =	sadd.s32 $0xE400, s5;
	s3 =	sadd.s32 $0xEC00, s5;
	[dreg:$0x11] =	wrdreg s25;
	v0 =	vsel vm11, $0x2100, v0  }
0x16: {  	vm13 =	vcmask $0x3330;
	s4 =	sadd.s32 $0xF400, s5;
	[dreg:$0x12] =	wrdreg s26;
	s19 =	sadd.s32 $0x7C00, s5;
	v1 =	vsel vm12, $0x2180, v0  }
0x17: {  	v2 =	vlaneseq.u32;
	vm14 =	vcmask $0x3734;
	s20 =	sadd.s32 $0x8400, s5;
	s21 =	sadd.s32 $0x8C00, s5;
	s22 =	sadd.s32 $0x9400, s5;
	v1 =	vsel vm13, $0x2200, v1  }
0x18: {  	vm15 =	vcmask $0x3B38;
	s23 =	sadd.s32 $0x9C00, s5;
	s24 =	sadd.s32 $0xA400, s5;
	s25 =	sadd.s32 $0xAC00, s5;
	v0 =	vimm.f32 $0.0e+00;
	v3 =	vsel vm14, $0x2280, v1  }
0x19: {  	s26 =	sadd.s32 $0xB400, s5;
	s5 =	sadd.s32 $0xFC00, s5;
	s12 =	simm.s32 $0x0;
	v1 =	vor.u32 $0x1C60, v2;
	v2 =	vsel vm15, $0x2300, v3;
	v3 =	vimm.f32 $1.000000000e+00  }
.LBB2_1:
0x1a: {  	s13 =	rddreg [dreg:$0x3]  }
0x1b: {  	[tilespmem:s2], [sflag:$0x3] =	stream.linear.gather [hbm4b:s13+s2], $0x200, $0x38;
	[tilespmem:$0x8200] =	vst v63  }
0x1c: {  	_ =	swait.ge [sflag:s7], $0x200  }
0x1d: {  	s14 =	simm.s32 $0x0;
	s15 =	simm.s32 $0x0;
	[sflag:s7] =	ssyncset.done $0x0  }
0x1e: {  	s16 =	simm.s32 $0x0;
	s13 =	simm.s32 $0x0;
	[sflag:s7] =	ssyncadd.s32 $0xFFFFFE00  }
.LBB2_2:
0x1f: {  	s17 =	sand.u32 $0x2000, s14;
	s18 =	sand.u32 $0x380, s15  }
0x20: {  	s17 =	sor.u32 s18, s17  }
0x21: {  	[tilespmem:s17+$0x200] =	vst v0  }
0x22: {  	[tilespmem:s17+$0x210] =	vst v0  }
0x23: {  	[tilespmem:s17+$0x220] =	vst v0  }
0x24: {  	[tilespmem:s17+$0x230] =	vst v0  }
0x25: {  	[tilespmem:s17+$0x240] =	vst v0  }
0x26: {  	[tilespmem:s17+$0x250] =	vst v0  }
0x27: {  	[tilespmem:s17+$0x260] =	vst v0  }
0x28: {  	[tilespmem:s17+$0x270] =	vst v0  }
0x29: {  	[tilespmem:s17+$0x600] =	vst v0  }
0x2a: {  	[tilespmem:s17+$0x610] =	vst v0  }
0x2b: {  	[tilespmem:s17+$0x620] =	vst v0  }
0x2c: {  	[tilespmem:s17+$0x630] =	vst v0  }
0x2d: {  	[tilespmem:s17+$0x640] =	vst v0  }
0x2e: {  	[tilespmem:s17+$0x650] =	vst v0  }
0x2f: {  	[tilespmem:s17+$0x660] =	vst v0  }
0x30: {  	[tilespmem:s17+$0x670] =	vst v0  }
0x31: {  	[tilespmem:s17+$0xA00] =	vst v0  }
0x32: {  	[tilespmem:s17+$0xA10] =	vst v0  }
0x33: {  	[tilespmem:s17+$0xA20] =	vst v0  }
0x34: {  	[tilespmem:s17+$0xA30] =	vst v0  }
0x35: {  	[tilespmem:s17+$0xA40] =	vst v0  }
0x36: {  	[tilespmem:s17+$0xA50] =	vst v0  }
0x37: {  	[tilespmem:s17+$0xA60] =	vst v0  }
0x38: {  	[tilespmem:s17+$0xA70] =	vst v0  }
0x39: {  	[tilespmem:s17+$0xE00] =	vst v0  }
0x3a: {  	[tilespmem:s17+$0xE10] =	vst v0  }
0x3b: {  	[tilespmem:s17+$0xE20] =	vst v0  }
0x3c: {  	[tilespmem:s17+$0xE30] =	vst v0  }
0x3d: {  	[tilespmem:s17+$0xE40] =	vst v0  }
0x3e: {  	[tilespmem:s17+$0xE50] =	vst v0  }
0x3f: {  	[tilespmem:s17+$0xE60] =	vst v0  }
0x40: {  	[tilespmem:s17+$0xE70] =	vst v0  }
0x41: {  	[tilespmem:s17+$0x1200] =	vst v0  }
0x42: {  	[tilespmem:s17+$0x1210] =	vst v0  }
0x43: {  	[tilespmem:s17+$0x1220] =	vst v0  }
0x44: {  	[tilespmem:s17+$0x1230] =	vst v0  }
0x45: {  	[tilespmem:s17+$0x1240] =	vst v0  }
0x46: {  	[tilespmem:s17+$0x1250] =	vst v0  }
0x47: {  	[tilespmem:s17+$0x1260] =	vst v0  }
0x48: {  	[tilespmem:s17+$0x1270] =	vst v0  }
0x49: {  	[tilespmem:s17+$0x1600] =	vst v0  }
0x4a: {  	[tilespmem:s17+$0x1610] =	vst v0  }
0x4b: {  	[tilespmem:s17+$0x1620] =	vst v0  }
0x4c: {  	[tilespmem:s17+$0x1630] =	vst v0  }
0x4d: {  	[tilespmem:s17+$0x1640] =	vst v0  }
0x4e: {  	[tilespmem:s17+$0x1650] =	vst v0  }
0x4f: {  	[tilespmem:s17+$0x1660] =	vst v0  }
0x50: {  	[tilespmem:s17+$0x1670] =	vst v0  }
0x51: {  	[tilespmem:s17+$0x1A00] =	vst v0  }
0x52: {  	[tilespmem:s17+$0x1A10] =	vst v0  }
0x53: {  	[tilespmem:s17+$0x1A20] =	vst v0  }
0x54: {  	[tilespmem:s17+$0x1A30] =	vst v0  }
0x55: {  	s18 =	sand.u32 $0x7, s13;
	[tilespmem:s17+$0x1A40] =	vst v0  }
0x56: {  	v4 =	vmov s16;
	s18 =	sshll.u32 s18, $0x7;
	[tilespmem:s17+$0x1A50] =	vst v0  }
0x57: {  	v5 =	vshll.u32 v4, $0x7;
	[tilespmem:s17+$0x1A60] =	vst v0;
	s18 =	sadd.s32 s18, s14  }
0x58: {  	v4 =	vshll.u32 v4, $0xA;
	[tilespmem:s17+$0x1A70] =	vst v0;
	v5 =	vand.u32 $0x380, v5;
	s17 =	sor.u32 $0x1C00, s18  }
0x59: {  	v4 =	vor.u32 v5, v4;
	[tilespmem:s17+$0x200] =	vst v0;
	s17 =	sor.u32 $0x1C10, s18  }
0x5a: {  	p0 =	sne.s32 s16, $0xF;
	v4 =	vor.u32 v1, v4;
	[tilespmem:s17+$0x200] =	vst v0;
	s17 =	sor.u32 $0x1C20, s18  }
.Ltmp0:
0x5b: {  	[tilespmem:s17+$0x200] =	vst v0;
	s17 =	sor.u32 $0x1C30, s18;
	(pc) =	sbr.rel @p0 .LBB2_2-.Ltmp0, $4  }
0x5c: {  	[tilespmem:s17+$0x200] =	vst v0;
	s17 =	sor.u32 $0x1C40, s18  }
0x5d: {  	s18 =	sor.u32 $0x1C50, s18;
	[tilespmem:s17+$0x200] =	vst v0  }
0x5e: {  	s15 =	sadd.s32 $0x80, s15;
	[tilespmem:s18+$0x200] =	vst v0  }
0x5f: {  	s16 =	sadd.s32 $0x1, s16;
	s13 =	sadd.s32 $0x1, s13;
	s14 =	sadd.s32 $0x400, s14;
	[tilespmem:v4+s8+$0x0] =	vst.idx.msk $0xff, v0  }
0x60: {  	s13 =	simm.s32 $0x0  }
0x61: {  	s14 =	simm.s32 $0x0;
	s15 =	simm.s32 $0x0;
	s16 =	simm.s32 $0x0  }
.LBB2_4:
0x62: {  	s17 =	sand.u32 $0x2000, s14;
	s18 =	sand.u32 $0x380, s15  }
0x63: {  	s17 =	sor.u32 s18, s17  }
0x64: {  	[tilespmem:s17+$0x4200] =	vst v0  }
0x65: {  	[tilespmem:s17+$0x4210] =	vst v0  }
0x66: {  	[tilespmem:s17+$0x4220] =	vst v0  }
0x67: {  	[tilespmem:s17+$0x4230] =	vst v0  }
0x68: {  	[tilespmem:s17+$0x4240] =	vst v0  }
0x69: {  	[tilespmem:s17+$0x4250] =	vst v0  }
0x6a: {  	[tilespmem:s17+$0x4260] =	vst v0  }
0x6b: {  	[tilespmem:s17+$0x4270] =	vst v0  }
0x6c: {  	[tilespmem:s17+$0x4600] =	vst v0  }
0x6d: {  	[tilespmem:s17+$0x4610] =	vst v0  }
0x6e: {  	[tilespmem:s17+$0x4620] =	vst v0  }
0x6f: {  	[tilespmem:s17+$0x4630] =	vst v0  }
0x70: {  	[tilespmem:s17+$0x4640] =	vst v0  }
0x71: {  	[tilespmem:s17+$0x4650] =	vst v0  }
0x72: {  	[tilespmem:s17+$0x4660] =	vst v0  }
0x73: {  	[tilespmem:s17+$0x4670] =	vst v0  }
0x74: {  	[tilespmem:s17+$0x4A00] =	vst v0  }
0x75: {  	[tilespmem:s17+$0x4A10] =	vst v0  }
0x76: {  	[tilespmem:s17+$0x4A20] =	vst v0  }
0x77: {  	[tilespmem:s17+$0x4A30] =	vst v0  }
0x78: {  	[tilespmem:s17+$0x4A40] =	vst v0  }
0x79: {  	[tilespmem:s17+$0x4A50] =	vst v0  }
0x7a: {  	[tilespmem:s17+$0x4A60] =	vst v0  }
0x7b: {  	[tilespmem:s17+$0x4A70] =	vst v0  }
0x7c: {  	[tilespmem:s17+$0x4E00] =	vst v0  }
0x7d: {  	[tilespmem:s17+$0x4E10] =	vst v0  }
0x7e: {  	[tilespmem:s17+$0x4E20] =	vst v0  }
0x7f: {  	[tilespmem:s17+$0x4E30] =	vst v0  }
0x80: {  	[tilespmem:s17+$0x4E40] =	vst v0  }
0x81: {  	[tilespmem:s17+$0x4E50] =	vst v0  }
0x82: {  	[tilespmem:s17+$0x4E60] =	vst v0  }
0x83: {  	[tilespmem:s17+$0x4E70] =	vst v0  }
0x84: {  	[tilespmem:s17+$0x5200] =	vst v0  }
0x85: {  	[tilespmem:s17+$0x5210] =	vst v0  }
0x86: {  	[tilespmem:s17+$0x5220] =	vst v0  }
0x87: {  	[tilespmem:s17+$0x5230] =	vst v0  }
0x88: {  	[tilespmem:s17+$0x5240] =	vst v0  }
0x89: {  	[tilespmem:s17+$0x5250] =	vst v0  }
0x8a: {  	[tilespmem:s17+$0x5260] =	vst v0  }
0x8b: {  	[tilespmem:s17+$0x5270] =	vst v0  }
0x8c: {  	[tilespmem:s17+$0x5600] =	vst v0  }
0x8d: {  	[tilespmem:s17+$0x5610] =	vst v0  }
0x8e: {  	[tilespmem:s17+$0x5620] =	vst v0  }
0x8f: {  	[tilespmem:s17+$0x5630] =	vst v0  }
0x90: {  	[tilespmem:s17+$0x5640] =	vst v0  }
0x91: {  	[tilespmem:s17+$0x5650] =	vst v0  }
0x92: {  	[tilespmem:s17+$0x5660] =	vst v0  }
0x93: {  	[tilespmem:s17+$0x5670] =	vst v0  }
0x94: {  	[tilespmem:s17+$0x5A00] =	vst v0  }
0x95: {  	[tilespmem:s17+$0x5A10] =	vst v0  }
0x96: {  	[tilespmem:s17+$0x5A20] =	vst v0  }
0x97: {  	[tilespmem:s17+$0x5A30] =	vst v0  }
0x98: {  	s18 =	sand.u32 $0x7, s13;
	[tilespmem:s17+$0x5A40] =	vst v0  }
0x99: {  	v4 =	vmov s16;
	s18 =	sshll.u32 s18, $0x7;
	[tilespmem:s17+$0x5A50] =	vst v0  }
0x9a: {  	v5 =	vshll.u32 v4, $0x7;
	[tilespmem:s17+$0x5A60] =	vst v0;
	s18 =	sadd.s32 s18, s14  }
0x9b: {  	v4 =	vshll.u32 v4, $0xA;
	[tilespmem:s17+$0x5A70] =	vst v0;
	v5 =	vand.u32 $0x380, v5;
	s17 =	sor.u32 $0x1C00, s18  }
0x9c: {  	v4 =	vor.u32 v5, v4;
	[tilespmem:s17+$0x4200] =	vst v0;
	s17 =	sor.u32 $0x1C10, s18  }
0x9d: {  	p0 =	sne.s32 s16, $0xF;
	v4 =	vor.u32 v1, v4;
	[tilespmem:s17+$0x4200] =	vst v0;
	s17 =	sor.u32 $0x1C20, s18  }
.Ltmp1:
0x9e: {  	[tilespmem:s17+$0x4200] =	vst v0;
	s17 =	sor.u32 $0x1C30, s18;
	(pc) =	sbr.rel @p0 .LBB2_4-.Ltmp1, $4  }
0x9f: {  	[tilespmem:s17+$0x4200] =	vst v0;
	s17 =	sor.u32 $0x1C40, s18  }
0xa0: {  	s18 =	sor.u32 $0x1C50, s18;
	[tilespmem:s17+$0x4200] =	vst v0  }
0xa1: {  	s15 =	sadd.s32 $0x80, s15;
	[tilespmem:s18+$0x4200] =	vst v0  }
0xa2: {  	s16 =	sadd.s32 $0x1, s16;
	s13 =	sadd.s32 $0x1, s13;
	s14 =	sadd.s32 $0x400, s14;
	[tilespmem:v4+s9+$0x0] =	vst.idx.msk $0xff, v0  }
0xa3: {  	v4 =	vld [tilespmem:$0x0];
	_ =	sdelay $0x4  }
0xa4: {  	v5 =	vshll.u32 v4, $0x3  }
0xa5: {  	v4 =	vand.u32 $0x7F, v4;
	v5 =	vand.u32 $0xFFFFFC00, v5  }
0xa6: {  	v4 =	vor.u32 v4, v5  }
0xa7: {  	v4 =	vadd.s32 v2, v4;
	_ =	sdelay $0x4  }
0xa8: {  	s13 =	rddreg [dreg:$0x4];
	[tilespmem:v4+s8+$0x0] =	vst.idx.msk $0xffff, v3  }
0xa9: {  	[hbm4b:s13+s2] =	stream.linear.scatter [tilespmem:s8], [sflag:$0x1], $0x4000, $0x38;
	[tilespmem:$0x8200] =	vst v63  }
0xaa: {  	v4 =	vld [tilespmem:$0x10];
	_ =	sdelay $0x4  }
0xab: {  	v5 =	vshll.u32 v4, $0x3  }
0xac: {  	v4 =	vand.u32 $0x7F, v4;
	v5 =	vand.u32 $0xFFFFFC00, v5  }
0xad: {  	v4 =	vor.u32 v4, v5  }
0xae: {  	v4 =	vadd.s32 v2, v4;
	_ =	sdelay $0x4  }
0xaf: {  	s15 =	rddreg [dreg:$0x5];
	[tilespmem:v4+s9+$0x0] =	vst.idx.msk $0xffff, v3  }
0xb0: {  	[hbm4b:s15+s2] =	stream.linear.scatter [tilespmem:s9], [sflag:$0x2], $0x4000, $0x38;
	[tilespmem:$0x8200] =	vst v63  }
0xb1: {  	v4 =	vld [tilespmem:$0x20];
	_ =	swait.ge [sflag:s10], $0x4000  }
0xb2: {  	[sflag:s10] =	ssyncset.done $0x0  }
0xb3: {  	[sflag:s10] =	ssyncadd.s32 $0xFFFFC000  }
0xb4: {  	v5 =	vld [tilespmem:$0x0];
	_ =	sdelay $0x4  }
0xb5: {  	v6 =	vshll.u32 v5, $0x3  }
0xb6: {  	v7 =	vshll.u32 v4, $0x3;
	v5 =	vand.u32 $0x7F, v5;
	v6 =	vand.u32 $0xFFFFFC00, v6  }
0xb7: {  	v4 =	vand.u32 $0x7F, v4;
	v31 =	vand.u32 $0xFFFFFC00, v7;
	v5 =	vor.u32 v5, v6  }
0xb8: {  	v4 =	vor.u32 v4, v31;
	v5 =	vadd.s32 v2, v5  }
0xb9: {  	v4 =	vadd.s32 v2, v4;
	_ =	sdelay $0x3  }
0xba: {  	[tilespmem:v5+s8+$0x0] =	vst.idx.msk $0xffff, v0  }
0xbb: {  	s16 =	rddreg [dreg:$0x6];
	[tilespmem:v4+s8+$0x0] =	vst.idx.msk $0xffff, v3  }
0xbc: {  	[hbm4b:s16+s2] =	stream.linear.scatter [tilespmem:s8], [sflag:$0x1], $0x4000, $0x38;
	[tilespmem:$0x8200] =	vst v63  }
0xbd: {  	v4 =	vld [tilespmem:$0x30];
	_ =	swait.ge [sflag:s11], $0x4000  }
0xbe: {  	[sflag:s11] =	ssyncset.done $0x0  }
0xbf: {  	[sflag:s11] =	ssyncadd.s32 $0xFFFFC000  }
0xc0: {  	v5 =	vld [tilespmem:$0x10];
	_ =	sdelay $0x4  }
0xc1: {  	v32 =	vshll.u32 v5, $0x3  }
0xc2: {  	v33 =	vshll.u32 v4, $0x3;
	v5 =	vand.u32 $0x7F, v5;
	v6 =	vand.u32 $0xFFFFFC00, v32  }
0xc3: {  	v4 =	vand.u32 $0x7F, v4;
	v34 =	vand.u32 $0xFFFFFC00, v33;
	v5 =	vor.u32 v5, v6  }
0xc4: {  	v4 =	vor.u32 v4, v34;
	v5 =	vadd.s32 v2, v5  }
0xc5: {  	v4 =	vadd.s32 v2, v4;
	_ =	sdelay $0x3  }
0xc6: {  	[tilespmem:v5+s9+$0x0] =	vst.idx.msk $0xffff, v0  }
0xc7: {  	s17 =	rddreg [dreg:$0x7];
	[tilespmem:v4+s9+$0x0] =	vst.idx.msk $0xffff, v3  }
0xc8: {  	[hbm4b:s17+s2] =	stream.linear.scatter [tilespmem:s9], [sflag:$0x2], $0x4000, $0x38;
	[tilespmem:$0x8200] =	vst v63  }
0xc9: {  	v4 =	vld [tilespmem:$0x40];
	_ =	swait.ge [sflag:s10], $0x4000  }
0xca: {  	[sflag:s10] =	ssyncset.done $0x0  }
0xcb: {  	[sflag:s10] =	ssyncadd.s32 $0xFFFFC000  }
0xcc: {  	v5 =	vld [tilespmem:$0x20];
	_ =	sdelay $0x4  }
0xcd: {  	v35 =	vshll.u32 v5, $0x3  }
0xce: {  	v36 =	vshll.u32 v4, $0x3;
	v5 =	vand.u32 $0x7F, v5;
	v6 =	vand.u32 $0xFFFFFC00, v35  }
0xcf: {  	v4 =	vand.u32 $0x7F, v4;
	v37 =	vand.u32 $0xFFFFFC00, v36;
	v5 =	vor.u32 v5, v6  }
0xd0: {  	v4 =	vor.u32 v4, v37;
	v5 =	vadd.s32 v2, v5  }
0xd1: {  	v4 =	vadd.s32 v2, v4;
	_ =	sdelay $0x3  }
0xd2: {  	[tilespmem:v5+s8+$0x0] =	vst.idx.msk $0xffff, v0  }
0xd3: {  	s18 =	rddreg [dreg:$0x8];
	[tilespmem:v4+s8+$0x0] =	vst.idx.msk $0xffff, v3  }
0xd4: {  	[hbm4b:s18+s2] =	stream.linear.scatter [tilespmem:s8], [sflag:$0x1], $0x4000, $0x38;
	[tilespmem:$0x8200] =	vst v63  }
0xd5: {  	v4 =	vld [tilespmem:$0x50];
	_ =	swait.ge [sflag:s11], $0x4000  }
0xd6: {  	[sflag:s11] =	ssyncset.done $0x0  }
0xd7: {  	[sflag:s11] =	ssyncadd.s32 $0xFFFFC000  }
0xd8: {  	v5 =	vld [tilespmem:$0x30];
	_ =	sdelay $0x4  }
0xd9: {  	v38 =	vshll.u32 v5, $0x3  }
0xda: {  	v39 =	vshll.u32 v4, $0x3;
	v5 =	vand.u32 $0x7F, v5;
	v6 =	vand.u32 $0xFFFFFC00, v38  }
0xdb: {  	v4 =	vand.u32 $0x7F, v4;
	v40 =	vand.u32 $0xFFFFFC00, v39;
	v5 =	vor.u32 v5, v6  }
0xdc: {  	v4 =	vor.u32 v4, v40;
	v5 =	vadd.s32 v2, v5  }
0xdd: {  	v4 =	vadd.s32 v2, v4;
	_ =	sdelay $0x3  }
0xde: {  	[tilespmem:v5+s9+$0x0] =	vst.idx.msk $0xffff, v0  }
0xdf: {  	s14 =	rddreg [dreg:$0x9];
	[tilespmem:v4+s9+$0x0] =	vst.idx.msk $0xffff, v3  }
0xe0: {  	[hbm4b:s14+s2] =	stream.linear.scatter [tilespmem:s9], [sflag:$0x2], $0x4000, $0x38;
	[tilespmem:$0x8200] =	vst v63  }
0xe1: {  	v4 =	vld [tilespmem:$0x60];
	_ =	swait.ge [sflag:s10], $0x4000  }
0xe2: {  	[sflag:s10] =	ssyncset.done $0x0  }
0xe3: {  	[sflag:s10] =	ssyncadd.s32 $0xFFFFC000  }
0xe4: {  	v5 =	vld [tilespmem:$0x40];
	_ =	sdelay $0x4  }
0xe5: {  	v41 =	vshll.u32 v5, $0x3  }
0xe6: {  	v42 =	vshll.u32 v4, $0x3;
	v5 =	vand.u32 $0x7F, v5;
	v6 =	vand.u32 $0xFFFFFC00, v41  }
0xe7: {  	v4 =	vand.u32 $0x7F, v4;
	v43 =	vand.u32 $0xFFFFFC00, v42;
	v5 =	vor.u32 v5, v6  }
0xe8: {  	v4 =	vor.u32 v4, v43;
	v5 =	vadd.s32 v2, v5  }
0xe9: {  	v4 =	vadd.s32 v2, v4;
	_ =	sdelay $0x3  }
0xea: {  	[tilespmem:v5+s8+$0x0] =	vst.idx.msk $0xffff, v0  }
0xeb: {  	s15 =	rddreg [dreg:$0xa];
	[tilespmem:v4+s8+$0x0] =	vst.idx.msk $0xffff, v3  }
0xec: {  	[hbm4b:s15+s2] =	stream.linear.scatter [tilespmem:s8], [sflag:$0x1], $0x4000, $0x38;
	[tilespmem:$0x8200] =	vst v63  }
0xed: {  	v4 =	vld [tilespmem:$0x70];
	_ =	swait.ge [sflag:s11], $0x4000  }
0xee: {  	[sflag:s11] =	ssyncset.done $0x0  }
0xef: {  	[sflag:s11] =	ssyncadd.s32 $0xFFFFC000  }
0xf0: {  	v5 =	vld [tilespmem:$0x50];
	_ =	sdelay $0x4  }
0xf1: {  	v44 =	vshll.u32 v5, $0x3  }
0xf2: {  	v45 =	vshll.u32 v4, $0x3;
	v5 =	vand.u32 $0x7F, v5;
	v6 =	vand.u32 $0xFFFFFC00, v44  }
0xf3: {  	v4 =	vand.u32 $0x7F, v4;
	v46 =	vand.u32 $0xFFFFFC00, v45;
	v5 =	vor.u32 v5, v6  }
0xf4: {  	v4 =	vor.u32 v4, v46;
	v5 =	vadd.s32 v2, v5  }
0xf5: {  	v4 =	vadd.s32 v2, v4;
	_ =	sdelay $0x3  }
0xf6: {  	[tilespmem:v5+s9+$0x0] =	vst.idx.msk $0xffff, v0  }
0xf7: {  	s16 =	rddreg [dreg:$0xb];
	[tilespmem:v4+s9+$0x0] =	vst.idx.msk $0xffff, v3  }
0xf8: {  	[hbm4b:s16+s2] =	stream.linear.scatter [tilespmem:s9], [sflag:$0x2], $0x4000, $0x38;
	[tilespmem:$0x8200] =	vst v63  }
0xf9: {  	v4 =	vld [tilespmem:$0x80];
	_ =	swait.ge [sflag:s10], $0x4000  }
0xfa: {  	[sflag:s10] =	ssyncset.done $0x0  }
0xfb: {  	[sflag:s10] =	ssyncadd.s32 $0xFFFFC000  }
0xfc: {  	v5 =	vld [tilespmem:$0x60];
	_ =	sdelay $0x4  }
0xfd: {  	v47 =	vshll.u32 v5, $0x3  }
0xfe: {  	v48 =	vshll.u32 v4, $0x3;
	v5 =	vand.u32 $0x7F, v5;
	v6 =	vand.u32 $0xFFFFFC00, v47  }
0xff: {  	v4 =	vand.u32 $0x7F, v4;
	v49 =	vand.u32 $0xFFFFFC00, v48;
	v5 =	vor.u32 v5, v6  }
0x100: {  	v4 =	vor.u32 v4, v49;
	v5 =	vadd.s32 v2, v5  }
0x101: {  	v4 =	vadd.s32 v2, v4;
	_ =	sdelay $0x3  }
0x102: {  	[tilespmem:v5+s8+$0x0] =	vst.idx.msk $0xffff, v0  }
0x103: {  	s17 =	rddreg [dreg:$0xc];
	[tilespmem:v4+s8+$0x0] =	vst.idx.msk $0xffff, v3  }
0x104: {  	[hbm4b:s17+s2] =	stream.linear.scatter [tilespmem:s8], [sflag:$0x1], $0x4000, $0x38;
	[tilespmem:$0x8200] =	vst v63  }
0x105: {  	v4 =	vld [tilespmem:$0x90];
	_ =	swait.ge [sflag:s11], $0x4000  }
0x106: {  	[sflag:s11] =	ssyncset.done $0x0  }
0x107: {  	[sflag:s11] =	ssyncadd.s32 $0xFFFFC000  }
0x108: {  	v5 =	vld [tilespmem:$0x70];
	_ =	sdelay $0x4  }
0x109: {  	v50 =	vshll.u32 v5, $0x3  }
0x10a: {  	v51 =	vshll.u32 v4, $0x3;
	v5 =	vand.u32 $0x7F, v5;
	v6 =	vand.u32 $0xFFFFFC00, v50  }
0x10b: {  	v4 =	vand.u32 $0x7F, v4;
	v52 =	vand.u32 $0xFFFFFC00, v51;
	v5 =	vor.u32 v5, v6  }
0x10c: {  	v4 =	vor.u32 v4, v52;
	v5 =	vadd.s32 v2, v5  }
0x10d: {  	v4 =	vadd.s32 v2, v4;
	_ =	sdelay $0x3  }
0x10e: {  	[tilespmem:v5+s9+$0x0] =	vst.idx.msk $0xffff, v0  }
0x10f: {  	s18 =	rddreg [dreg:$0xd];
	[tilespmem:v4+s9+$0x0] =	vst.idx.msk $0xffff, v3  }
0x110: {  	[hbm4b:s18+s2] =	stream.linear.scatter [tilespmem:s9], [sflag:$0x2], $0x4000, $0x38;
	[tilespmem:$0x8200] =	vst v63  }
0x111: {  	v4 =	vld [tilespmem:$0xA0];
	_ =	swait.ge [sflag:s10], $0x4000  }
0x112: {  	[sflag:s10] =	ssyncset.done $0x0  }
0x113: {  	[sflag:s10] =	ssyncadd.s32 $0xFFFFC000  }
0x114: {  	v5 =	vld [tilespmem:$0x80];
	_ =	sdelay $0x4  }
0x115: {  	v53 =	vshll.u32 v5, $0x3  }
0x116: {  	v54 =	vshll.u32 v4, $0x3;
	v5 =	vand.u32 $0x7F, v5;
	v6 =	vand.u32 $0xFFFFFC00, v53  }
0x117: {  	v4 =	vand.u32 $0x7F, v4;
	v55 =	vand.u32 $0xFFFFFC00, v54;
	v5 =	vor.u32 v5, v6  }
0x118: {  	v4 =	vor.u32 v4, v55;
	v5 =	vadd.s32 v2, v5  }
0x119: {  	v4 =	vadd.s32 v2, v4;
	_ =	sdelay $0x3  }
0x11a: {  	[tilespmem:v5+s8+$0x0] =	vst.idx.msk $0xffff, v0  }
0x11b: {  	s14 =	rddreg [dreg:$0xe];
	[tilespmem:v4+s8+$0x0] =	vst.idx.msk $0xffff, v3  }
0x11c: {  	[hbm4b:s14+s2] =	stream.linear.scatter [tilespmem:s8], [sflag:$0x1], $0x4000, $0x38;
	[tilespmem:$0x8200] =	vst v63  }
0x11d: {  	v4 =	vld [tilespmem:$0xB0];
	_ =	swait.ge [sflag:s11], $0x4000  }
0x11e: {  	[sflag:s11] =	ssyncset.done $0x0  }
0x11f: {  	[sflag:s11] =	ssyncadd.s32 $0xFFFFC000  }
0x120: {  	v5 =	vld [tilespmem:$0x90];
	_ =	sdelay $0x4  }
0x121: {  	v56 =	vshll.u32 v5, $0x3  }
0x122: {  	v57 =	vshll.u32 v4, $0x3;
	v5 =	vand.u32 $0x7F, v5;
	v6 =	vand.u32 $0xFFFFFC00, v56  }
0x123: {  	v4 =	vand.u32 $0x7F, v4;
	v58 =	vand.u32 $0xFFFFFC00, v57;
	v5 =	vor.u32 v5, v6  }
0x124: {  	v4 =	vor.u32 v4, v58;
	v5 =	vadd.s32 v2, v5  }
0x125: {  	v4 =	vadd.s32 v2, v4;
	_ =	sdelay $0x3  }
0x126: {  	[tilespmem:v5+s9+$0x0] =	vst.idx.msk $0xffff, v0  }
0x127: {  	s15 =	rddreg [dreg:$0xf];
	[tilespmem:v4+s9+$0x0] =	vst.idx.msk $0xffff, v3  }
0x128: {  	[hbm4b:s15+s2] =	stream.linear.scatter [tilespmem:s9], [sflag:$0x2], $0x4000, $0x38;
	[tilespmem:$0x8200] =	vst v63  }
0x129: {  	v4 =	vld [tilespmem:$0xC0];
	_ =	swait.ge [sflag:s10], $0x4000  }
0x12a: {  	[sflag:s10] =	ssyncset.done $0x0  }
0x12b: {  	[sflag:s10] =	ssyncadd.s32 $0xFFFFC000  }
0x12c: {  	v5 =	vld [tilespmem:$0xA0];
	_ =	sdelay $0x4  }
0x12d: {  	v59 =	vshll.u32 v5, $0x3  }
0x12e: {  	v60 =	vshll.u32 v4, $0x3;
	v5 =	vand.u32 $0x7F, v5;
	v6 =	vand.u32 $0xFFFFFC00, v59  }
0x12f: {  	v4 =	vand.u32 $0x7F, v4;
	v61 =	vand.u32 $0xFFFFFC00, v60;
	v5 =	vor.u32 v5, v6  }
0x130: {  	v4 =	vor.u32 v4, v61;
	v5 =	vadd.s32 v2, v5  }
0x131: {  	v4 =	vadd.s32 v2, v4;
	_ =	sdelay $0x3  }
0x132: {  	[tilespmem:v5+s8+$0x0] =	vst.idx.msk $0xffff, v0  }
0x133: {  	s16 =	rddreg [dreg:$0x10];
	[tilespmem:v4+s8+$0x0] =	vst.idx.msk $0xffff, v3  }
0x134: {  	[hbm4b:s16+s2] =	stream.linear.scatter [tilespmem:s8], [sflag:$0x1], $0x4000, $0x38;
	[tilespmem:$0x8200] =	vst v63  }
0x135: {  	v4 =	vld [tilespmem:$0xD0];
	_ =	swait.ge [sflag:s11], $0x4000  }
0x136: {  	[sflag:s11] =	ssyncset.done $0x0  }
0x137: {  	[sflag:s11] =	ssyncadd.s32 $0xFFFFC000  }
0x138: {  	v5 =	vld [tilespmem:$0xB0];
	_ =	sdelay $0x4  }
0x139: {  	v62 =	vshll.u32 v5, $0x3  }
0x13a: {  	v63 =	vshll.u32 v4, $0x3;
	v5 =	vand.u32 $0x7F, v5;
	v6 =	vand.u32 $0xFFFFFC00, v62  }
0x13b: {  	v4 =	vand.u32 $0x7F, v4;
	v9 =	vand.u32 $0xFFFFFC00, v63;
	v5 =	vor.u32 v5, v6  }
0x13c: {  	v4 =	vor.u32 v4, v9;
	v5 =	vadd.s32 v2, v5  }
0x13d: {  	v4 =	vadd.s32 v2, v4;
	_ =	sdelay $0x3  }
0x13e: {  	[tilespmem:v5+s9+$0x0] =	vst.idx.msk $0xffff, v0  }
0x13f: {  	s17 =	rddreg [dreg:$0x11];
	[tilespmem:v4+s9+$0x0] =	vst.idx.msk $0xffff, v3  }
0x140: {  	[hbm4b:s17+s2] =	stream.linear.scatter [tilespmem:s9], [sflag:$0x2], $0x4000, $0x38;
	[tilespmem:$0x8200] =	vst v63  }
0x141: {  	v4 =	vld [tilespmem:$0xE0];
	_ =	swait.ge [sflag:s10], $0x4000  }
0x142: {  	[sflag:s10] =	ssyncset.done $0x0  }
0x143: {  	[sflag:s10] =	ssyncadd.s32 $0xFFFFC000  }
0x144: {  	v5 =	vld [tilespmem:$0xC0];
	_ =	sdelay $0x4  }
0x145: {  	v10 =	vshll.u32 v5, $0x3  }
0x146: {  	v11 =	vshll.u32 v4, $0x3;
	v5 =	vand.u32 $0x7F, v5;
	v6 =	vand.u32 $0xFFFFFC00, v10  }
0x147: {  	v4 =	vand.u32 $0x7F, v4;
	v12 =	vand.u32 $0xFFFFFC00, v11;
	v5 =	vor.u32 v5, v6  }
0x148: {  	v4 =	vor.u32 v4, v12;
	v5 =	vadd.s32 v2, v5  }
0x149: {  	v4 =	vadd.s32 v2, v4;
	_ =	sdelay $0x3  }
0x14a: {  	[tilespmem:v5+s8+$0x0] =	vst.idx.msk $0xffff, v0  }
0x14b: {  	s18 =	rddreg [dreg:$0x12];
	[tilespmem:v4+s8+$0x0] =	vst.idx.msk $0xffff, v3  }
0x14c: {  	[hbm4b:s18+s2] =	stream.linear.scatter [tilespmem:s8], [sflag:$0x1], $0x4000, $0x38;
	[tilespmem:$0x8200] =	vst v63  }
0x14d: {  	v4 =	vld [tilespmem:$0xF0];
	_ =	swait.ge [sflag:s11], $0x4000  }
0x14e: {  	[sflag:s11] =	ssyncset.done $0x0  }
0x14f: {  	[sflag:s11] =	ssyncadd.s32 $0xFFFFC000  }
0x150: {  	v5 =	vld [tilespmem:$0xD0];
	_ =	sdelay $0x4  }
0x151: {  	v13 =	vshll.u32 v5, $0x3  }
0x152: {  	v14 =	vshll.u32 v4, $0x3;
	v5 =	vand.u32 $0x7F, v5;
	v6 =	vand.u32 $0xFFFFFC00, v13  }
0x153: {  	v4 =	vand.u32 $0x7F, v4;
	v15 =	vand.u32 $0xFFFFFC00, v14;
	v5 =	vor.u32 v5, v6  }
0x154: {  	v4 =	vor.u32 v4, v15;
	v5 =	vadd.s32 v2, v5  }
0x155: {  	v4 =	vadd.s32 v2, v4;
	_ =	sdelay $0x3  }
0x156: {  	[tilespmem:v5+s9+$0x0] =	vst.idx.msk $0xffff, v0  }
0x157: {  	[tilespmem:v4+s9+$0x0] =	vst.idx.msk $0xffff, v3  }
0x158: {  	[hbm4b:s19+s2] =	stream.linear.scatter [tilespmem:s9], [sflag:$0x2], $0x4000, $0x38;
	[tilespmem:$0x8200] =	vst v63  }
0x159: {  	v4 =	vld [tilespmem:$0x100];
	_ =	swait.ge [sflag:s10], $0x4000  }
0x15a: {  	[sflag:s10] =	ssyncset.done $0x0  }
0x15b: {  	[sflag:s10] =	ssyncadd.s32 $0xFFFFC000  }
0x15c: {  	v5 =	vld [tilespmem:$0xE0];
	_ =	sdelay $0x4  }
0x15d: {  	v16 =	vshll.u32 v5, $0x3  }
0x15e: {  	v17 =	vshll.u32 v4, $0x3;
	v5 =	vand.u32 $0x7F, v5;
	v6 =	vand.u32 $0xFFFFFC00, v16  }
0x15f: {  	v4 =	vand.u32 $0x7F, v4;
	v18 =	vand.u32 $0xFFFFFC00, v17;
	v5 =	vor.u32 v5, v6  }
0x160: {  	v4 =	vor.u32 v4, v18;
	v5 =	vadd.s32 v2, v5  }
0x161: {  	v4 =	vadd.s32 v2, v4;
	_ =	sdelay $0x3  }
0x162: {  	[tilespmem:v5+s8+$0x0] =	vst.idx.msk $0xffff, v0  }
0x163: {  	[tilespmem:v4+s8+$0x0] =	vst.idx.msk $0xffff, v3  }
0x164: {  	[hbm4b:s20+s2] =	stream.linear.scatter [tilespmem:s8], [sflag:$0x1], $0x4000, $0x38;
	[tilespmem:$0x8200] =	vst v63  }
0x165: {  	v4 =	vld [tilespmem:$0x110];
	_ =	swait.ge [sflag:s11], $0x4000  }
0x166: {  	[sflag:s11] =	ssyncset.done $0x0  }
0x167: {  	[sflag:s11] =	ssyncadd.s32 $0xFFFFC000  }
0x168: {  	v5 =	vld [tilespmem:$0xF0];
	_ =	sdelay $0x4  }
0x169: {  	v19 =	vshll.u32 v5, $0x3  }
0x16a: {  	v20 =	vshll.u32 v4, $0x3;
	v5 =	vand.u32 $0x7F, v5;
	v6 =	vand.u32 $0xFFFFFC00, v19  }
0x16b: {  	v4 =	vand.u32 $0x7F, v4;
	v21 =	vand.u32 $0xFFFFFC00, v20;
	v5 =	vor.u32 v5, v6  }
0x16c: {  	v4 =	vor.u32 v4, v21;
	v5 =	vadd.s32 v2, v5  }
0x16d: {  	v4 =	vadd.s32 v2, v4;
	_ =	sdelay $0x3  }
0x16e: {  	[tilespmem:v5+s9+$0x0] =	vst.idx.msk $0xffff, v0  }
0x16f: {  	[tilespmem:v4+s9+$0x0] =	vst.idx.msk $0xffff, v3  }
0x170: {  	[hbm4b:s21+s2] =	stream.linear.scatter [tilespmem:s9], [sflag:$0x2], $0x4000, $0x38;
	[tilespmem:$0x8200] =	vst v63  }
0x171: {  	v4 =	vld [tilespmem:$0x120];
	_ =	swait.ge [sflag:s10], $0x4000  }
0x172: {  	[sflag:s10] =	ssyncset.done $0x0  }
0x173: {  	[sflag:s10] =	ssyncadd.s32 $0xFFFFC000  }
0x174: {  	v5 =	vld [tilespmem:$0x100];
	_ =	sdelay $0x4  }
0x175: {  	v22 =	vshll.u32 v5, $0x3  }
0x176: {  	v23 =	vshll.u32 v4, $0x3;
	v5 =	vand.u32 $0x7F, v5;
	v6 =	vand.u32 $0xFFFFFC00, v22  }
0x177: {  	v4 =	vand.u32 $0x7F, v4;
	v24 =	vand.u32 $0xFFFFFC00, v23;
	v5 =	vor.u32 v5, v6  }
0x178: {  	v4 =	vor.u32 v4, v24;
	v5 =	vadd.s32 v2, v5  }
0x179: {  	v4 =	vadd.s32 v2, v4;
	_ =	sdelay $0x3  }
0x17a: {  	[tilespmem:v5+s8+$0x0] =	vst.idx.msk $0xffff, v0  }
0x17b: {  	[tilespmem:v4+s8+$0x0] =	vst.idx.msk $0xffff, v3  }
0x17c: {  	[hbm4b:s22+s2] =	stream.linear.scatter [tilespmem:s8], [sflag:$0x1], $0x4000, $0x38;
	[tilespmem:$0x8200] =	vst v63  }
0x17d: {  	v4 =	vld [tilespmem:$0x130];
	_ =	swait.ge [sflag:s11], $0x4000  }
0x17e: {  	[sflag:s11] =	ssyncset.done $0x0  }
0x17f: {  	[sflag:s11] =	ssyncadd.s32 $0xFFFFC000  }
0x180: {  	v5 =	vld [tilespmem:$0x110];
	_ =	sdelay $0x4  }
0x181: {  	v25 =	vshll.u32 v5, $0x3  }
0x182: {  	v26 =	vshll.u32 v4, $0x3;
	v5 =	vand.u32 $0x7F, v5;
	v6 =	vand.u32 $0xFFFFFC00, v25  }
0x183: {  	v4 =	vand.u32 $0x7F, v4;
	v27 =	vand.u32 $0xFFFFFC00, v26;
	v5 =	vor.u32 v5, v6  }
0x184: {  	v4 =	vor.u32 v4, v27;
	v5 =	vadd.s32 v2, v5  }
0x185: {  	v4 =	vadd.s32 v2, v4;
	_ =	sdelay $0x3  }
0x186: {  	[tilespmem:v5+s9+$0x0] =	vst.idx.msk $0xffff, v0  }
0x187: {  	[tilespmem:v4+s9+$0x0] =	vst.idx.msk $0xffff, v3  }
0x188: {  	[hbm4b:s23+s2] =	stream.linear.scatter [tilespmem:s9], [sflag:$0x2], $0x4000, $0x38;
	[tilespmem:$0x8200] =	vst v63  }
0x189: {  	v4 =	vld [tilespmem:$0x140];
	_ =	swait.ge [sflag:s10], $0x4000  }
0x18a: {  	[sflag:s10] =	ssyncset.done $0x0  }
0x18b: {  	[sflag:s10] =	ssyncadd.s32 $0xFFFFC000  }
0x18c: {  	v5 =	vld [tilespmem:$0x120];
	_ =	sdelay $0x4  }
0x18d: {  	v28 =	vshll.u32 v5, $0x3  }
0x18e: {  	v29 =	vshll.u32 v4, $0x3;
	v5 =	vand.u32 $0x7F, v5;
	v6 =	vand.u32 $0xFFFFFC00, v28  }
0x18f: {  	v4 =	vand.u32 $0x7F, v4;
	v30 =	vand.u32 $0xFFFFFC00, v29;
	v5 =	vor.u32 v5, v6  }
0x190: {  	v4 =	vor.u32 v4, v30;
	v5 =	vadd.s32 v2, v5  }
0x191: {  	v4 =	vadd.s32 v2, v4;
	_ =	sdelay $0x3  }
0x192: {  	[tilespmem:v5+s8+$0x0] =	vst.idx.msk $0xffff, v0  }
0x193: {  	[tilespmem:v4+s8+$0x0] =	vst.idx.msk $0xffff, v3  }
0x194: {  	[hbm4b:s24+s2] =	stream.linear.scatter [tilespmem:s8], [sflag:$0x1], $0x4000, $0x38;
	[tilespmem:$0x8200] =	vst v63  }
0x195: {  	v4 =	vld [tilespmem:$0x150];
	_ =	swait.ge [sflag:s11], $0x4000  }
0x196: {  	[sflag:s11] =	ssyncset.done $0x0  }
0x197: {  	[sflag:s11] =	ssyncadd.s32 $0xFFFFC000  }
0x198: {  	v5 =	vld [tilespmem:$0x130];
	_ =	sdelay $0x4  }
0x199: {  	v31 =	vshll.u32 v5, $0x3  }
0x19a: {  	v32 =	vshll.u32 v4, $0x3;
	v5 =	vand.u32 $0x7F, v5;
	v6 =	vand.u32 $0xFFFFFC00, v31  }
0x19b: {  	v4 =	vand.u32 $0x7F, v4;
	v33 =	vand.u32 $0xFFFFFC00, v32;
	v5 =	vor.u32 v5, v6  }
0x19c: {  	v4 =	vor.u32 v4, v33;
	v5 =	vadd.s32 v2, v5  }
0x19d: {  	v4 =	vadd.s32 v2, v4;
	_ =	sdelay $0x3  }
0x19e: {  	[tilespmem:v5+s9+$0x0] =	vst.idx.msk $0xffff, v0  }
0x19f: {  	[tilespmem:v4+s9+$0x0] =	vst.idx.msk $0xffff, v3  }
0x1a0: {  	[hbm4b:s25+s2] =	stream.linear.scatter [tilespmem:s9], [sflag:$0x2], $0x4000, $0x38;
	[tilespmem:$0x8200] =	vst v63  }
0x1a1: {  	v4 =	vld [tilespmem:$0x160];
	_ =	swait.ge [sflag:s10], $0x4000  }
0x1a2: {  	[sflag:s10] =	ssyncset.done $0x0  }
0x1a3: {  	[sflag:s10] =	ssyncadd.s32 $0xFFFFC000  }
0x1a4: {  	v5 =	vld [tilespmem:$0x140];
	_ =	sdelay $0x4  }
0x1a5: {  	v34 =	vshll.u32 v5, $0x3  }
0x1a6: {  	v35 =	vshll.u32 v4, $0x3;
	v5 =	vand.u32 $0x7F, v5;
	v6 =	vand.u32 $0xFFFFFC00, v34  }
0x1a7: {  	v4 =	vand.u32 $0x7F, v4;
	v36 =	vand.u32 $0xFFFFFC00, v35;
	v5 =	vor.u32 v5, v6  }
0x1a8: {  	v4 =	vor.u32 v4, v36;
	v5 =	vadd.s32 v2, v5  }
0x1a9: {  	v4 =	vadd.s32 v2, v4;
	_ =	sdelay $0x3  }
0x1aa: {  	[tilespmem:v5+s8+$0x0] =	vst.idx.msk $0xffff, v0  }
0x1ab: {  	[tilespmem:v4+s8+$0x0] =	vst.idx.msk $0xffff, v3  }
0x1ac: {  	[hbm4b:s26+s2] =	stream.linear.scatter [tilespmem:s8], [sflag:$0x1], $0x4000, $0x38;
	[tilespmem:$0x8200] =	vst v63  }
0x1ad: {  	v4 =	vld [tilespmem:$0x170];
	_ =	swait.ge [sflag:s11], $0x4000  }
0x1ae: {  	[sflag:s11] =	ssyncset.done $0x0  }
0x1af: {  	[sflag:s11] =	ssyncadd.s32 $0xFFFFC000  }
0x1b0: {  	v5 =	vld [tilespmem:$0x150];
	_ =	sdelay $0x4  }
0x1b1: {  	v37 =	vshll.u32 v5, $0x3  }
0x1b2: {  	v38 =	vshll.u32 v4, $0x3;
	v5 =	vand.u32 $0x7F, v5;
	v6 =	vand.u32 $0xFFFFFC00, v37  }
0x1b3: {  	v4 =	vand.u32 $0x7F, v4;
	v39 =	vand.u32 $0xFFFFFC00, v38;
	v5 =	vor.u32 v5, v6  }
0x1b4: {  	v4 =	vor.u32 v4, v39;
	v5 =	vadd.s32 v2, v5  }
0x1b5: {  	v4 =	vadd.s32 v2, v4;
	_ =	sdelay $0x3  }
0x1b6: {  	[tilespmem:v5+s9+$0x0] =	vst.idx.msk $0xffff, v0  }
0x1b7: {  	[tilespmem:v4+s9+$0x0] =	vst.idx.msk $0xffff, v3  }
0x1b8: {  	[hbm4b:s28+s2] =	stream.linear.scatter [tilespmem:s9], [sflag:$0x2], $0x4000, $0x38;
	[tilespmem:$0x8200] =	vst v63  }
0x1b9: {  	v4 =	vld [tilespmem:$0x180];
	_ =	swait.ge [sflag:s10], $0x4000  }
0x1ba: {  	[sflag:s10] =	ssyncset.done $0x0  }
0x1bb: {  	[sflag:s10] =	ssyncadd.s32 $0xFFFFC000  }
0x1bc: {  	v5 =	vld [tilespmem:$0x160];
	_ =	sdelay $0x4  }
0x1bd: {  	v40 =	vshll.u32 v5, $0x3  }
0x1be: {  	v41 =	vshll.u32 v4, $0x3;
	v5 =	vand.u32 $0x7F, v5;
	v6 =	vand.u32 $0xFFFFFC00, v40  }
0x1bf: {  	v4 =	vand.u32 $0x7F, v4;
	v42 =	vand.u32 $0xFFFFFC00, v41;
	v5 =	vor.u32 v5, v6  }
0x1c0: {  	v4 =	vor.u32 v4, v42;
	v5 =	vadd.s32 v2, v5  }
0x1c1: {  	v4 =	vadd.s32 v2, v4;
	_ =	sdelay $0x3  }
0x1c2: {  	[tilespmem:v5+s8+$0x0] =	vst.idx.msk $0xffff, v0  }
0x1c3: {  	[tilespmem:v4+s8+$0x0] =	vst.idx.msk $0xffff, v3  }
0x1c4: {  	[hbm4b:s29+s2] =	stream.linear.scatter [tilespmem:s8], [sflag:$0x1], $0x4000, $0x38;
	[tilespmem:$0x8200] =	vst v63  }
0x1c5: {  	v4 =	vld [tilespmem:$0x190];
	_ =	swait.ge [sflag:s11], $0x4000  }
0x1c6: {  	[sflag:s11] =	ssyncset.done $0x0  }
0x1c7: {  	[sflag:s11] =	ssyncadd.s32 $0xFFFFC000  }
0x1c8: {  	v5 =	vld [tilespmem:$0x170];
	_ =	sdelay $0x4  }
0x1c9: {  	v43 =	vshll.u32 v5, $0x3  }
0x1ca: {  	v44 =	vshll.u32 v4, $0x3;
	v5 =	vand.u32 $0x7F, v5;
	v6 =	vand.u32 $0xFFFFFC00, v43  }
0x1cb: {  	v4 =	vand.u32 $0x7F, v4;
	v45 =	vand.u32 $0xFFFFFC00, v44;
	v5 =	vor.u32 v5, v6  }
0x1cc: {  	v4 =	vor.u32 v4, v45;
	v5 =	vadd.s32 v2, v5  }
0x1cd: {  	v4 =	vadd.s32 v2, v4;
	_ =	sdelay $0x3  }
0x1ce: {  	[tilespmem:v5+s9+$0x0] =	vst.idx.msk $0xffff, v0  }
0x1cf: {  	[tilespmem:v4+s9+$0x0] =	vst.idx.msk $0xffff, v3  }
0x1d0: {  	[hbm4b:s30+s2] =	stream.linear.scatter [tilespmem:s9], [sflag:$0x2], $0x4000, $0x38;
	[tilespmem:$0x8200] =	vst v63  }
0x1d1: {  	v4 =	vld [tilespmem:$0x1A0];
	_ =	swait.ge [sflag:s10], $0x4000  }
0x1d2: {  	[sflag:s10] =	ssyncset.done $0x0  }
0x1d3: {  	[sflag:s10] =	ssyncadd.s32 $0xFFFFC000  }
0x1d4: {  	v5 =	vld [tilespmem:$0x180];
	_ =	sdelay $0x4  }
0x1d5: {  	v46 =	vshll.u32 v5, $0x3  }
0x1d6: {  	v47 =	vshll.u32 v4, $0x3;
	v5 =	vand.u32 $0x7F, v5;
	v6 =	vand.u32 $0xFFFFFC00, v46  }
0x1d7: {  	v4 =	vand.u32 $0x7F, v4;
	v48 =	vand.u32 $0xFFFFFC00, v47;
	v5 =	vor.u32 v5, v6  }
0x1d8: {  	v4 =	vor.u32 v4, v48;
	v5 =	vadd.s32 v2, v5  }
0x1d9: {  	v4 =	vadd.s32 v2, v4;
	_ =	sdelay $0x3  }
0x1da: {  	[tilespmem:v5+s8+$0x0] =	vst.idx.msk $0xffff, v0  }
0x1db: {  	[tilespmem:v4+s8+$0x0] =	vst.idx.msk $0xffff, v3  }
0x1dc: {  	[hbm4b:s31+s2] =	stream.linear.scatter [tilespmem:s8], [sflag:$0x1], $0x4000, $0x38;
	[tilespmem:$0x8200] =	vst v63  }
0x1dd: {  	v4 =	vld [tilespmem:$0x1B0];
	_ =	swait.ge [sflag:s11], $0x4000  }
0x1de: {  	[sflag:s11] =	ssyncset.done $0x0  }
0x1df: {  	[sflag:s11] =	ssyncadd.s32 $0xFFFFC000  }
0x1e0: {  	v5 =	vld [tilespmem:$0x190];
	_ =	sdelay $0x4  }
0x1e1: {  	v49 =	vshll.u32 v5, $0x3  }
0x1e2: {  	v50 =	vshll.u32 v4, $0x3;
	v5 =	vand.u32 $0x7F, v5;
	v6 =	vand.u32 $0xFFFFFC00, v49  }
0x1e3: {  	v4 =	vand.u32 $0x7F, v4;
	v51 =	vand.u32 $0xFFFFFC00, v50;
	v5 =	vor.u32 v5, v6  }
0x1e4: {  	v4 =	vor.u32 v4, v51;
	v5 =	vadd.s32 v2, v5  }
0x1e5: {  	v4 =	vadd.s32 v2, v4;
	_ =	sdelay $0x3  }
0x1e6: {  	[tilespmem:v5+s9+$0x0] =	vst.idx.msk $0xffff, v0  }
0x1e7: {  	[tilespmem:v4+s9+$0x0] =	vst.idx.msk $0xffff, v3  }
0x1e8: {  	[hbm4b:s0+s2] =	stream.linear.scatter [tilespmem:s9], [sflag:$0x2], $0x4000, $0x38;
	[tilespmem:$0x8200] =	vst v63  }
0x1e9: {  	v4 =	vld [tilespmem:$0x1C0];
	_ =	swait.ge [sflag:s10], $0x4000  }
0x1ea: {  	[sflag:s10] =	ssyncset.done $0x0  }
0x1eb: {  	[sflag:s10] =	ssyncadd.s32 $0xFFFFC000  }
0x1ec: {  	v5 =	vld [tilespmem:$0x1A0];
	_ =	sdelay $0x4  }
0x1ed: {  	v52 =	vshll.u32 v5, $0x3  }
0x1ee: {  	v53 =	vshll.u32 v4, $0x3;
	v5 =	vand.u32 $0x7F, v5;
	v6 =	vand.u32 $0xFFFFFC00, v52  }
0x1ef: {  	v4 =	vand.u32 $0x7F, v4;
	v54 =	vand.u32 $0xFFFFFC00, v53;
	v5 =	vor.u32 v5, v6  }
0x1f0: {  	v4 =	vor.u32 v4, v54;
	v5 =	vadd.s32 v2, v5  }
0x1f1: {  	v4 =	vadd.s32 v2, v4;
	_ =	sdelay $0x3  }
0x1f2: {  	[tilespmem:v5+s8+$0x0] =	vst.idx.msk $0xffff, v0  }
0x1f3: {  	[tilespmem:v4+s8+$0x0] =	vst.idx.msk $0xffff, v3  }
0x1f4: {  	[hbm4b:s1+s2] =	stream.linear.scatter [tilespmem:s8], [sflag:$0x1], $0x4000, $0x38;
	[tilespmem:$0x8200] =	vst v63  }
0x1f5: {  	v4 =	vld [tilespmem:$0x1D0];
	_ =	swait.ge [sflag:s11], $0x4000  }
0x1f6: {  	[sflag:s11] =	ssyncset.done $0x0  }
0x1f7: {  	[sflag:s11] =	ssyncadd.s32 $0xFFFFC000  }
0x1f8: {  	v5 =	vld [tilespmem:$0x1B0];
	_ =	sdelay $0x4  }
0x1f9: {  	v55 =	vshll.u32 v5, $0x3  }
0x1fa: {  	v56 =	vshll.u32 v4, $0x3;
	v5 =	vand.u32 $0x7F, v5;
	v6 =	vand.u32 $0xFFFFFC00, v55  }
0x1fb: {  	v4 =	vand.u32 $0x7F, v4;
	v57 =	vand.u32 $0xFFFFFC00, v56;
	v5 =	vor.u32 v5, v6  }
0x1fc: {  	v4 =	vor.u32 v4, v57;
	v5 =	vadd.s32 v2, v5  }
0x1fd: {  	v4 =	vadd.s32 v2, v4;
	_ =	sdelay $0x3  }
0x1fe: {  	[tilespmem:v5+s9+$0x0] =	vst.idx.msk $0xffff, v0  }
0x1ff: {  	[tilespmem:v4+s9+$0x0] =	vst.idx.msk $0xffff, v3  }
0x200: {  	[hbm4b:s3+s2] =	stream.linear.scatter [tilespmem:s9], [sflag:$0x2], $0x4000, $0x38;
	[tilespmem:$0x8200] =	vst v63  }
0x201: {  	v4 =	vld [tilespmem:$0x1E0];
	_ =	swait.ge [sflag:s10], $0x4000  }
0x202: {  	[sflag:s10] =	ssyncset.done $0x0  }
0x203: {  	[sflag:s10] =	ssyncadd.s32 $0xFFFFC000  }
0x204: {  	v5 =	vld [tilespmem:$0x1C0];
	_ =	sdelay $0x4  }
0x205: {  	v58 =	vshll.u32 v5, $0x3  }
0x206: {  	v59 =	vshll.u32 v4, $0x3;
	v5 =	vand.u32 $0x7F, v5;
	v6 =	vand.u32 $0xFFFFFC00, v58  }
0x207: {  	v4 =	vand.u32 $0x7F, v4;
	v60 =	vand.u32 $0xFFFFFC00, v59;
	v5 =	vor.u32 v5, v6  }
0x208: {  	v4 =	vor.u32 v4, v60;
	v5 =	vadd.s32 v2, v5  }
0x209: {  	v4 =	vadd.s32 v2, v4;
	_ =	sdelay $0x3  }
0x20a: {  	[tilespmem:v5+s8+$0x0] =	vst.idx.msk $0xffff, v0  }
0x20b: {  	[tilespmem:v4+s8+$0x0] =	vst.idx.msk $0xffff, v3  }
0x20c: {  	[hbm4b:s4+s2] =	stream.linear.scatter [tilespmem:s8], [sflag:$0x1], $0x4000, $0x38;
	[tilespmem:$0x8200] =	vst v63  }
0x20d: {  	v4 =	vld [tilespmem:$0x1F0];
	_ =	swait.ge [sflag:s11], $0x4000  }
0x20e: {  	[sflag:s11] =	ssyncset.done $0x0  }
0x20f: {  	[sflag:s11] =	ssyncadd.s32 $0xFFFFC000  }
0x210: {  	v5 =	vld [tilespmem:$0x1D0];
	_ =	sdelay $0x4  }
0x211: {  	v61 =	vshll.u32 v5, $0x3  }
0x212: {  	v62 =	vshll.u32 v4, $0x3;
	v5 =	vand.u32 $0x7F, v5;
	v6 =	vand.u32 $0xFFFFFC00, v61  }
0x213: {  	v4 =	vand.u32 $0x7F, v4;
	v63 =	vand.u32 $0xFFFFFC00, v62;
	v5 =	vor.u32 v5, v6  }
0x214: {  	v4 =	vor.u32 v4, v63;
	v5 =	vadd.s32 v2, v5  }
0x215: {  	v4 =	vadd.s32 v2, v4;
	_ =	sdelay $0x3  }
0x216: {  	[tilespmem:v5+s9+$0x0] =	vst.idx.msk $0xffff, v0  }
0x217: {  	s12 =	sadd.s32 $0x1, s12;
	[tilespmem:v4+s9+$0x0] =	vst.idx.msk $0xffff, v3  }
0x218: {  	[hbm4b:s5+s2] =	stream.linear.scatter [tilespmem:s9], [sflag:$0x2], $0x4000, $0x38;
	[tilespmem:$0x8200] =	vst v63  }
0x219: {  	p0 =	sne.s32 s12, s6;
	_ =	swait.ge [sflag:s10], $0x4000  }
.Ltmp2:
0x21a: {  	[sflag:s10] =	ssyncset.done $0x0;
	(pc) =	sbr.rel @p0 .LBB2_1-.Ltmp2, $4  }
0x21b: {  	[sflag:s10] =	ssyncadd.s32 $0xFFFFC000  }
0x21c: {  	_ =	swait.ge [sflag:s11], $0x4000  }
0x21d: {  	[sflag:s11] =	ssyncset.done $0x0  }
0x21e: {  	[sflag:s11] =	ssyncadd.s32 $0xFFFFC000  }
0x21f: {  	_ =	sfence.sel $0x180000  }
0x220: {  	[bflag:$0x0] =	sbarrier.arrive $0xFFFF  }
0x221: {  	_ =	strace $0x90000047  }
0x222: {  	s0 =	stileid.u32;
	[bflag:$0x2] =	sbarrier.arrive $0xFFFF  }
0x223: {  	p0 =	sne.s32 s0, $0x0;
	s0 =	rddreg [dreg:$0x2]  }
0x224: {  	s0 =	sadd.s32 @!p0 $0x100000, s0  }
0x225: {  	[sflag:s0] =	ssyncadd.tile.s32 @!p0 $0x1;
	_ =	shalt  }
.Lfunc_end2:
_tile_overlayer_lowered:
.L_overlay_start_2:
0x226: {  	(tag) =	ssettag $0x2  }
0x227: {  	s0 =	rddreg [dreg:$0x0];
	s2 =	stileid.u32  }
0x228: {  	s1 =	rddreg [dreg:$0x1];
	p0 =	sne.s32 s2, $0x0  }
0x229: {  	s3 =	rddreg [dreg:$0x2];
	[bflag:$0x3] =	sbarrier.arrive $0xFFFF;
	s2 =	simm.s32 @!p0 $0x1C03  }
0x22a: {  	[timem:s3], [sflag:s2] =	dma.local @!p0 [hbm:s0], s1  }
0x22b: {  	s0 =	simm.s32 @!p0 $0x3  }
0x22c: {  	_ =	swait.ge @!p0 [sflag:s0], s1  }
0x22d: {  	s1 =	ssub.s32 @!p0 $0x0, s1;
	[sflag:s0] =	ssyncset.done @!p0 $0x0  }
0x22e: {  	[sflag:s0] =	ssyncadd.s32 @!p0 s1  }
0x22f: {  	[bflag:$0x3] =	sbarrier.arrive $0xFFFF  }
0x230: {  	_ =	shalt  }

</sc_bundles>
